<compile_context>
chip_gen: v7x
topology: tpu7x:2x2x1
jax: 0.10.2.dev20260603
libtpu: 0.0.44.dev20260713+nightly
codegen_flags: <defaults>
</compile_context>

<pallas_src>
import functools

import jax
import jax.numpy as jnp
from jax import lax
from jax.experimental import pallas as pl
from jax.experimental.pallas import tpu as pltpu
from jax.experimental.pallas import tpu_sc as plsc

N = 10000
D = 128
E = 320000

NC = 2
NS = 16
NW = NC * NS

CHUNK = 128
U = 2
EPT0 = 15616
EPT1 = 4864
E_PAD = NS * (EPT0 + EPT1)
NCH0 = EPT0 // CHUNK
NCH1 = EPT1 // CHUNK

N_PAD = 10240
STRIPE = N_PAD // NS
DUMMY = N

_mesh = plsc.VectorSubcoreMesh(
    core_axis_name="c", subcore_axis_name="s", num_cores=NC, num_subcores=NS)


DCH = 128
DEPT = 10240
DE_PAD = NW * DEPT
DNCH = DEPT // DCH
DNPAD = 10240
DSTRIPE = DNPAD // NS


@functools.partial(
    pl.kernel,
    out_type=jax.ShapeDtypeStruct((NC * DNPAD, 16), jnp.float32),
    mesh=_mesh,
    scratch_types=[
        pltpu.VMEM((DCH,), jnp.int32),
        pltpu.VMEM((DCH, 16), jnp.float32),
        pltpu.VMEM((DCH, 16), jnp.float32),
        pltpu.VMEM_SHARED((DNPAD, 16), jnp.float32),
    ],
)
def _deg_kernel(dst_hbm, out_hbm, didx, ones, zbuf, accum):
    c = lax.axis_index("c")
    s = lax.axis_index("s")
    wid = s * NC + c
    base = wid * DEPT

    one16 = jnp.full((16,), 1.0, jnp.float32)
    zero16 = jnp.zeros((16,), jnp.float32)

    def _fill(i, _):
        ones[i, :] = one16
        zbuf[i, :] = zero16
        return 0

    lax.fori_loop(0, DCH, _fill, 0)

    for k in range(DSTRIPE // DCH):
        pltpu.sync_copy(zbuf, accum.at[pl.ds(s * DSTRIPE + k * DCH, DCH)])
    plsc.subcore_barrier()

    def _body(j, _):
        pltpu.sync_copy(dst_hbm.at[pl.ds(base + j * DCH, DCH)], didx)
        pltpu.sync_copy(ones, accum.at[didx], add=True)
        return 0

    lax.fori_loop(0, DNCH, _body, 0)
    plsc.subcore_barrier()

    for k in range(DSTRIPE // DCH):
        r = s * DSTRIPE + k * DCH
        pltpu.sync_copy(accum.at[pl.ds(r, DCH)], zbuf)
        pltpu.sync_copy(zbuf, out_hbm.at[pl.ds(c * DNPAD + r, DCH)])


@functools.partial(
    pl.kernel,
    out_type=jax.ShapeDtypeStruct((NC * N_PAD, D), jnp.float32),
    mesh=_mesh,
    scratch_types=[
        pltpu.VMEM((EPT0,), jnp.int32),
        pltpu.VMEM((CHUNK,), jnp.int32),
        pltpu.VMEM((CHUNK,), jnp.int32),
        pltpu.VMEM((CHUNK,), jnp.int32),
        pltpu.VMEM((CHUNK,), jnp.int32),
        pltpu.VMEM((CHUNK, D), jnp.float32),
        pltpu.VMEM((CHUNK, D), jnp.float32),
        pltpu.VMEM_SHARED((N_PAD, D), jnp.float32),
        pltpu.SemaphoreType.DMA,
        pltpu.SemaphoreType.DMA,
        pltpu.SemaphoreType.DMA,
        pltpu.SemaphoreType.DMA,
    ],
)
def _edge_kernel(g_hbm, src_hbm, dst_hbm, out_hbm, sflat,
                 sidx0, sidx1, didx0, didx1,
                 rows0, rows1, accum, sem0, sem1, sem2, sem3):
    c = lax.axis_index("c")
    s = lax.axis_index("s")
    wid = s * NC + c
    rows = (rows0, rows1)
    sems = (sem0, sem1)
    sidx = (sidx0, sidx1)
    didx = (didx0, didx1)
    dsems = (sem2, sem3)
    ebase = jnp.where(c == 0, s * EPT0, NS * EPT0 + s * EPT1)

    pltpu.sync_copy(src_hbm.at[pl.ds(ebase, EPT0)], sflat)

    zero16 = jnp.zeros((16,), jnp.float32)

    def _fill(i, _):
        for j in range(D // 16):
            rows0[i, pl.ds(j * 16, 16)] = zero16
        return 0

    lax.fori_loop(0, CHUNK, _fill, 0)

    for k in range(STRIPE // CHUNK):
        pltpu.sync_copy(rows0, accum.at[pl.ds(s * STRIPE + k * CHUNK, CHUNK)])
    plsc.subcore_barrier()

    def _body(j, _):
        ds_ = []
        dd_ = []
        for k in range(U):
            for m in range(CHUNK // 16):
                sidx[k][pl.ds(m * 16, 16)] = sflat[
                    pl.ds((j * U + k) * CHUNK + m * 16, 16)]
            ds_.append(pltpu.async_copy(g_hbm.at[sidx[k]], rows[k], sems[k]))
            dd_.append(pltpu.async_copy(
                dst_hbm.at[pl.ds(ebase + (j * U + k) * CHUNK, CHUNK)],
                didx[k], dsems[k]))
        for k in range(U):
            ds_[k].wait()
            dd_[k].wait()
            pltpu.sync_copy(rows[k], accum.at[didx[k]], add=True)
        return 0

    nbody = jnp.where(c == 0, NCH0 // U, NCH1 // U)
    lax.fori_loop(0, nbody, _body, 0)
    plsc.subcore_barrier()

    for k in range(STRIPE // CHUNK):
        r = s * STRIPE + k * CHUNK
        pltpu.sync_copy(accum.at[pl.ds(r, CHUNK)], rows0)
        pltpu.sync_copy(rows0, out_hbm.at[pl.ds(c * N_PAD + r, CHUNK)])


BLK = 1000
GRID = N // BLK


def _tc1_body(x_ref, w1_ref, d0_ref, d1_ref, g1_ref, dinv_ref):
    deg = 1.0 + d0_ref[...] + d1_ref[...]
    dinv = lax.rsqrt(deg)
    h = lax.dot_general(x_ref[...], w1_ref[...], (((1,), (1,)), ((), ())),
                        preferred_element_type=jnp.float32)
    g1_ref[...] = h * dinv
    dinv_ref[...] = dinv


def _tc1(x, w1, d0, d1):
    return pl.pallas_call(
        _tc1_body,
        grid=(GRID,),
        in_specs=[
            pl.BlockSpec((BLK, D), lambda i: (i, 0)),
            pl.BlockSpec((D, D), lambda i: (0, 0)),
            pl.BlockSpec((BLK, 1), lambda i: (i, 0)),
            pl.BlockSpec((BLK, 1), lambda i: (i, 0)),
        ],
        out_specs=[
            pl.BlockSpec((BLK, D), lambda i: (i, 0)),
            pl.BlockSpec((BLK, 1), lambda i: (i, 0)),
        ],
        out_shape=[
            jax.ShapeDtypeStruct((N, D), jnp.float32),
            jax.ShapeDtypeStruct((N, 1), jnp.float32),
        ],
    )(x, w1, d0, d1)


def _tc2_body(p_ref, g1_ref, dinv_ref, b1_ref, w2_ref, g2_ref):
    p = p_ref[0] + p_ref[1]
    dinv = dinv_ref[...]
    pre = dinv * (p + g1_ref[...]) + b1_ref[...]
    h1 = jnp.where(pre >= 0, pre, 0.01 * pre)
    g2_ref[...] = lax.dot_general(h1, w2_ref[...], (((1,), (1,)), ((), ())),
                                  preferred_element_type=jnp.float32) * dinv


def _tc2(parts, g1, dinv, b1, w2):
    return pl.pallas_call(
        _tc2_body,
        grid=(GRID,),
        in_specs=[
            pl.BlockSpec((NC, BLK, D), lambda i: (0, i, 0)),
            pl.BlockSpec((BLK, D), lambda i: (i, 0)),
            pl.BlockSpec((BLK, 1), lambda i: (i, 0)),
            pl.BlockSpec((1, D), lambda i: (0, 0)),
            pl.BlockSpec((D, D), lambda i: (0, 0)),
        ],
        out_specs=pl.BlockSpec((BLK, D), lambda i: (i, 0)),
        out_shape=jax.ShapeDtypeStruct((N, D), jnp.float32),
    )(parts, g1, dinv, b1, w2)


def _tc3_body(q_ref, g2_ref, dinv_ref, b2_ref, o_ref):
    q = q_ref[0] + q_ref[1]
    pre = dinv_ref[...] * (q + g2_ref[...]) + b2_ref[...]
    o_ref[...] = jnp.where(pre >= 0, pre, 0.01 * pre)


def _tc3(parts, g2, dinv, b2):
    return pl.pallas_call(
        _tc3_body,
        grid=(GRID,),
        in_specs=[
            pl.BlockSpec((NC, BLK, D), lambda i: (0, i, 0)),
            pl.BlockSpec((BLK, D), lambda i: (i, 0)),
            pl.BlockSpec((BLK, 1), lambda i: (i, 0)),
            pl.BlockSpec((1, D), lambda i: (0, 0)),
        ],
        out_specs=pl.BlockSpec((BLK, D), lambda i: (i, 0)),
        out_shape=jax.ShapeDtypeStruct((N, D), jnp.float32),
    )(parts, g2, dinv, b2)


def kernel(x, edge_index, W1, b1, W2, b2):
    src = edge_index[0]
    dst = edge_index[1]
    pad = E_PAD - E
    src_p = jnp.concatenate(
        [src, jnp.zeros((pad + EPT0,), jnp.int32)])
    dst_p = jnp.concatenate([dst, jnp.full((pad,), DUMMY, jnp.int32)])
    dst_pd = jnp.concatenate([dst, jnp.full((DE_PAD - E,), DUMMY, jnp.int32)])

    degp = _deg_kernel(dst_pd).reshape(NC, DNPAD, 16)
    d0 = degp[0, :N, :1]
    d1 = degp[1, :N, :1]

    g1, dinv = _tc1(x, W1, d0, d1)
    p1 = _edge_kernel(g1, src_p, dst_p).reshape(NC, N_PAD, D)
    g2 = _tc2(p1, g1, dinv, b1.reshape(1, D), W2)
    p2 = _edge_kernel(g2, src_p, dst_p).reshape(NC, N_PAD, D)
    return _tc3(p2, g2, dinv, b2.reshape(1, D))

# --- scband reference (transcript-rebuilt; emitter-appended) ---
"""Pipeline reference for scband-custom-gcn-74818330296407 (READ-ONLY COPY).

The authoritative reference and input builder live on the scoring server;
editing this copy changes nothing except your own understanding.
"""

import jax, jax.numpy as jnp
import numpy as np

N = 10000
E = 320000
D = 128


def setup_inputs(seed: int = 0) -> dict:
    key = jax.random.key(seed)
    k1, k2, k3, k4 = jax.random.split(key, 4)
    x = jax.random.normal(k1, (N, D), dtype=jnp.float32)
    edge_index = jax.random.randint(k2, (2, E), 0, N, dtype=jnp.int32)
    # kaiming uniform (leaky_relu, a=0.01): gain = sqrt(2/(1+a^2)), bound = gain*sqrt(3/fan_in)
    a = 0.01
    gain = float(np.sqrt(2.0 / (1.0 + a * a)))
    bound = gain * float(np.sqrt(3.0 / D))
    W1 = jax.random.uniform(k3, (D, D), dtype=jnp.float32, minval=-bound, maxval=bound)
    W2 = jax.random.uniform(k4, (D, D), dtype=jnp.float32, minval=-bound, maxval=bound)
    b1 = jnp.zeros((D,), dtype=jnp.float32)
    b2 = jnp.zeros((D,), dtype=jnp.float32)
    return {"x": x, "edge_index": edge_index, "W1": W1, "b1": b1, "W2": W2, "b2": b2}


def _gcn_conv(x, W, b, src, dst, num_nodes):
    # PyG GCNConv with normalize=True, add_self_loops=True, bias=True
    loop = jnp.arange(num_nodes, dtype=src.dtype)
    src_full = jnp.concatenate([src, loop])
    dst_full = jnp.concatenate([dst, loop])
    deg = jnp.zeros((num_nodes,), dtype=x.dtype).at[dst_full].add(1.0)
    dinv = jnp.where(deg > 0, deg ** -0.5, 0.0)
    norm = dinv[src_full] * dinv[dst_full]
    h = x @ W.T
    msg = h[src_full] * norm[:, None]
    out = jnp.zeros_like(h).at[dst_full].add(msg)
    return out + b


def _leaky_relu(x, negative_slope=0.01):
    return jnp.where(x >= 0, x, negative_slope * x)


def reference(x, edge_index, W1, b1, W2, b2):
    src = edge_index[0]
    dst = edge_index[1]
    h = _gcn_conv(x, W1, b1, src, dst, N)
    h = _leaky_relu(h)
    h = _gcn_conv(h, W2, b2, src, dst, N)
    h = _leaky_relu(h)
    return h

if __name__ == "__main__":
    import jax
    _d = setup_inputs()
    print(jax.jit(kernel)(*tuple(_d.values())))

</pallas_src>

<mosaic_0001>
#map = affine_map<(d0, d1) -> (0)>
#map1 = affine_map<(d0, d1) -> (0, 0)>
module attributes {stable_mosaic.version = 14 : i64} {
  func.func @_deg_kernel(%arg0: i32, %arg1: i32, %arg2: memref<327680xi32, #tpu.memory_space<hbm>>, %arg3: memref<20480x16xf32, #tpu.memory_space<hbm>>, %arg4: memref<128xi32, #tpu.memory_space<vmem>>, %arg5: memref<128x16xf32, #tpu.memory_space<vmem>>, %arg6: memref<128x16xf32, #tpu.memory_space<vmem>>, %arg7: memref<10240x16xf32, #tpu.memory_space<vmem_shared>>) attributes {dimension_semantics = [#tpu.dimension_semantics<core_parallel>, #tpu.dimension_semantics<subcore_parallel>], iteration_bounds = array<i64: 2, 16>, scalar_prefetch = 0 : i64, scratch_operands = 4 : i64, tpu.core_type = #tpu.core_type<sc_vector_subcore>, window_params = [{transform_indices = #map}, {transform_indices = #map1}]} {
    %mul3A = arith.constant 2 : i32
    %mul3A_0 = arith.muli %arg1, %mul3A : i32
    %add3A = arith.addi %mul3A_0, %arg0 : i32
    %mul3A_1 = arith.constant 10240 : i32
    %mul3A_2 = arith.muli %add3A, %mul3A_1 : i32
    %broadcast_in_dim3A = arith.constant 1.000000e+00 : f32
    %broadcast_in_dim3A_3 = vector.broadcast %broadcast_in_dim3A : f32 to vector<16xf32>
    %broadcast_in_dim3A_4 = arith.constant 0.000000e+00 : f32
    %broadcast_in_dim3A_5 = vector.broadcast %broadcast_in_dim3A_4 : f32 to vector<16xf32>
    %scan3A = arith.constant 0 : i32
    %scan3A_6 = arith.constant 0 : i32
    %scan3A_7 = arith.constant 128 : i32
    %scan3A_8 = arith.addi %scan3A_6, %scan3A_7 : i32
    %scan3A_9 = arith.constant 1 : i32
    %scan3A_10 = scf.for %scan3A_75 = %scan3A_6 to %scan3A_8 step %scan3A_9 iter_args(%scan3A_76 = %scan3A) -> (i32)  : i32 {
      %swap3A = arith.index_cast %scan3A_75 : i32 to index
      %swap3A_77 = arith.constant 0 : index
      %swap3A_78 = tpu.vector_load %arg5[%swap3A, %swap3A_77] {strides = array<i32>} : memref<128x16xf32, #tpu.memory_space<vmem>>, vector<1x16xf32>,
      %swap3A_79 = vector.shape_cast %swap3A_78 : vector<1x16xf32> to vector<16xf32>
      %swap3A_80 = vector.shape_cast %broadcast_in_dim3A_3 : vector<16xf32> to vector<1x16xf32>
      tpu.vector_store %arg5[%swap3A, %swap3A_77], %swap3A_80 {strides = array<i32>} : memref<128x16xf32, #tpu.memory_space<vmem>>, vector<1x16xf32>,
      %swap3A_81 = arith.index_cast %scan3A_75 : i32 to index
      %swap3A_82 = arith.constant 0 : index
      %swap3A_83 = tpu.vector_load %arg6[%swap3A_81, %swap3A_82] {strides = array<i32>} : memref<128x16xf32, #tpu.memory_space<vmem>>, vector<1x16xf32>,
      %swap3A_84 = vector.shape_cast %swap3A_83 : vector<1x16xf32> to vector<16xf32>
      %swap3A_85 = vector.shape_cast %broadcast_in_dim3A_5 : vector<16xf32> to vector<1x16xf32>
      tpu.vector_store %arg6[%swap3A_81, %swap3A_82], %swap3A_85 {strides = array<i32>} : memref<128x16xf32, #tpu.memory_space<vmem>>, vector<1x16xf32>,
      %scan3A_86 = arith.constant 0 : i32
      scf.yield %scan3A_86 : i32
    }
    %scan3A_11 = arith.constant 128 : i32
    %mul3A_12 = arith.constant 640 : i32
    %mul3A_13 = arith.muli %arg1, %mul3A_12 : i32
    %add3A_14 = arith.constant 0 : i32
    %add3A_15 = arith.addi %mul3A_13, %add3A_14 : i32
    "tpu.region"() ({
      %run_scoped3A = tpu.sem_alloc : memref<!tpu.dma_semaphore, #tpu.memory_space<semaphore_mem>>
      %dma_start3A = arith.constant 0 : i32
      %dma_start3A_75 = tpu.memref_slice %arg7[%add3A_15, %dma_start3A] : memref<10240x16xf32, #tpu.memory_space<vmem_shared>> -> memref<128x16xf32, #tpu.memory_space<vmem_shared>>
      %dma_start3A_76 = arith.constant 0 : i32
      %dma_start3A_77 = tpu.memref_slice %arg7[%add3A_15, %dma_start3A_76] : memref<10240x16xf32, #tpu.memory_space<vmem_shared>> -> memref<128x16xf32, #tpu.memory_space<vmem_shared>>
      tpu.enqueue_dma source(%arg6 : memref<128x16xf32, #tpu.memory_space<vmem>>) target(%dma_start3A_77 : memref<128x16xf32, #tpu.memory_space<vmem_shared>>) target_semaphore(%run_scoped3A : memref<!tpu.dma_semaphore, #tpu.memory_space<semaphore_mem>>)
      %dma_wait3A = arith.constant 0 : i32
      %dma_wait3A_78 = tpu.memref_slice %arg7[%add3A_15, %dma_wait3A] : memref<10240x16xf32, #tpu.memory_space<vmem_shared>> -> memref<128x16xf32, #tpu.memory_space<vmem_shared>>
      %dma_wait3A_79 = arith.constant 0 : i32
      %dma_wait3A_80 = tpu.memref_slice %arg7[%add3A_15, %dma_wait3A_79] : memref<10240x16xf32, #tpu.memory_space<vmem_shared>> -> memref<128x16xf32, #tpu.memory_space<vmem_shared>>
      tpu.wait_dma2 semaphore(%run_scoped3A : memref<!tpu.dma_semaphore, #tpu.memory_space<semaphore_mem>>) src(%arg6 : memref<128x16xf32, #tpu.memory_space<vmem>>) dst(%dma_wait3A_80 : memref<128x16xf32, #tpu.memory_space<vmem_shared>>)
      tpu.yield
    }) : () -> ()
    %mul3A_16 = arith.constant 640 : i32
    %mul3A_17 = arith.muli %arg1, %mul3A_16 : i32
    %add3A_18 = arith.constant 128 : i32
    %add3A_19 = arith.addi %mul3A_17, %add3A_18 : i32
    "tpu.region"() ({
      %run_scoped3A = tpu.sem_alloc : memref<!tpu.dma_semaphore, #tpu.memory_space<semaphore_mem>>
      %dma_start3A = arith.constant 0 : i32
      %dma_start3A_75 = tpu.memref_slice %arg7[%add3A_19, %dma_start3A] : memref<10240x16xf32, #tpu.memory_space<vmem_shared>> -> memref<128x16xf32, #tpu.memory_space<vmem_shared>>
      %dma_start3A_76 = arith.constant 0 : i32
      %dma_start3A_77 = tpu.memref_slice %arg7[%add3A_19, %dma_start3A_76] : memref<10240x16xf32, #tpu.memory_space<vmem_shared>> -> memref<128x16xf32, #tpu.memory_space<vmem_shared>>
      tpu.enqueue_dma source(%arg6 : memref<128x16xf32, #tpu.memory_space<vmem>>) target(%dma_start3A_77 : memref<128x16xf32, #tpu.memory_space<vmem_shared>>) target_semaphore(%run_scoped3A : memref<!tpu.dma_semaphore, #tpu.memory_space<semaphore_mem>>)
      %dma_wait3A = arith.constant 0 : i32
      %dma_wait3A_78 = tpu.memref_slice %arg7[%add3A_19, %dma_wait3A] : memref<10240x16xf32, #tpu.memory_space<vmem_shared>> -> memref<128x16xf32, #tpu.memory_space<vmem_shared>>
      %dma_wait3A_79 = arith.constant 0 : i32
      %dma_wait3A_80 = tpu.memref_slice %arg7[%add3A_19, %dma_wait3A_79] : memref<10240x16xf32, #tpu.memory_space<vmem_shared>> -> memref<128x16xf32, #tpu.memory_space<vmem_shared>>
      tpu.wait_dma2 semaphore(%run_scoped3A : memref<!tpu.dma_semaphore, #tpu.memory_space<semaphore_mem>>) src(%arg6 : memref<128x16xf32, #tpu.memory_space<vmem>>) dst(%dma_wait3A_80 : memref<128x16xf32, #tpu.memory_space<vmem_shared>>)
      tpu.yield
    }) : () -> ()
    %mul3A_20 = arith.constant 640 : i32
    %mul3A_21 = arith.muli %arg1, %mul3A_20 : i32
    %add3A_22 = arith.constant 256 : i32
    %add3A_23 = arith.addi %mul3A_21, %add3A_22 : i32
    "tpu.region"() ({
      %run_scoped3A = tpu.sem_alloc : memref<!tpu.dma_semaphore, #tpu.memory_space<semaphore_mem>>
      %dma_start3A = arith.constant 0 : i32
      %dma_start3A_75 = tpu.memref_slice %arg7[%add3A_23, %dma_start3A] : memref<10240x16xf32, #tpu.memory_space<vmem_shared>> -> memref<128x16xf32, #tpu.memory_space<vmem_shared>>
      %dma_start3A_76 = arith.constant 0 : i32
      %dma_start3A_77 = tpu.memref_slice %arg7[%add3A_23, %dma_start3A_76] : memref<10240x16xf32, #tpu.memory_space<vmem_shared>> -> memref<128x16xf32, #tpu.memory_space<vmem_shared>>
      tpu.enqueue_dma source(%arg6 : memref<128x16xf32, #tpu.memory_space<vmem>>) target(%dma_start3A_77 : memref<128x16xf32, #tpu.memory_space<vmem_shared>>) target_semaphore(%run_scoped3A : memref<!tpu.dma_semaphore, #tpu.memory_space<semaphore_mem>>)
      %dma_wait3A = arith.constant 0 : i32
      %dma_wait3A_78 = tpu.memref_slice %arg7[%add3A_23, %dma_wait3A] : memref<10240x16xf32, #tpu.memory_space<vmem_shared>> -> memref<128x16xf32, #tpu.memory_space<vmem_shared>>
      %dma_wait3A_79 = arith.constant 0 : i32
      %dma_wait3A_80 = tpu.memref_slice %arg7[%add3A_23, %dma_wait3A_79] : memref<10240x16xf32, #tpu.memory_space<vmem_shared>> -> memref<128x16xf32, #tpu.memory_space<vmem_shared>>
      tpu.wait_dma2 semaphore(%run_scoped3A : memref<!tpu.dma_semaphore, #tpu.memory_space<semaphore_mem>>) src(%arg6 : memref<128x16xf32, #tpu.memory_space<vmem>>) dst(%dma_wait3A_80 : memref<128x16xf32, #tpu.memory_space<vmem_shared>>)
      tpu.yield
    }) : () -> ()
    %mul3A_24 = arith.constant 640 : i32
    %mul3A_25 = arith.muli %arg1, %mul3A_24 : i32
    %add3A_26 = arith.constant 384 : i32
    %add3A_27 = arith.addi %mul3A_25, %add3A_26 : i32
    "tpu.region"() ({
      %run_scoped3A = tpu.sem_alloc : memref<!tpu.dma_semaphore, #tpu.memory_space<semaphore_mem>>
      %dma_start3A = arith.constant 0 : i32
      %dma_start3A_75 = tpu.memref_slice %arg7[%add3A_27, %dma_start3A] : memref<10240x16xf32, #tpu.memory_space<vmem_shared>> -> memref<128x16xf32, #tpu.memory_space<vmem_shared>>
      %dma_start3A_76 = arith.constant 0 : i32
      %dma_start3A_77 = tpu.memref_slice %arg7[%add3A_27, %dma_start3A_76] : memref<10240x16xf32, #tpu.memory_space<vmem_shared>> -> memref<128x16xf32, #tpu.memory_space<vmem_shared>>
      tpu.enqueue_dma source(%arg6 : memref<128x16xf32, #tpu.memory_space<vmem>>) target(%dma_start3A_77 : memref<128x16xf32, #tpu.memory_space<vmem_shared>>) target_semaphore(%run_scoped3A : memref<!tpu.dma_semaphore, #tpu.memory_space<semaphore_mem>>)
      %dma_wait3A = arith.constant 0 : i32
      %dma_wait3A_78 = tpu.memref_slice %arg7[%add3A_27, %dma_wait3A] : memref<10240x16xf32, #tpu.memory_space<vmem_shared>> -> memref<128x16xf32, #tpu.memory_space<vmem_shared>>
      %dma_wait3A_79 = arith.constant 0 : i32
      %dma_wait3A_80 = tpu.memref_slice %arg7[%add3A_27, %dma_wait3A_79] : memref<10240x16xf32, #tpu.memory_space<vmem_shared>> -> memref<128x16xf32, #tpu.memory_space<vmem_shared>>
      tpu.wait_dma2 semaphore(%run_scoped3A : memref<!tpu.dma_semaphore, #tpu.memory_space<semaphore_mem>>) src(%arg6 : memref<128x16xf32, #tpu.memory_space<vmem>>) dst(%dma_wait3A_80 : memref<128x16xf32, #tpu.memory_space<vmem_shared>>)
      tpu.yield
    }) : () -> ()
    %mul3A_28 = arith.constant 640 : i32
    %mul3A_29 = arith.muli %arg1, %mul3A_28 : i32
    %add3A_30 = arith.constant 512 : i32
    %add3A_31 = arith.addi %mul3A_29, %add3A_30 : i32
    "tpu.region"() ({
      %run_scoped3A = tpu.sem_alloc : memref<!tpu.dma_semaphore, #tpu.memory_space<semaphore_mem>>
      %dma_start3A = arith.constant 0 : i32
      %dma_start3A_75 = tpu.memref_slice %arg7[%add3A_31, %dma_start3A] : memref<10240x16xf32, #tpu.memory_space<vmem_shared>> -> memref<128x16xf32, #tpu.memory_space<vmem_shared>>
      %dma_start3A_76 = arith.constant 0 : i32
      %dma_start3A_77 = tpu.memref_slice %arg7[%add3A_31, %dma_start3A_76] : memref<10240x16xf32, #tpu.memory_space<vmem_shared>> -> memref<128x16xf32, #tpu.memory_space<vmem_shared>>
      tpu.enqueue_dma source(%arg6 : memref<128x16xf32, #tpu.memory_space<vmem>>) target(%dma_start3A_77 : memref<128x16xf32, #tpu.memory_space<vmem_shared>>) target_semaphore(%run_scoped3A : memref<!tpu.dma_semaphore, #tpu.memory_space<semaphore_mem>>)
      %dma_wait3A = arith.constant 0 : i32
      %dma_wait3A_78 = tpu.memref_slice %arg7[%add3A_31, %dma_wait3A] : memref<10240x16xf32, #tpu.memory_space<vmem_shared>> -> memref<128x16xf32, #tpu.memory_space<vmem_shared>>
      %dma_wait3A_79 = arith.constant 0 : i32
      %dma_wait3A_80 = tpu.memref_slice %arg7[%add3A_31, %dma_wait3A_79] : memref<10240x16xf32, #tpu.memory_space<vmem_shared>> -> memref<128x16xf32, #tpu.memory_space<vmem_shared>>
      tpu.wait_dma2 semaphore(%run_scoped3A : memref<!tpu.dma_semaphore, #tpu.memory_space<semaphore_mem>>) src(%arg6 : memref<128x16xf32, #tpu.memory_space<vmem>>) dst(%dma_wait3A_80 : memref<128x16xf32, #tpu.memory_space<vmem_shared>>)
      tpu.yield
    }) : () -> ()
    %barrier3A = arith.constant 0 : index
    tpu.barrier barrier_id(%barrier3A)
    %scan3A_32 = arith.constant 0 : i32
    %scan3A_33 = arith.constant 0 : i32
    %scan3A_34 = arith.constant 80 : i32
    %scan3A_35 = arith.addi %scan3A_33, %scan3A_34 : i32
    %scan3A_36 = arith.constant 1 : i32
    %scan3A_37 = scf.for %scan3A_75 = %scan3A_33 to %scan3A_35 step %scan3A_36 iter_args(%scan3A_76 = %scan3A_32) -> (i32)  : i32 {
      %mul3A_77 = arith.constant 128 : i32
      %mul3A_78 = arith.muli %scan3A_75, %mul3A_77 : i32
      %add3A_79 = arith.addi %mul3A_2, %mul3A_78 : i32
      "tpu.region"() ({
        %run_scoped3A = tpu.sem_alloc : memref<!tpu.dma_semaphore, #tpu.memory_space<semaphore_mem>>
        %dma_start3A = tpu.memref_slice %arg2[%add3A_79] : memref<327680xi32, #tpu.memory_space<hbm>> -> memref<128xi32, #tpu.memory_space<hbm>>
        %dma_start3A_81 = tpu.memref_slice %arg2[%add3A_79] : memref<327680xi32, #tpu.memory_space<hbm>> -> memref<128xi32, #tpu.memory_space<hbm>>
        tpu.enqueue_dma source(%dma_start3A_81 : memref<128xi32, #tpu.memory_space<hbm>>) target(%arg4 : memref<128xi32, #tpu.memory_space<vmem>>) target_semaphore(%run_scoped3A : memref<!tpu.dma_semaphore, #tpu.memory_space<semaphore_mem>>)
        %dma_wait3A = tpu.memref_slice %arg2[%add3A_79] : memref<327680xi32, #tpu.memory_space<hbm>> -> memref<128xi32, #tpu.memory_space<hbm>>
        %dma_wait3A_82 = tpu.memref_slice %arg2[%add3A_79] : memref<327680xi32, #tpu.memory_space<hbm>> -> memref<128xi32, #tpu.memory_space<hbm>>
        tpu.wait_dma2 semaphore(%run_scoped3A : memref<!tpu.dma_semaphore, #tpu.memory_space<semaphore_mem>>) src(%dma_wait3A_82 : memref<128xi32, #tpu.memory_space<hbm>>) dst(%arg4 : memref<128xi32, #tpu.memory_space<vmem>>)
        tpu.yield
      }) : () -> ()
      "tpu.region"() ({
        %run_scoped3A = tpu.sem_alloc : memref<!tpu.dma_semaphore, #tpu.memory_space<semaphore_mem>>
        %dma_start3A = arith.constant 0 : i32
        %dma_start3A_81 = arith.constant 0 : i32
        %dma_start3A_82 = tpu.memref_slice %arg7[%dma_start3A, %dma_start3A_81] : memref<10240x16xf32, #tpu.memory_space<vmem_shared>> -> memref<10240x16xf32, #tpu.memory_space<vmem_shared>>
        tpu.enqueue_indirect_dma source(%arg5 : memref<128x16xf32, #tpu.memory_space<vmem>>) target(%dma_start3A_82 : memref<10240x16xf32, #tpu.memory_space<vmem_shared>>) offsets(%arg4 : memref<128xi32, #tpu.memory_space<vmem>>) semaphore(%run_scoped3A : memref<!tpu.dma_semaphore, #tpu.memory_space<semaphore_mem>>) {add = true}
        %dma_wait3A = arith.constant 0 : i32
        %dma_wait3A_83 = arith.constant 0 : i32
        %dma_wait3A_84 = tpu.memref_slice %arg7[%dma_wait3A, %dma_wait3A_83] : memref<10240x16xf32, #tpu.memory_space<vmem_shared>> -> memref<10240x16xf32, #tpu.memory_space<vmem_shared>>
        tpu.wait_indirect_dma semaphore(%run_scoped3A : memref<!tpu.dma_semaphore, #tpu.memory_space<semaphore_mem>>) src(%arg5 : memref<128x16xf32, #tpu.memory_space<vmem>>) dst(%dma_wait3A_84 : memref<10240x16xf32, #tpu.memory_space<vmem_shared>>)
        tpu.yield
      }) : () -> ()
      %scan3A_80 = arith.constant 0 : i32
      scf.yield %scan3A_80 : i32
    }
    %scan3A_38 = arith.constant 80 : i32
    %barrier3A_39 = arith.constant 0 : index
    tpu.barrier barrier_id(%barrier3A_39)
    %mul3A_40 = arith.constant 640 : i32
    %mul3A_41 = arith.muli %arg1, %mul3A_40 : i32
    %add3A_42 = arith.constant 0 : i32
    %add3A_43 = arith.addi %mul3A_41, %add3A_42 : i32
    "tpu.region"() ({
      %run_scoped3A = tpu.sem_alloc : memref<!tpu.dma_semaphore, #tpu.memory_space<semaphore_mem>>
      %dma_start3A = arith.constant 0 : i32
      %dma_start3A_75 = tpu.memref_slice %arg7[%add3A_43, %dma_start3A] : memref<10240x16xf32, #tpu.memory_space<vmem_shared>> -> memref<128x16xf32, #tpu.memory_space<vmem_shared>>
      %dma_start3A_76 = arith.constant 0 : i32
      %dma_start3A_77 = tpu.memref_slice %arg7[%add3A_43, %dma_start3A_76] : memref<10240x16xf32, #tpu.memory_space<vmem_shared>> -> memref<128x16xf32, #tpu.memory_space<vmem_shared>>
      tpu.enqueue_dma source(%dma_start3A_77 : memref<128x16xf32, #tpu.memory_space<vmem_shared>>) target(%arg6 : memref<128x16xf32, #tpu.memory_space<vmem>>) target_semaphore(%run_scoped3A : memref<!tpu.dma_semaphore, #tpu.memory_space<semaphore_mem>>)
      %dma_wait3A = arith.constant 0 : i32
      %dma_wait3A_78 = tpu.memref_slice %arg7[%add3A_43, %dma_wait3A] : memref<10240x16xf32, #tpu.memory_space<vmem_shared>> -> memref<128x16xf32, #tpu.memory_space<vmem_shared>>
      %dma_wait3A_79 = arith.constant 0 : i32
      %dma_wait3A_80 = tpu.memref_slice %arg7[%add3A_43, %dma_wait3A_79] : memref<10240x16xf32, #tpu.memory_space<vmem_shared>> -> memref<128x16xf32, #tpu.memory_space<vmem_shared>>
      tpu.wait_dma2 semaphore(%run_scoped3A : memref<!tpu.dma_semaphore, #tpu.memory_space<semaphore_mem>>) src(%dma_wait3A_80 : memref<128x16xf32, #tpu.memory_space<vmem_shared>>) dst(%arg6 : memref<128x16xf32, #tpu.memory_space<vmem>>)
      tpu.yield
    }) : () -> ()
    %mul3A_44 = arith.constant 10240 : i32
    %mul3A_45 = arith.muli %arg0, %mul3A_44 : i32
    %add3A_46 = arith.addi %mul3A_45, %add3A_43 : i32
    "tpu.region"() ({
      %run_scoped3A = tpu.sem_alloc : memref<!tpu.dma_semaphore, #tpu.memory_space<semaphore_mem>>
      %dma_start3A = arith.constant 0 : i32
      %dma_start3A_75 = tpu.memref_slice %arg3[%add3A_46, %dma_start3A] : memref<20480x16xf32, #tpu.memory_space<hbm>> -> memref<128x16xf32, #tpu.memory_space<hbm>>
      %dma_start3A_76 = arith.constant 0 : i32
      %dma_start3A_77 = tpu.memref_slice %arg3[%add3A_46, %dma_start3A_76] : memref<20480x16xf32, #tpu.memory_space<hbm>> -> memref<128x16xf32, #tpu.memory_space<hbm>>
      tpu.enqueue_dma source(%arg6 : memref<128x16xf32, #tpu.memory_space<vmem>>) target(%dma_start3A_77 : memref<128x16xf32, #tpu.memory_space<hbm>>) target_semaphore(%run_scoped3A : memref<!tpu.dma_semaphore, #tpu.memory_space<semaphore_mem>>)
      %dma_wait3A = arith.constant 0 : i32
      %dma_wait3A_78 = tpu.memref_slice %arg3[%add3A_46, %dma_wait3A] : memref<20480x16xf32, #tpu.memory_space<hbm>> -> memref<128x16xf32, #tpu.memory_space<hbm>>
      %dma_wait3A_79 = arith.constant 0 : i32
      %dma_wait3A_80 = tpu.memref_slice %arg3[%add3A_46, %dma_wait3A_79] : memref<20480x16xf32, #tpu.memory_space<hbm>> -> memref<128x16xf32, #tpu.memory_space<hbm>>
      tpu.wait_dma2 semaphore(%run_scoped3A : memref<!tpu.dma_semaphore, #tpu.memory_space<semaphore_mem>>) src(%arg6 : memref<128x16xf32, #tpu.memory_space<vmem>>) dst(%dma_wait3A_80 : memref<128x16xf32, #tpu.memory_space<hbm>>)
      tpu.yield
    }) : () -> ()
    %mul3A_47 = arith.constant 640 : i32
    %mul3A_48 = arith.muli %arg1, %mul3A_47 : i32
    %add3A_49 = arith.constant 128 : i32
    %add3A_50 = arith.addi %mul3A_48, %add3A_49 : i32
    "tpu.region"() ({
      %run_scoped3A = tpu.sem_alloc : memref<!tpu.dma_semaphore, #tpu.memory_space<semaphore_mem>>
      %dma_start3A = arith.constant 0 : i32
      %dma_start3A_75 = tpu.memref_slice %arg7[%add3A_50, %dma_start3A] : memref<10240x16xf32, #tpu.memory_space<vmem_shared>> -> memref<128x16xf32, #tpu.memory_space<vmem_shared>>
      %dma_start3A_76 = arith.constant 0 : i32
      %dma_start3A_77 = tpu.memref_slice %arg7[%add3A_50, %dma_start3A_76] : memref<10240x16xf32, #tpu.memory_space<vmem_shared>> -> memref<128x16xf32, #tpu.memory_space<vmem_shared>>
      tpu.enqueue_dma source(%dma_start3A_77 : memref<128x16xf32, #tpu.memory_space<vmem_shared>>) target(%arg6 : memref<128x16xf32, #tpu.memory_space<vmem>>) target_semaphore(%run_scoped3A : memref<!tpu.dma_semaphore, #tpu.memory_space<semaphore_mem>>)
      %dma_wait3A = arith.constant 0 : i32
      %dma_wait3A_78 = tpu.memref_slice %arg7[%add3A_50, %dma_wait3A] : memref<10240x16xf32, #tpu.memory_space<vmem_shared>> -> memref<128x16xf32, #tpu.memory_space<vmem_shared>>
      %dma_wait3A_79 = arith.constant 0 : i32
      %dma_wait3A_80 = tpu.memref_slice %arg7[%add3A_50, %dma_wait3A_79] : memref<10240x16xf32, #tpu.memory_space<vmem_shared>> -> memref<128x16xf32, #tpu.memory_space<vmem_shared>>
      tpu.wait_dma2 semaphore(%run_scoped3A : memref<!tpu.dma_semaphore, #tpu.memory_space<semaphore_mem>>) src(%dma_wait3A_80 : memref<128x16xf32, #tpu.memory_space<vmem_shared>>) dst(%arg6 : memref<128x16xf32, #tpu.memory_space<vmem>>)
      tpu.yield
    }) : () -> ()
    %mul3A_51 = arith.constant 10240 : i32
    %mul3A_52 = arith.muli %arg0, %mul3A_51 : i32
    %add3A_53 = arith.addi %mul3A_52, %add3A_50 : i32
    "tpu.region"() ({
      %run_scoped3A = tpu.sem_alloc : memref<!tpu.dma_semaphore, #tpu.memory_space<semaphore_mem>>
      %dma_start3A = arith.constant 0 : i32
      %dma_start3A_75 = tpu.memref_slice %arg3[%add3A_53, %dma_start3A] : memref<20480x16xf32, #tpu.memory_space<hbm>> -> memref<128x16xf32, #tpu.memory_space<hbm>>
      %dma_start3A_76 = arith.constant 0 : i32
      %dma_start3A_77 = tpu.memref_slice %arg3[%add3A_53, %dma_start3A_76] : memref<20480x16xf32, #tpu.memory_space<hbm>> -> memref<128x16xf32, #tpu.memory_space<hbm>>
      tpu.enqueue_dma source(%arg6 : memref<128x16xf32, #tpu.memory_space<vmem>>) target(%dma_start3A_77 : memref<128x16xf32, #tpu.memory_space<hbm>>) target_semaphore(%run_scoped3A : memref<!tpu.dma_semaphore, #tpu.memory_space<semaphore_mem>>)
      %dma_wait3A = arith.constant 0 : i32
      %dma_wait3A_78 = tpu.memref_slice %arg3[%add3A_53, %dma_wait3A] : memref<20480x16xf32, #tpu.memory_space<hbm>> -> memref<128x16xf32, #tpu.memory_space<hbm>>
      %dma_wait3A_79 = arith.constant 0 : i32
      %dma_wait3A_80 = tpu.memref_slice %arg3[%add3A_53, %dma_wait3A_79] : memref<20480x16xf32, #tpu.memory_space<hbm>> -> memref<128x16xf32, #tpu.memory_space<hbm>>
      tpu.wait_dma2 semaphore(%run_scoped3A : memref<!tpu.dma_semaphore, #tpu.memory_space<semaphore_mem>>) src(%arg6 : memref<128x16xf32, #tpu.memory_space<vmem>>) dst(%dma_wait3A_80 : memref<128x16xf32, #tpu.memory_space<hbm>>)
      tpu.yield
    }) : () -> ()
    %mul3A_54 = arith.constant 640 : i32
    %mul3A_55 = arith.muli %arg1, %mul3A_54 : i32
    %add3A_56 = arith.constant 256 : i32
    %add3A_57 = arith.addi %mul3A_55, %add3A_56 : i32
    "tpu.region"() ({
      %run_scoped3A = tpu.sem_alloc : memref<!tpu.dma_semaphore, #tpu.memory_space<semaphore_mem>>
      %dma_start3A = arith.constant 0 : i32
      %dma_start3A_75 = tpu.memref_slice %arg7[%add3A_57, %dma_start3A] : memref<10240x16xf32, #tpu.memory_space<vmem_shared>> -> memref<128x16xf32, #tpu.memory_space<vmem_shared>>
      %dma_start3A_76 = arith.constant 0 : i32
      %dma_start3A_77 = tpu.memref_slice %arg7[%add3A_57, %dma_start3A_76] : memref<10240x16xf32, #tpu.memory_space<vmem_shared>> -> memref<128x16xf32, #tpu.memory_space<vmem_shared>>
      tpu.enqueue_dma source(%dma_start3A_77 : memref<128x16xf32, #tpu.memory_space<vmem_shared>>) target(%arg6 : memref<128x16xf32, #tpu.memory_space<vmem>>) target_semaphore(%run_scoped3A : memref<!tpu.dma_semaphore, #tpu.memory_space<semaphore_mem>>)
      %dma_wait3A = arith.constant 0 : i32
      %dma_wait3A_78 = tpu.memref_slice %arg7[%add3A_57, %dma_wait3A] : memref<10240x16xf32, #tpu.memory_space<vmem_shared>> -> memref<128x16xf32, #tpu.memory_space<vmem_shared>>
      %dma_wait3A_79 = arith.constant 0 : i32
      %dma_wait3A_80 = tpu.memref_slice %arg7[%add3A_57, %dma_wait3A_79] : memref<10240x16xf32, #tpu.memory_space<vmem_shared>> -> memref<128x16xf32, #tpu.memory_space<vmem_shared>>
      tpu.wait_dma2 semaphore(%run_scoped3A : memref<!tpu.dma_semaphore, #tpu.memory_space<semaphore_mem>>) src(%dma_wait3A_80 : memref<128x16xf32, #tpu.memory_space<vmem_shared>>) dst(%arg6 : memref<128x16xf32, #tpu.memory_space<vmem>>)
      tpu.yield
    }) : () -> ()
    %mul3A_58 = arith.constant 10240 : i32
    %mul3A_59 = arith.muli %arg0, %mul3A_58 : i32
    %add3A_60 = arith.addi %mul3A_59, %add3A_57 : i32
    "tpu.region"() ({
      %run_scoped3A = tpu.sem_alloc : memref<!tpu.dma_semaphore, #tpu.memory_space<semaphore_mem>>
      %dma_start3A = arith.constant 0 : i32
      %dma_start3A_75 = tpu.memref_slice %arg3[%add3A_60, %dma_start3A] : memref<20480x16xf32, #tpu.memory_space<hbm>> -> memref<128x16xf32, #tpu.memory_space<hbm>>
      %dma_start3A_76 = arith.constant 0 : i32
      %dma_start3A_77 = tpu.memref_slice %arg3[%add3A_60, %dma_start3A_76] : memref<20480x16xf32, #tpu.memory_space<hbm>> -> memref<128x16xf32, #tpu.memory_space<hbm>>
      tpu.enqueue_dma source(%arg6 : memref<128x16xf32, #tpu.memory_space<vmem>>) target(%dma_start3A_77 : memref<128x16xf32, #tpu.memory_space<hbm>>) target_semaphore(%run_scoped3A : memref<!tpu.dma_semaphore, #tpu.memory_space<semaphore_mem>>)
      %dma_wait3A = arith.constant 0 : i32
      %dma_wait3A_78 = tpu.memref_slice %arg3[%add3A_60, %dma_wait3A] : memref<20480x16xf32, #tpu.memory_space<hbm>> -> memref<128x16xf32, #tpu.memory_space<hbm>>
      %dma_wait3A_79 = arith.constant 0 : i32
      %dma_wait3A_80 = tpu.memref_slice %arg3[%add3A_60, %dma_wait3A_79] : memref<20480x16xf32, #tpu.memory_space<hbm>> -> memref<128x16xf32, #tpu.memory_space<hbm>>
      tpu.wait_dma2 semaphore(%run_scoped3A : memref<!tpu.dma_semaphore, #tpu.memory_space<semaphore_mem>>) src(%arg6 : memref<128x16xf32, #tpu.memory_space<vmem>>) dst(%dma_wait3A_80 : memref<128x16xf32, #tpu.memory_space<hbm>>)
      tpu.yield
    }) : () -> ()
    %mul3A_61 = arith.constant 640 : i32
    %mul3A_62 = arith.muli %arg1, %mul3A_61 : i32
    %add3A_63 = arith.constant 384 : i32
    %add3A_64 = arith.addi %mul3A_62, %add3A_63 : i32
    "tpu.region"() ({
      %run_scoped3A = tpu.sem_alloc : memref<!tpu.dma_semaphore, #tpu.memory_space<semaphore_mem>>
      %dma_start3A = arith.constant 0 : i32
      %dma_start3A_75 = tpu.memref_slice %arg7[%add3A_64, %dma_start3A] : memref<10240x16xf32, #tpu.memory_space<vmem_shared>> -> memref<128x16xf32, #tpu.memory_space<vmem_shared>>
      %dma_start3A_76 = arith.constant 0 : i32
      %dma_start3A_77 = tpu.memref_slice %arg7[%add3A_64, %dma_start3A_76] : memref<10240x16xf32, #tpu.memory_space<vmem_shared>> -> memref<128x16xf32, #tpu.memory_space<vmem_shared>>
      tpu.enqueue_dma source(%dma_start3A_77 : memref<128x16xf32, #tpu.memory_space<vmem_shared>>) target(%arg6 : memref<128x16xf32, #tpu.memory_space<vmem>>) target_semaphore(%run_scoped3A : memref<!tpu.dma_semaphore, #tpu.memory_space<semaphore_mem>>)
      %dma_wait3A = arith.constant 0 : i32
      %dma_wait3A_78 = tpu.memref_slice %arg7[%add3A_64, %dma_wait3A] : memref<10240x16xf32, #tpu.memory_space<vmem_shared>> -> memref<128x16xf32, #tpu.memory_space<vmem_shared>>
      %dma_wait3A_79 = arith.constant 0 : i32
      %dma_wait3A_80 = tpu.memref_slice %arg7[%add3A_64, %dma_wait3A_79] : memref<10240x16xf32, #tpu.memory_space<vmem_shared>> -> memref<128x16xf32, #tpu.memory_space<vmem_shared>>
      tpu.wait_dma2 semaphore(%run_scoped3A : memref<!tpu.dma_semaphore, #tpu.memory_space<semaphore_mem>>) src(%dma_wait3A_80 : memref<128x16xf32, #tpu.memory_space<vmem_shared>>) dst(%arg6 : memref<128x16xf32, #tpu.memory_space<vmem>>)
      tpu.yield
    }) : () -> ()
    %mul3A_65 = arith.constant 10240 : i32
    %mul3A_66 = arith.muli %arg0, %mul3A_65 : i32
    %add3A_67 = arith.addi %mul3A_66, %add3A_64 : i32
    "tpu.region"() ({
      %run_scoped3A = tpu.sem_alloc : memref<!tpu.dma_semaphore, #tpu.memory_space<semaphore_mem>>
      %dma_start3A = arith.constant 0 : i32
      %dma_start3A_75 = tpu.memref_slice %arg3[%add3A_67, %dma_start3A] : memref<20480x16xf32, #tpu.memory_space<hbm>> -> memref<128x16xf32, #tpu.memory_space<hbm>>
      %dma_start3A_76 = arith.constant 0 : i32
      %dma_start3A_77 = tpu.memref_slice %arg3[%add3A_67, %dma_start3A_76] : memref<20480x16xf32, #tpu.memory_space<hbm>> -> memref<128x16xf32, #tpu.memory_space<hbm>>
      tpu.enqueue_dma source(%arg6 : memref<128x16xf32, #tpu.memory_space<vmem>>) target(%dma_start3A_77 : memref<128x16xf32, #tpu.memory_space<hbm>>) target_semaphore(%run_scoped3A : memref<!tpu.dma_semaphore, #tpu.memory_space<semaphore_mem>>)
      %dma_wait3A = arith.constant 0 : i32
      %dma_wait3A_78 = tpu.memref_slice %arg3[%add3A_67, %dma_wait3A] : memref<20480x16xf32, #tpu.memory_space<hbm>> -> memref<128x16xf32, #tpu.memory_space<hbm>>
      %dma_wait3A_79 = arith.constant 0 : i32
      %dma_wait3A_80 = tpu.memref_slice %arg3[%add3A_67, %dma_wait3A_79] : memref<20480x16xf32, #tpu.memory_space<hbm>> -> memref<128x16xf32, #tpu.memory_space<hbm>>
      tpu.wait_dma2 semaphore(%run_scoped3A : memref<!tpu.dma_semaphore, #tpu.memory_space<semaphore_mem>>) src(%arg6 : memref<128x16xf32, #tpu.memory_space<vmem>>) dst(%dma_wait3A_80 : memref<128x16xf32, #tpu.memory_space<hbm>>)
      tpu.yield
    }) : () -> ()
    %mul3A_68 = arith.constant 640 : i32
    %mul3A_69 = arith.muli %arg1, %mul3A_68 : i32
    %add3A_70 = arith.constant 512 : i32
    %add3A_71 = arith.addi %mul3A_69, %add3A_70 : i32
    "tpu.region"() ({
      %run_scoped3A = tpu.sem_alloc : memref<!tpu.dma_semaphore, #tpu.memory_space<semaphore_mem>>
      %dma_start3A = arith.constant 0 : i32
      %dma_start3A_75 = tpu.memref_slice %arg7[%add3A_71, %dma_start3A] : memref<10240x16xf32, #tpu.memory_space<vmem_shared>> -> memref<128x16xf32, #tpu.memory_space<vmem_shared>>
      %dma_start3A_76 = arith.constant 0 : i32
      %dma_start3A_77 = tpu.memref_slice %arg7[%add3A_71, %dma_start3A_76] : memref<10240x16xf32, #tpu.memory_space<vmem_shared>> -> memref<128x16xf32, #tpu.memory_space<vmem_shared>>
      tpu.enqueue_dma source(%dma_start3A_77 : memref<128x16xf32, #tpu.memory_space<vmem_shared>>) target(%arg6 : memref<128x16xf32, #tpu.memory_space<vmem>>) target_semaphore(%run_scoped3A : memref<!tpu.dma_semaphore, #tpu.memory_space<semaphore_mem>>)
      %dma_wait3A = arith.constant 0 : i32
      %dma_wait3A_78 = tpu.memref_slice %arg7[%add3A_71, %dma_wait3A] : memref<10240x16xf32, #tpu.memory_space<vmem_shared>> -> memref<128x16xf32, #tpu.memory_space<vmem_shared>>
      %dma_wait3A_79 = arith.constant 0 : i32
      %dma_wait3A_80 = tpu.memref_slice %arg7[%add3A_71, %dma_wait3A_79] : memref<10240x16xf32, #tpu.memory_space<vmem_shared>> -> memref<128x16xf32, #tpu.memory_space<vmem_shared>>
      tpu.wait_dma2 semaphore(%run_scoped3A : memref<!tpu.dma_semaphore, #tpu.memory_space<semaphore_mem>>) src(%dma_wait3A_80 : memref<128x16xf32, #tpu.memory_space<vmem_shared>>) dst(%arg6 : memref<128x16xf32, #tpu.memory_space<vmem>>)
      tpu.yield
    }) : () -> ()
    %mul3A_72 = arith.constant 10240 : i32
    %mul3A_73 = arith.muli %arg0, %mul3A_72 : i32
    %add3A_74 = arith.addi %mul3A_73, %add3A_71 : i32
    "tpu.region"() ({
      %run_scoped3A = tpu.sem_alloc : memref<!tpu.dma_semaphore, #tpu.memory_space<semaphore_mem>>
      %dma_start3A = arith.constant 0 : i32
      %dma_start3A_75 = tpu.memref_slice %arg3[%add3A_74, %dma_start3A] : memref<20480x16xf32, #tpu.memory_space<hbm>> -> memref<128x16xf32, #tpu.memory_space<hbm>>
      %dma_start3A_76 = arith.constant 0 : i32
      %dma_start3A_77 = tpu.memref_slice %arg3[%add3A_74, %dma_start3A_76] : memref<20480x16xf32, #tpu.memory_space<hbm>> -> memref<128x16xf32, #tpu.memory_space<hbm>>
      tpu.enqueue_dma source(%arg6 : memref<128x16xf32, #tpu.memory_space<vmem>>) target(%dma_start3A_77 : memref<128x16xf32, #tpu.memory_space<hbm>>) target_semaphore(%run_scoped3A : memref<!tpu.dma_semaphore, #tpu.memory_space<semaphore_mem>>)
      %dma_wait3A = arith.constant 0 : i32
      %dma_wait3A_78 = tpu.memref_slice %arg3[%add3A_74, %dma_wait3A] : memref<20480x16xf32, #tpu.memory_space<hbm>> -> memref<128x16xf32, #tpu.memory_space<hbm>>
      %dma_wait3A_79 = arith.constant 0 : i32
      %dma_wait3A_80 = tpu.memref_slice %arg3[%add3A_74, %dma_wait3A_79] : memref<20480x16xf32, #tpu.memory_space<hbm>> -> memref<128x16xf32, #tpu.memory_space<hbm>>
      tpu.wait_dma2 semaphore(%run_scoped3A : memref<!tpu.dma_semaphore, #tpu.memory_space<semaphore_mem>>) src(%arg6 : memref<128x16xf32, #tpu.memory_space<vmem>>) dst(%dma_wait3A_80 : memref<128x16xf32, #tpu.memory_space<hbm>>)
      tpu.yield
    }) : () -> ()
    return
  }
}

#map = affine_map<(d0, d1) -> (0, 0)>
#map1 = affine_map<(d0, d1) -> (0)>
module attributes {stable_mosaic.version = 14 : i64} {
  func.func @_edge_kernel(%arg0: i32, %arg1: i32, %arg2: memref<10000x128xf32, #tpu.memory_space<hbm>>, %arg3: memref<343296xi32, #tpu.memory_space<hbm>>, %arg4: memref<327680xi32, #tpu.memory_space<hbm>>, %arg5: memref<20480x128xf32, #tpu.memory_space<hbm>>, %arg6: memref<15616xi32, #tpu.memory_space<vmem>>, %arg7: memref<128xi32, #tpu.memory_space<vmem>>, %arg8: memref<128xi32, #tpu.memory_space<vmem>>, %arg9: memref<128xi32, #tpu.memory_space<vmem>>, %arg10: memref<128xi32, #tpu.memory_space<vmem>>, %arg11: memref<128x128xf32, #tpu.memory_space<vmem>>, %arg12: memref<128x128xf32, #tpu.memory_space<vmem>>, %arg13: memref<10240x128xf32, #tpu.memory_space<vmem_shared>>, %arg14: memref<!tpu.dma_semaphore, #tpu.memory_space<semaphore_mem>>, %arg15: memref<!tpu.dma_semaphore, #tpu.memory_space<semaphore_mem>>, %arg16: memref<!tpu.dma_semaphore, #tpu.memory_space<semaphore_mem>>, %arg17: memref<!tpu.dma_semaphore, #tpu.memory_space<semaphore_mem>>) attributes {dimension_semantics = [#tpu.dimension_semantics<core_parallel>, #tpu.dimension_semantics<subcore_parallel>], iteration_bounds = array<i64: 2, 16>, scalar_prefetch = 0 : i64, scratch_operands = 12 : i64, tpu.core_type = #tpu.core_type<sc_vector_subcore>, window_params = [{transform_indices = #map}, {transform_indices = #map1}, {transform_indices = #map1}, {transform_indices = #map}]} {
    %mul3A = arith.constant 2 : i32
    %mul3A_0 = arith.muli %arg1, %mul3A : i32
    %add3A = arith.addi %mul3A_0, %arg0 : i32
    %eq3A = arith.constant 0 : i32
    %eq3A_1 = arith.cmpi eq, %arg0, %eq3A : i32
    %mul3A_2 = arith.constant 15616 : i32
    %mul3A_3 = arith.muli %arg1, %mul3A_2 : i32
    %mul3A_4 = arith.constant 4864 : i32
    %mul3A_5 = arith.muli %arg1, %mul3A_4 : i32
    %add3A_6 = arith.constant 249856 : i32
    %add3A_7 = arith.addi %add3A_6, %mul3A_5 : i32
    %select_n3A = arith.select %eq3A_1, %mul3A_3, %add3A_7 : i32
    "tpu.region"() ({
      %run_scoped3A = tpu.sem_alloc : memref<!tpu.dma_semaphore, #tpu.memory_space<semaphore_mem>>
      %dma_start3A = tpu.memref_slice %arg3[%select_n3A] : memref<343296xi32, #tpu.memory_space<hbm>> -> memref<15616xi32, #tpu.memory_space<hbm>>
      %dma_start3A_86 = tpu.memref_slice %arg3[%select_n3A] : memref<343296xi32, #tpu.memory_space<hbm>> -> memref<15616xi32, #tpu.memory_space<hbm>>
      tpu.enqueue_dma source(%dma_start3A_86 : memref<15616xi32, #tpu.memory_space<hbm>>) target(%arg6 : memref<15616xi32, #tpu.memory_space<vmem>>) target_semaphore(%run_scoped3A : memref<!tpu.dma_semaphore, #tpu.memory_space<semaphore_mem>>)
      %dma_wait3A = tpu.memref_slice %arg3[%select_n3A] : memref<343296xi32, #tpu.memory_space<hbm>> -> memref<15616xi32, #tpu.memory_space<hbm>>
      %dma_wait3A_87 = tpu.memref_slice %arg3[%select_n3A] : memref<343296xi32, #tpu.memory_space<hbm>> -> memref<15616xi32, #tpu.memory_space<hbm>>
      tpu.wait_dma2 semaphore(%run_scoped3A : memref<!tpu.dma_semaphore, #tpu.memory_space<semaphore_mem>>) src(%dma_wait3A_87 : memref<15616xi32, #tpu.memory_space<hbm>>) dst(%arg6 : memref<15616xi32, #tpu.memory_space<vmem>>)
      tpu.yield
    }) : () -> ()
    %broadcast_in_dim3A = arith.constant 0.000000e+00 : f32
    %broadcast_in_dim3A_8 = vector.broadcast %broadcast_in_dim3A : f32 to vector<16xf32>
    %scan3A = arith.constant 0 : i32
    %scan3A_9 = arith.constant 0 : i32
    %scan3A_10 = arith.constant 128 : i32
    %scan3A_11 = arith.addi %scan3A_9, %scan3A_10 : i32
    %scan3A_12 = arith.constant 1 : i32
    %scan3A_13 = scf.for %scan3A_86 = %scan3A_9 to %scan3A_11 step %scan3A_12 iter_args(%scan3A_87 = %scan3A) -> (i32)  : i32 {
      %swap3A = arith.index_cast %scan3A_86 : i32 to index
      %swap3A_88 = arith.constant 0 : index
      %swap3A_89 = tpu.vector_load %arg11[%swap3A, %swap3A_88] {strides = array<i32>} : memref<128x128xf32, #tpu.memory_space<vmem>>, vector<1x16xf32>,
      %swap3A_90 = vector.shape_cast %swap3A_89 : vector<1x16xf32> to vector<16xf32>
      %swap3A_91 = vector.shape_cast %broadcast_in_dim3A_8 : vector<16xf32> to vector<1x16xf32>
      tpu.vector_store %arg11[%swap3A, %swap3A_88], %swap3A_91 {strides = array<i32>} : memref<128x128xf32, #tpu.memory_space<vmem>>, vector<1x16xf32>,
      %swap3A_92 = arith.index_cast %scan3A_86 : i32 to index
      %swap3A_93 = arith.constant 16 : index
      %swap3A_94 = tpu.vector_load %arg11[%swap3A_92, %swap3A_93] {strides = array<i32>} : memref<128x128xf32, #tpu.memory_space<vmem>>, vector<1x16xf32>,
      %swap3A_95 = vector.shape_cast %swap3A_94 : vector<1x16xf32> to vector<16xf32>
      %swap3A_96 = vector.shape_cast %broadcast_in_dim3A_8 : vector<16xf32> to vector<1x16xf32>
      tpu.vector_store %arg11[%swap3A_92, %swap3A_93], %swap3A_96 {strides = array<i32>} : memref<128x128xf32, #tpu.memory_space<vmem>>, vector<1x16xf32>,
      %swap3A_97 = arith.index_cast %scan3A_86 : i32 to index
      %swap3A_98 = arith.constant 32 : index
      %swap3A_99 = tpu.vector_load %arg11[%swap3A_97, %swap3A_98] {strides = array<i32>} : memref<128x128xf32, #tpu.memory_space<vmem>>, vector<1x16xf32>,
      %swap3A_100 = vector.shape_cast %swap3A_99 : vector<1x16xf32> to vector<16xf32>
      %swap3A_101 = vector.shape_cast %broadcast_in_dim3A_8 : vector<16xf32> to vector<1x16xf32>
      tpu.vector_store %arg11[%swap3A_97, %swap3A_98], %swap3A_101 {strides = array<i32>} : memref<128x128xf32, #tpu.memory_space<vmem>>, vector<1x16xf32>,
      %swap3A_102 = arith.index_cast %scan3A_86 : i32 to index
      %swap3A_103 = arith.constant 48 : index
      %swap3A_104 = tpu.vector_load %arg11[%swap3A_102, %swap3A_103] {strides = array<i32>} : memref<128x128xf32, #tpu.memory_space<vmem>>, vector<1x16xf32>,
      %swap3A_105 = vector.shape_cast %swap3A_104 : vector<1x16xf32> to vector<16xf32>
      %swap3A_106 = vector.shape_cast %broadcast_in_dim3A_8 : vector<16xf32> to vector<1x16xf32>
      tpu.vector_store %arg11[%swap3A_102, %swap3A_103], %swap3A_106 {strides = array<i32>} : memref<128x128xf32, #tpu.memory_space<vmem>>, vector<1x16xf32>,
      %swap3A_107 = arith.index_cast %scan3A_86 : i32 to index
      %swap3A_108 = arith.constant 64 : index
      %swap3A_109 = tpu.vector_load %arg11[%swap3A_107, %swap3A_108] {strides = array<i32>} : memref<128x128xf32, #tpu.memory_space<vmem>>, vector<1x16xf32>,
      %swap3A_110 = vector.shape_cast %swap3A_109 : vector<1x16xf32> to vector<16xf32>
      %swap3A_111 = vector.shape_cast %broadcast_in_dim3A_8 : vector<16xf32> to vector<1x16xf32>
      tpu.vector_store %arg11[%swap3A_107, %swap3A_108], %swap3A_111 {strides = array<i32>} : memref<128x128xf32, #tpu.memory_space<vmem>>, vector<1x16xf32>,
      %swap3A_112 = arith.index_cast %scan3A_86 : i32 to index
      %swap3A_113 = arith.constant 80 : index
      %swap3A_114 = tpu.vector_load %arg11[%swap3A_112, %swap3A_113] {strides = array<i32>} : memref<128x128xf32, #tpu.memory_space<vmem>>, vector<1x16xf32>,
      %swap3A_115 = vector.shape_cast %swap3A_114 : vector<1x16xf32> to vector<16xf32>
      %swap3A_116 = vector.shape_cast %broadcast_in_dim3A_8 : vector<16xf32> to vector<1x16xf32>
      tpu.vector_store %arg11[%swap3A_112, %swap3A_113], %swap3A_116 {strides = array<i32>} : memref<128x128xf32, #tpu.memory_space<vmem>>, vector<1x16xf32>,
      %swap3A_117 = arith.index_cast %scan3A_86 : i32 to index
      %swap3A_118 = arith.constant 96 : index
      %swap3A_119 = tpu.vector_load %arg11[%swap3A_117, %swap3A_118] {strides = array<i32>} : memref<128x128xf32, #tpu.memory_space<vmem>>, vector<1x16xf32>,
      %swap3A_120 = vector.shape_cast %swap3A_119 : vector<1x16xf32> to vector<16xf32>
      %swap3A_121 = vector.shape_cast %broadcast_in_dim3A_8 : vector<16xf32> to vector<1x16xf32>
      tpu.vector_store %arg11[%swap3A_117, %swap3A_118], %swap3A_121 {strides = array<i32>} : memref<128x128xf32, #tpu.memory_space<vmem>>, vector<1x16xf32>,
      %swap3A_122 = arith.index_cast %scan3A_86 : i32 to index
      %swap3A_123 = arith.constant 112 : index
      %swap3A_124 = tpu.vector_load %arg11[%swap3A_122, %swap3A_123] {strides = array<i32>} : memref<128x128xf32, #tpu.memory_space<vmem>>, vector<1x16xf32>,
      %swap3A_125 = vector.shape_cast %swap3A_124 : vector<1x16xf32> to vector<16xf32>
      %swap3A_126 = vector.shape_cast %broadcast_in_dim3A_8 : vector<16xf32> to vector<1x16xf32>
      tpu.vector_store %arg11[%swap3A_122, %swap3A_123], %swap3A_126 {strides = array<i32>} : memref<128x128xf32, #tpu.memory_space<vmem>>, vector<1x16xf32>,
      %scan3A_127 = arith.constant 0 : i32
      scf.yield %scan3A_127 : i32
    }
    %scan3A_14 = arith.constant 128 : i32
    %mul3A_15 = arith.constant 640 : i32
    %mul3A_16 = arith.muli %arg1, %mul3A_15 : i32
    %add3A_17 = arith.constant 0 : i32
    %add3A_18 = arith.addi %mul3A_16, %add3A_17 : i32
    "tpu.region"() ({
      %run_scoped3A = tpu.sem_alloc : memref<!tpu.dma_semaphore, #tpu.memory_space<semaphore_mem>>
      %dma_start3A = arith.constant 0 : i32
      %dma_start3A_86 = tpu.memref_slice %arg13[%add3A_18, %dma_start3A] : memref<10240x128xf32, #tpu.memory_space<vmem_shared>> -> memref<128x128xf32, #tpu.memory_space<vmem_shared>>
      %dma_start3A_87 = arith.constant 0 : i32
      %dma_start3A_88 = tpu.memref_slice %arg13[%add3A_18, %dma_start3A_87] : memref<10240x128xf32, #tpu.memory_space<vmem_shared>> -> memref<128x128xf32, #tpu.memory_space<vmem_shared>>
      tpu.enqueue_dma source(%arg11 : memref<128x128xf32, #tpu.memory_space<vmem>>) target(%dma_start3A_88 : memref<128x128xf32, #tpu.memory_space<vmem_shared>>) target_semaphore(%run_scoped3A : memref<!tpu.dma_semaphore, #tpu.memory_space<semaphore_mem>>)
      %dma_wait3A = arith.constant 0 : i32
      %dma_wait3A_89 = tpu.memref_slice %arg13[%add3A_18, %dma_wait3A] : memref<10240x128xf32, #tpu.memory_space<vmem_shared>> -> memref<128x128xf32, #tpu.memory_space<vmem_shared>>
      %dma_wait3A_90 = arith.constant 0 : i32
      %dma_wait3A_91 = tpu.memref_slice %arg13[%add3A_18, %dma_wait3A_90] : memref<10240x128xf32, #tpu.memory_space<vmem_shared>> -> memref<128x128xf32, #tpu.memory_space<vmem_shared>>
      tpu.wait_dma2 semaphore(%run_scoped3A : memref<!tpu.dma_semaphore, #tpu.memory_space<semaphore_mem>>) src(%arg11 : memref<128x128xf32, #tpu.memory_space<vmem>>) dst(%dma_wait3A_91 : memref<128x128xf32, #tpu.memory_space<vmem_shared>>)
      tpu.yield
    }) : () -> ()
    %mul3A_19 = arith.constant 640 : i32
    %mul3A_20 = arith.muli %arg1, %mul3A_19 : i32
    %add3A_21 = arith.constant 128 : i32
    %add3A_22 = arith.addi %mul3A_20, %add3A_21 : i32
    "tpu.region"() ({
      %run_scoped3A = tpu.sem_alloc : memref<!tpu.dma_semaphore, #tpu.memory_space<semaphore_mem>>
      %dma_start3A = arith.constant 0 : i32
      %dma_start3A_86 = tpu.memref_slice %arg13[%add3A_22, %dma_start3A] : memref<10240x128xf32, #tpu.memory_space<vmem_shared>> -> memref<128x128xf32, #tpu.memory_space<vmem_shared>>
      %dma_start3A_87 = arith.constant 0 : i32
      %dma_start3A_88 = tpu.memref_slice %arg13[%add3A_22, %dma_start3A_87] : memref<10240x128xf32, #tpu.memory_space<vmem_shared>> -> memref<128x128xf32, #tpu.memory_space<vmem_shared>>
      tpu.enqueue_dma source(%arg11 : memref<128x128xf32, #tpu.memory_space<vmem>>) target(%dma_start3A_88 : memref<128x128xf32, #tpu.memory_space<vmem_shared>>) target_semaphore(%run_scoped3A : memref<!tpu.dma_semaphore, #tpu.memory_space<semaphore_mem>>)
      %dma_wait3A = arith.constant 0 : i32
      %dma_wait3A_89 = tpu.memref_slice %arg13[%add3A_22, %dma_wait3A] : memref<10240x128xf32, #tpu.memory_space<vmem_shared>> -> memref<128x128xf32, #tpu.memory_space<vmem_shared>>
      %dma_wait3A_90 = arith.constant 0 : i32
      %dma_wait3A_91 = tpu.memref_slice %arg13[%add3A_22, %dma_wait3A_90] : memref<10240x128xf32, #tpu.memory_space<vmem_shared>> -> memref<128x128xf32, #tpu.memory_space<vmem_shared>>
      tpu.wait_dma2 semaphore(%run_scoped3A : memref<!tpu.dma_semaphore, #tpu.memory_space<semaphore_mem>>) src(%arg11 : memref<128x128xf32, #tpu.memory_space<vmem>>) dst(%dma_wait3A_91 : memref<128x128xf32, #tpu.memory_space<vmem_shared>>)
      tpu.yield
    }) : () -> ()
    %mul3A_23 = arith.constant 640 : i32
    %mul3A_24 = arith.muli %arg1, %mul3A_23 : i32
    %add3A_25 = arith.constant 256 : i32
    %add3A_26 = arith.addi %mul3A_24, %add3A_25 : i32
    "tpu.region"() ({
      %run_scoped3A = tpu.sem_alloc : memref<!tpu.dma_semaphore, #tpu.memory_space<semaphore_mem>>
      %dma_start3A = arith.constant 0 : i32
      %dma_start3A_86 = tpu.memref_slice %arg13[%add3A_26, %dma_start3A] : memref<10240x128xf32, #tpu.memory_space<vmem_shared>> -> memref<128x128xf32, #tpu.memory_space<vmem_shared>>
      %dma_start3A_87 = arith.constant 0 : i32
      %dma_start3A_88 = tpu.memref_slice %arg13[%add3A_26, %dma_start3A_87] : memref<10240x128xf32, #tpu.memory_space<vmem_shared>> -> memref<128x128xf32, #tpu.memory_space<vmem_shared>>
      tpu.enqueue_dma source(%arg11 : memref<128x128xf32, #tpu.memory_space<vmem>>) target(%dma_start3A_88 : memref<128x128xf32, #tpu.memory_space<vmem_shared>>) target_semaphore(%run_scoped3A : memref<!tpu.dma_semaphore, #tpu.memory_space<semaphore_mem>>)
      %dma_wait3A = arith.constant 0 : i32
      %dma_wait3A_89 = tpu.memref_slice %arg13[%add3A_26, %dma_wait3A] : memref<10240x128xf32, #tpu.memory_space<vmem_shared>> -> memref<128x128xf32, #tpu.memory_space<vmem_shared>>
      %dma_wait3A_90 = arith.constant 0 : i32
      %dma_wait3A_91 = tpu.memref_slice %arg13[%add3A_26, %dma_wait3A_90] : memref<10240x128xf32, #tpu.memory_space<vmem_shared>> -> memref<128x128xf32, #tpu.memory_space<vmem_shared>>
      tpu.wait_dma2 semaphore(%run_scoped3A : memref<!tpu.dma_semaphore, #tpu.memory_space<semaphore_mem>>) src(%arg11 : memref<128x128xf32, #tpu.memory_space<vmem>>) dst(%dma_wait3A_91 : memref<128x128xf32, #tpu.memory_space<vmem_shared>>)
      tpu.yield
    }) : () -> ()
    %mul3A_27 = arith.constant 640 : i32
    %mul3A_28 = arith.muli %arg1, %mul3A_27 : i32
    %add3A_29 = arith.constant 384 : i32
    %add3A_30 = arith.addi %mul3A_28, %add3A_29 : i32
    "tpu.region"() ({
      %run_scoped3A = tpu.sem_alloc : memref<!tpu.dma_semaphore, #tpu.memory_space<semaphore_mem>>
      %dma_start3A = arith.constant 0 : i32
      %dma_start3A_86 = tpu.memref_slice %arg13[%add3A_30, %dma_start3A] : memref<10240x128xf32, #tpu.memory_space<vmem_shared>> -> memref<128x128xf32, #tpu.memory_space<vmem_shared>>
      %dma_start3A_87 = arith.constant 0 : i32
      %dma_start3A_88 = tpu.memref_slice %arg13[%add3A_30, %dma_start3A_87] : memref<10240x128xf32, #tpu.memory_space<vmem_shared>> -> memref<128x128xf32, #tpu.memory_space<vmem_shared>>
      tpu.enqueue_dma source(%arg11 : memref<128x128xf32, #tpu.memory_space<vmem>>) target(%dma_start3A_88 : memref<128x128xf32, #tpu.memory_space<vmem_shared>>) target_semaphore(%run_scoped3A : memref<!tpu.dma_semaphore, #tpu.memory_space<semaphore_mem>>)
      %dma_wait3A = arith.constant 0 : i32
      %dma_wait3A_89 = tpu.memref_slice %arg13[%add3A_30, %dma_wait3A] : memref<10240x128xf32, #tpu.memory_space<vmem_shared>> -> memref<128x128xf32, #tpu.memory_space<vmem_shared>>
      %dma_wait3A_90 = arith.constant 0 : i32
      %dma_wait3A_91 = tpu.memref_slice %arg13[%add3A_30, %dma_wait3A_90] : memref<10240x128xf32, #tpu.memory_space<vmem_shared>> -> memref<128x128xf32, #tpu.memory_space<vmem_shared>>
      tpu.wait_dma2 semaphore(%run_scoped3A : memref<!tpu.dma_semaphore, #tpu.memory_space<semaphore_mem>>) src(%arg11 : memref<128x128xf32, #tpu.memory_space<vmem>>) dst(%dma_wait3A_91 : memref<128x128xf32, #tpu.memory_space<vmem_shared>>)
      tpu.yield
    }) : () -> ()
    %mul3A_31 = arith.constant 640 : i32
    %mul3A_32 = arith.muli %arg1, %mul3A_31 : i32
    %add3A_33 = arith.constant 512 : i32
    %add3A_34 = arith.addi %mul3A_32, %add3A_33 : i32
    "tpu.region"() ({
      %run_scoped3A = tpu.sem_alloc : memref<!tpu.dma_semaphore, #tpu.memory_space<semaphore_mem>>
      %dma_start3A = arith.constant 0 : i32
      %dma_start3A_86 = tpu.memref_slice %arg13[%add3A_34, %dma_start3A] : memref<10240x128xf32, #tpu.memory_space<vmem_shared>> -> memref<128x128xf32, #tpu.memory_space<vmem_shared>>
      %dma_start3A_87 = arith.constant 0 : i32
      %dma_start3A_88 = tpu.memref_slice %arg13[%add3A_34, %dma_start3A_87] : memref<10240x128xf32, #tpu.memory_space<vmem_shared>> -> memref<128x128xf32, #tpu.memory_space<vmem_shared>>
      tpu.enqueue_dma source(%arg11 : memref<128x128xf32, #tpu.memory_space<vmem>>) target(%dma_start3A_88 : memref<128x128xf32, #tpu.memory_space<vmem_shared>>) target_semaphore(%run_scoped3A : memref<!tpu.dma_semaphore, #tpu.memory_space<semaphore_mem>>)
      %dma_wait3A = arith.constant 0 : i32
      %dma_wait3A_89 = tpu.memref_slice %arg13[%add3A_34, %dma_wait3A] : memref<10240x128xf32, #tpu.memory_space<vmem_shared>> -> memref<128x128xf32, #tpu.memory_space<vmem_shared>>
      %dma_wait3A_90 = arith.constant 0 : i32
      %dma_wait3A_91 = tpu.memref_slice %arg13[%add3A_34, %dma_wait3A_90] : memref<10240x128xf32, #tpu.memory_space<vmem_shared>> -> memref<128x128xf32, #tpu.memory_space<vmem_shared>>
      tpu.wait_dma2 semaphore(%run_scoped3A : memref<!tpu.dma_semaphore, #tpu.memory_space<semaphore_mem>>) src(%arg11 : memref<128x128xf32, #tpu.memory_space<vmem>>) dst(%dma_wait3A_91 : memref<128x128xf32, #tpu.memory_space<vmem_shared>>)
      tpu.yield
    }) : () -> ()
    %barrier3A = arith.constant 0 : index
    tpu.barrier barrier_id(%barrier3A)
    %eq3A_35 = arith.constant 0 : i32
    %eq3A_36 = arith.cmpi eq, %arg0, %eq3A_35 : i32
    %jit3A = arith.constant 61 : i32
    %jit3A_37 = arith.constant 19 : i32
    %select_n3A_38 = arith.select %eq3A_36, %jit3A, %jit3A_37 : i32
    %while3A = arith.constant 0 : i32
    %while3A_39 = arith.constant 0 : i32
    %while3A_40 = arith.subi %select_n3A_38, %while3A : i32
    %while3A_41 = arith.addi %while3A, %while3A_40 : i32
    %while3A_42 = arith.constant 1 : i32
    %while3A_43 = arith.divsi %while3A_40, %while3A_42 : i32
    %while3A_44 = arith.muli %while3A_43, %while3A_42 : i32
    %while3A_45 = arith.addi %while3A, %while3A_44 : i32
    %while3A_46 = arith.constant 1 : i32
    %while3A_47 = scf.for %while3A_86 = %while3A to %while3A_45 step %while3A_46 iter_args(%while3A_87 = %while3A_39) -> (i32)  : i32 {
      %mul3A_88 = arith.constant 2 : i32
      %mul3A_89 = arith.muli %while3A_86, %mul3A_88 : i32
      %add3A_90 = arith.constant 0 : i32
      %add3A_91 = arith.addi %mul3A_89, %add3A_90 : i32
      %mul3A_92 = arith.constant 128 : i32
      %mul3A_93 = arith.muli %add3A_91, %mul3A_92 : i32
      %add3A_94 = arith.constant 0 : i32
      %add3A_95 = arith.addi %mul3A_93, %add3A_94 : i32
      %get3A = arith.index_cast %add3A_95 : i32 to index
      %get3A_96 = tpu.vector_load %arg6[%get3A] {strides = array<i32>} : memref<15616xi32, #tpu.memory_space<vmem>>, vector<16xi32>,
      %get3A_97 = vector.shape_cast %get3A_96 : vector<16xi32> to vector<16xi32>
      %swap3A = arith.constant 0 : index
      %swap3A_98 = tpu.vector_load %arg7[%swap3A] {strides = array<i32>} : memref<128xi32, #tpu.memory_space<vmem>>, vector<16xi32>,
      %swap3A_99 = vector.shape_cast %swap3A_98 : vector<16xi32> to vector<16xi32>
      %swap3A_100 = vector.shape_cast %get3A_97 : vector<16xi32> to vector<16xi32>
      tpu.vector_store %arg7[%swap3A], %swap3A_100 {strides = array<i32>} : memref<128xi32, #tpu.memory_space<vmem>>, vector<16xi32>,
      %mul3A_101 = arith.constant 2 : i32
      %mul3A_102 = arith.muli %while3A_86, %mul3A_101 : i32
      %add3A_103 = arith.constant 0 : i32
      %add3A_104 = arith.addi %mul3A_102, %add3A_103 : i32
      %mul3A_105 = arith.constant 128 : i32
      %mul3A_106 = arith.muli %add3A_104, %mul3A_105 : i32
      %add3A_107 = arith.constant 16 : i32
      %add3A_108 = arith.addi %mul3A_106, %add3A_107 : i32
      %get3A_109 = arith.index_cast %add3A_108 : i32 to index
      %get3A_110 = tpu.vector_load %arg6[%get3A_109] {strides = array<i32>} : memref<15616xi32, #tpu.memory_space<vmem>>, vector<16xi32>,
      %get3A_111 = vector.shape_cast %get3A_110 : vector<16xi32> to vector<16xi32>
      %swap3A_112 = arith.constant 16 : index
      %swap3A_113 = tpu.vector_load %arg7[%swap3A_112] {strides = array<i32>} : memref<128xi32, #tpu.memory_space<vmem>>, vector<16xi32>,
      %swap3A_114 = vector.shape_cast %swap3A_113 : vector<16xi32> to vector<16xi32>
      %swap3A_115 = vector.shape_cast %get3A_111 : vector<16xi32> to vector<16xi32>
      tpu.vector_store %arg7[%swap3A_112], %swap3A_115 {strides = array<i32>} : memref<128xi32, #tpu.memory_space<vmem>>, vector<16xi32>,
      %mul3A_116 = arith.constant 2 : i32
      %mul3A_117 = arith.muli %while3A_86, %mul3A_116 : i32
      %add3A_118 = arith.constant 0 : i32
      %add3A_119 = arith.addi %mul3A_117, %add3A_118 : i32
      %mul3A_120 = arith.constant 128 : i32
      %mul3A_121 = arith.muli %add3A_119, %mul3A_120 : i32
      %add3A_122 = arith.constant 32 : i32
      %add3A_123 = arith.addi %mul3A_121, %add3A_122 : i32
      %get3A_124 = arith.index_cast %add3A_123 : i32 to index
      %get3A_125 = tpu.vector_load %arg6[%get3A_124] {strides = array<i32>} : memref<15616xi32, #tpu.memory_space<vmem>>, vector<16xi32>,
      %get3A_126 = vector.shape_cast %get3A_125 : vector<16xi32> to vector<16xi32>
      %swap3A_127 = arith.constant 32 : index
      %swap3A_128 = tpu.vector_load %arg7[%swap3A_127] {strides = array<i32>} : memref<128xi32, #tpu.memory_space<vmem>>, vector<16xi32>,
      %swap3A_129 = vector.shape_cast %swap3A_128 : vector<16xi32> to vector<16xi32>
      %swap3A_130 = vector.shape_cast %get3A_126 : vector<16xi32> to vector<16xi32>
      tpu.vector_store %arg7[%swap3A_127], %swap3A_130 {strides = array<i32>} : memref<128xi32, #tpu.memory_space<vmem>>, vector<16xi32>,
      %mul3A_131 = arith.constant 2 : i32
      %mul3A_132 = arith.muli %while3A_86, %mul3A_131 : i32
      %add3A_133 = arith.constant 0 : i32
      %add3A_134 = arith.addi %mul3A_132, %add3A_133 : i32
      %mul3A_135 = arith.constant 128 : i32
      %mul3A_136 = arith.muli %add3A_134, %mul3A_135 : i32
      %add3A_137 = arith.constant 48 : i32
      %add3A_138 = arith.addi %mul3A_136, %add3A_137 : i32
      %get3A_139 = arith.index_cast %add3A_138 : i32 to index
      %get3A_140 = tpu.vector_load %arg6[%get3A_139] {strides = array<i32>} : memref<15616xi32, #tpu.memory_space<vmem>>, vector<16xi32>,
      %get3A_141 = vector.shape_cast %get3A_140 : vector<16xi32> to vector<16xi32>
      %swap3A_142 = arith.constant 48 : index
      %swap3A_143 = tpu.vector_load %arg7[%swap3A_142] {strides = array<i32>} : memref<128xi32, #tpu.memory_space<vmem>>, vector<16xi32>,
      %swap3A_144 = vector.shape_cast %swap3A_143 : vector<16xi32> to vector<16xi32>
      %swap3A_145 = vector.shape_cast %get3A_141 : vector<16xi32> to vector<16xi32>
      tpu.vector_store %arg7[%swap3A_142], %swap3A_145 {strides = array<i32>} : memref<128xi32, #tpu.memory_space<vmem>>, vector<16xi32>,
      %mul3A_146 = arith.constant 2 : i32
      %mul3A_147 = arith.muli %while3A_86, %mul3A_146 : i32
      %add3A_148 = arith.constant 0 : i32
      %add3A_149 = arith.addi %mul3A_147, %add3A_148 : i32
      %mul3A_150 = arith.constant 128 : i32
      %mul3A_151 = arith.muli %add3A_149, %mul3A_150 : i32
      %add3A_152 = arith.constant 64 : i32
      %add3A_153 = arith.addi %mul3A_151, %add3A_152 : i32
      %get3A_154 = arith.index_cast %add3A_153 : i32 to index
      %get3A_155 = tpu.vector_load %arg6[%get3A_154] {strides = array<i32>} : memref<15616xi32, #tpu.memory_space<vmem>>, vector<16xi32>,
      %get3A_156 = vector.shape_cast %get3A_155 : vector<16xi32> to vector<16xi32>
      %swap3A_157 = arith.constant 64 : index
      %swap3A_158 = tpu.vector_load %arg7[%swap3A_157] {strides = array<i32>} : memref<128xi32, #tpu.memory_space<vmem>>, vector<16xi32>,
      %swap3A_159 = vector.shape_cast %swap3A_158 : vector<16xi32> to vector<16xi32>
      %swap3A_160 = vector.shape_cast %get3A_156 : vector<16xi32> to vector<16xi32>
      tpu.vector_store %arg7[%swap3A_157], %swap3A_160 {strides = array<i32>} : memref<128xi32, #tpu.memory_space<vmem>>, vector<16xi32>,
      %mul3A_161 = arith.constant 2 : i32
      %mul3A_162 = arith.muli %while3A_86, %mul3A_161 : i32
      %add3A_163 = arith.constant 0 : i32
      %add3A_164 = arith.addi %mul3A_162, %add3A_163 : i32
      %mul3A_165 = arith.constant 128 : i32
      %mul3A_166 = arith.muli %add3A_164, %mul3A_165 : i32
      %add3A_167 = arith.constant 80 : i32
      %add3A_168 = arith.addi %mul3A_166, %add3A_167 : i32
      %get3A_169 = arith.index_cast %add3A_168 : i32 to index
      %get3A_170 = tpu.vector_load %arg6[%get3A_169] {strides = array<i32>} : memref<15616xi32, #tpu.memory_space<vmem>>, vector<16xi32>,
      %get3A_171 = vector.shape_cast %get3A_170 : vector<16xi32> to vector<16xi32>
      %swap3A_172 = arith.constant 80 : index
      %swap3A_173 = tpu.vector_load %arg7[%swap3A_172] {strides = array<i32>} : memref<128xi32, #tpu.memory_space<vmem>>, vector<16xi32>,
      %swap3A_174 = vector.shape_cast %swap3A_173 : vector<16xi32> to vector<16xi32>
      %swap3A_175 = vector.shape_cast %get3A_171 : vector<16xi32> to vector<16xi32>
      tpu.vector_store %arg7[%swap3A_172], %swap3A_175 {strides = array<i32>} : memref<128xi32, #tpu.memory_space<vmem>>, vector<16xi32>,
      %mul3A_176 = arith.constant 2 : i32
      %mul3A_177 = arith.muli %while3A_86, %mul3A_176 : i32
      %add3A_178 = arith.constant 0 : i32
      %add3A_179 = arith.addi %mul3A_177, %add3A_178 : i32
      %mul3A_180 = arith.constant 128 : i32
      %mul3A_181 = arith.muli %add3A_179, %mul3A_180 : i32
      %add3A_182 = arith.constant 96 : i32
      %add3A_183 = arith.addi %mul3A_181, %add3A_182 : i32
      %get3A_184 = arith.index_cast %add3A_183 : i32 to index
      %get3A_185 = tpu.vector_load %arg6[%get3A_184] {strides = array<i32>} : memref<15616xi32, #tpu.memory_space<vmem>>, vector<16xi32>,
      %get3A_186 = vector.shape_cast %get3A_185 : vector<16xi32> to vector<16xi32>
      %swap3A_187 = arith.constant 96 : index
      %swap3A_188 = tpu.vector_load %arg7[%swap3A_187] {strides = array<i32>} : memref<128xi32, #tpu.memory_space<vmem>>, vector<16xi32>,
      %swap3A_189 = vector.shape_cast %swap3A_188 : vector<16xi32> to vector<16xi32>
      %swap3A_190 = vector.shape_cast %get3A_186 : vector<16xi32> to vector<16xi32>
      tpu.vector_store %arg7[%swap3A_187], %swap3A_190 {strides = array<i32>} : memref<128xi32, #tpu.memory_space<vmem>>, vector<16xi32>,
      %mul3A_191 = arith.constant 2 : i32
      %mul3A_192 = arith.muli %while3A_86, %mul3A_191 : i32
      %add3A_193 = arith.constant 0 : i32
      %add3A_194 = arith.addi %mul3A_192, %add3A_193 : i32
      %mul3A_195 = arith.constant 128 : i32
      %mul3A_196 = arith.muli %add3A_194, %mul3A_195 : i32
      %add3A_197 = arith.constant 112 : i32
      %add3A_198 = arith.addi %mul3A_196, %add3A_197 : i32
      %get3A_199 = arith.index_cast %add3A_198 : i32 to index
      %get3A_200 = tpu.vector_load %arg6[%get3A_199] {strides = array<i32>} : memref<15616xi32, #tpu.memory_space<vmem>>, vector<16xi32>,
      %get3A_201 = vector.shape_cast %get3A_200 : vector<16xi32> to vector<16xi32>
      %swap3A_202 = arith.constant 112 : index
      %swap3A_203 = tpu.vector_load %arg7[%swap3A_202] {strides = array<i32>} : memref<128xi32, #tpu.memory_space<vmem>>, vector<16xi32>,
      %swap3A_204 = vector.shape_cast %swap3A_203 : vector<16xi32> to vector<16xi32>
      %swap3A_205 = vector.shape_cast %get3A_201 : vector<16xi32> to vector<16xi32>
      tpu.vector_store %arg7[%swap3A_202], %swap3A_205 {strides = array<i32>} : memref<128xi32, #tpu.memory_space<vmem>>, vector<16xi32>,
      %dma_start3A = arith.constant 0 : i32
      %dma_start3A_206 = arith.constant 0 : i32
      %dma_start3A_207 = tpu.memref_slice %arg2[%dma_start3A, %dma_start3A_206] : memref<10000x128xf32, #tpu.memory_space<hbm>> -> memref<10000x128xf32, #tpu.memory_space<hbm>>
      tpu.enqueue_indirect_dma source(%dma_start3A_207 : memref<10000x128xf32, #tpu.memory_space<hbm>>) target(%arg11 : memref<128x128xf32, #tpu.memory_space<vmem>>) offsets(%arg7 : memref<128xi32, #tpu.memory_space<vmem>>) semaphore(%arg14 : memref<!tpu.dma_semaphore, #tpu.memory_space<semaphore_mem>>)
      %mul3A_208 = arith.constant 2 : i32
      %mul3A_209 = arith.muli %while3A_86, %mul3A_208 : i32
      %add3A_210 = arith.constant 0 : i32
      %add3A_211 = arith.addi %mul3A_209, %add3A_210 : i32
      %mul3A_212 = arith.constant 128 : i32
      %mul3A_213 = arith.muli %add3A_211, %mul3A_212 : i32
      %add3A_214 = arith.addi %select_n3A, %mul3A_213 : i32
      %dma_start3A_215 = tpu.memref_slice %arg4[%add3A_214] : memref<327680xi32, #tpu.memory_space<hbm>> -> memref<128xi32, #tpu.memory_space<hbm>>
      %dma_start3A_216 = tpu.memref_slice %arg4[%add3A_214] : memref<327680xi32, #tpu.memory_space<hbm>> -> memref<128xi32, #tpu.memory_space<hbm>>
      tpu.enqueue_dma source(%dma_start3A_216 : memref<128xi32, #tpu.memory_space<hbm>>) target(%arg9 : memref<128xi32, #tpu.memory_space<vmem>>) target_semaphore(%arg16 : memref<!tpu.dma_semaphore, #tpu.memory_space<semaphore_mem>>)
      %mul3A_217 = arith.constant 2 : i32
      %mul3A_218 = arith.muli %while3A_86, %mul3A_217 : i32
      %add3A_219 = arith.constant 1 : i32
      %add3A_220 = arith.addi %mul3A_218, %add3A_219 : i32
      %mul3A_221 = arith.constant 128 : i32
      %mul3A_222 = arith.muli %add3A_220, %mul3A_221 : i32
      %add3A_223 = arith.constant 0 : i32
      %add3A_224 = arith.addi %mul3A_222, %add3A_223 : i32
      %get3A_225 = arith.index_cast %add3A_224 : i32 to index
      %get3A_226 = tpu.vector_load %arg6[%get3A_225] {strides = array<i32>} : memref<15616xi32, #tpu.memory_space<vmem>>, vector<16xi32>,
      %get3A_227 = vector.shape_cast %get3A_226 : vector<16xi32> to vector<16xi32>
      %swap3A_228 = arith.constant 0 : index
      %swap3A_229 = tpu.vector_load %arg8[%swap3A_228] {strides = array<i32>} : memref<128xi32, #tpu.memory_space<vmem>>, vector<16xi32>,
      %swap3A_230 = vector.shape_cast %swap3A_229 : vector<16xi32> to vector<16xi32>
      %swap3A_231 = vector.shape_cast %get3A_227 : vector<16xi32> to vector<16xi32>
      tpu.vector_store %arg8[%swap3A_228], %swap3A_231 {strides = array<i32>} : memref<128xi32, #tpu.memory_space<vmem>>, vector<16xi32>,
      %mul3A_232 = arith.constant 2 : i32
      %mul3A_233 = arith.muli %while3A_86, %mul3A_232 : i32
      %add3A_234 = arith.constant 1 : i32
      %add3A_235 = arith.addi %mul3A_233, %add3A_234 : i32
      %mul3A_236 = arith.constant 128 : i32
      %mul3A_237 = arith.muli %add3A_235, %mul3A_236 : i32
      %add3A_238 = arith.constant 16 : i32
      %add3A_239 = arith.addi %mul3A_237, %add3A_238 : i32
      %get3A_240 = arith.index_cast %add3A_239 : i32 to index
      %get3A_241 = tpu.vector_load %arg6[%get3A_240] {strides = array<i32>} : memref<15616xi32, #tpu.memory_space<vmem>>, vector<16xi32>,
      %get3A_242 = vector.shape_cast %get3A_241 : vector<16xi32> to vector<16xi32>
      %swap3A_243 = arith.constant 16 : index
      %swap3A_244 = tpu.vector_load %arg8[%swap3A_243] {strides = array<i32>} : memref<128xi32, #tpu.memory_space<vmem>>, vector<16xi32>,
      %swap3A_245 = vector.shape_cast %swap3A_244 : vector<16xi32> to vector<16xi32>
      %swap3A_246 = vector.shape_cast %get3A_242 : vector<16xi32> to vector<16xi32>
      tpu.vector_store %arg8[%swap3A_243], %swap3A_246 {strides = array<i32>} : memref<128xi32, #tpu.memory_space<vmem>>, vector<16xi32>,
      %mul3A_247 = arith.constant 2 : i32
      %mul3A_248 = arith.muli %while3A_86, %mul3A_247 : i32
      %add3A_249 = arith.constant 1 : i32
      %add3A_250 = arith.addi %mul3A_248, %add3A_249 : i32
      %mul3A_251 = arith.constant 128 : i32
      %mul3A_252 = arith.muli %add3A_250, %mul3A_251 : i32
      %add3A_253 = arith.constant 32 : i32
      %add3A_254 = arith.addi %mul3A_252, %add3A_253 : i32
      %get3A_255 = arith.index_cast %add3A_254 : i32 to index
      %get3A_256 = tpu.vector_load %arg6[%get3A_255] {strides = array<i32>} : memref<15616xi32, #tpu.memory_space<vmem>>, vector<16xi32>,
      %get3A_257 = vector.shape_cast %get3A_256 : vector<16xi32> to vector<16xi32>
      %swap3A_258 = arith.constant 32 : index
      %swap3A_259 = tpu.vector_load %arg8[%swap3A_258] {strides = array<i32>} : memref<128xi32, #tpu.memory_space<vmem>>, vector<16xi32>,
      %swap3A_260 = vector.shape_cast %swap3A_259 : vector<16xi32> to vector<16xi32>
      %swap3A_261 = vector.shape_cast %get3A_257 : vector<16xi32> to vector<16xi32>
      tpu.vector_store %arg8[%swap3A_258], %swap3A_261 {strides = array<i32>} : memref<128xi32, #tpu.memory_space<vmem>>, vector<16xi32>,
      %mul3A_262 = arith.constant 2 : i32
      %mul3A_263 = arith.muli %while3A_86, %mul3A_262 : i32
      %add3A_264 = arith.constant 1 : i32
      %add3A_265 = arith.addi %mul3A_263, %add3A_264 : i32
      %mul3A_266 = arith.constant 128 : i32
      %mul3A_267 = arith.muli %add3A_265, %mul3A_266 : i32
      %add3A_268 = arith.constant 48 : i32
      %add3A_269 = arith.addi %mul3A_267, %add3A_268 : i32
      %get3A_270 = arith.index_cast %add3A_269 : i32 to index
      %get3A_271 = tpu.vector_load %arg6[%get3A_270] {strides = array<i32>} : memref<15616xi32, #tpu.memory_space<vmem>>, vector<16xi32>,
      %get3A_272 = vector.shape_cast %get3A_271 : vector<16xi32> to vector<16xi32>
      %swap3A_273 = arith.constant 48 : index
      %swap3A_274 = tpu.vector_load %arg8[%swap3A_273] {strides = array<i32>} : memref<128xi32, #tpu.memory_space<vmem>>, vector<16xi32>,
      %swap3A_275 = vector.shape_cast %swap3A_274 : vector<16xi32> to vector<16xi32>
      %swap3A_276 = vector.shape_cast %get3A_272 : vector<16xi32> to vector<16xi32>
      tpu.vector_store %arg8[%swap3A_273], %swap3A_276 {strides = array<i32>} : memref<128xi32, #tpu.memory_space<vmem>>, vector<16xi32>,
      %mul3A_277 = arith.constant 2 : i32
      %mul3A_278 = arith.muli %while3A_86, %mul3A_277 : i32
      %add3A_279 = arith.constant 1 : i32
      %add3A_280 = arith.addi %mul3A_278, %add3A_279 : i32
      %mul3A_281 = arith.constant 128 : i32
      %mul3A_282 = arith.muli %add3A_280, %mul3A_281 : i32
      %add3A_283 = arith.constant 64 : i32
      %add3A_284 = arith.addi %mul3A_282, %add3A_283 : i32
      %get3A_285 = arith.index_cast %add3A_284 : i32 to index
      %get3A_286 = tpu.vector_load %arg6[%get3A_285] {strides = array<i32>} : memref<15616xi32, #tpu.memory_space<vmem>>, vector<16xi32>,
      %get3A_287 = vector.shape_cast %get3A_286 : vector<16xi32> to vector<16xi32>
      %swap3A_288 = arith.constant 64 : index
      %swap3A_289 = tpu.vector_load %arg8[%swap3A_288] {strides = array<i32>} : memref<128xi32, #tpu.memory_space<vmem>>, vector<16xi32>,
      %swap3A_290 = vector.shape_cast %swap3A_289 : vector<16xi32> to vector<16xi32>
      %swap3A_291 = vector.shape_cast %get3A_287 : vector<16xi32> to vector<16xi32>
      tpu.vector_store %arg8[%swap3A_288], %swap3A_291 {strides = array<i32>} : memref<128xi32, #tpu.memory_space<vmem>>, vector<16xi32>,
      %mul3A_292 = arith.constant 2 : i32
      %mul3A_293 = arith.muli %while3A_86, %mul3A_292 : i32
      %add3A_294 = arith.constant 1 : i32
      %add3A_295 = arith.addi %mul3A_293, %add3A_294 : i32
      %mul3A_296 = arith.constant 128 : i32
      %mul3A_297 = arith.muli %add3A_295, %mul3A_296 : i32
      %add3A_298 = arith.constant 80 : i32
      %add3A_299 = arith.addi %mul3A_297, %add3A_298 : i32
      %get3A_300 = arith.index_cast %add3A_299 : i32 to index
      %get3A_301 = tpu.vector_load %arg6[%get3A_300] {strides = array<i32>} : memref<15616xi32, #tpu.memory_space<vmem>>, vector<16xi32>,
      %get3A_302 = vector.shape_cast %get3A_301 : vector<16xi32> to vector<16xi32>
      %swap3A_303 = arith.constant 80 : index
      %swap3A_304 = tpu.vector_load %arg8[%swap3A_303] {strides = array<i32>} : memref<128xi32, #tpu.memory_space<vmem>>, vector<16xi32>,
      %swap3A_305 = vector.shape_cast %swap3A_304 : vector<16xi32> to vector<16xi32>
      %swap3A_306 = vector.shape_cast %get3A_302 : vector<16xi32> to vector<16xi32>
      tpu.vector_store %arg8[%swap3A_303], %swap3A_306 {strides = array<i32>} : memref<128xi32, #tpu.memory_space<vmem>>, vector<16xi32>,
      %mul3A_307 = arith.constant 2 : i32
      %mul3A_308 = arith.muli %while3A_86, %mul3A_307 : i32
      %add3A_309 = arith.constant 1 : i32
      %add3A_310 = arith.addi %mul3A_308, %add3A_309 : i32
      %mul3A_311 = arith.constant 128 : i32
      %mul3A_312 = arith.muli %add3A_310, %mul3A_311 : i32
      %add3A_313 = arith.constant 96 : i32
      %add3A_314 = arith.addi %mul3A_312, %add3A_313 : i32
      %get3A_315 = arith.index_cast %add3A_314 : i32 to index
      %get3A_316 = tpu.vector_load %arg6[%get3A_315] {strides = array<i32>} : memref<15616xi32, #tpu.memory_space<vmem>>, vector<16xi32>,
      %get3A_317 = vector.shape_cast %get3A_316 : vector<16xi32> to vector<16xi32>
      %swap3A_318 = arith.constant 96 : index
      %swap3A_319 = tpu.vector_load %arg8[%swap3A_318] {strides = array<i32>} : memref<128xi32, #tpu.memory_space<vmem>>, vector<16xi32>,
      %swap3A_320 = vector.shape_cast %swap3A_319 : vector<16xi32> to vector<16xi32>
      %swap3A_321 = vector.shape_cast %get3A_317 : vector<16xi32> to vector<16xi32>
      tpu.vector_store %arg8[%swap3A_318], %swap3A_321 {strides = array<i32>} : memref<128xi32, #tpu.memory_space<vmem>>, vector<16xi32>,
      %mul3A_322 = arith.constant 2 : i32
      %mul3A_323 = arith.muli %while3A_86, %mul3A_322 : i32
      %add3A_324 = arith.constant 1 : i32
      %add3A_325 = arith.addi %mul3A_323, %add3A_324 : i32
      %mul3A_326 = arith.constant 128 : i32
      %mul3A_327 = arith.muli %add3A_325, %mul3A_326 : i32
      %add3A_328 = arith.constant 112 : i32
      %add3A_329 = arith.addi %mul3A_327, %add3A_328 : i32
      %get3A_330 = arith.index_cast %add3A_329 : i32 to index
      %get3A_331 = tpu.vector_load %arg6[%get3A_330] {strides = array<i32>} : memref<15616xi32, #tpu.memory_space<vmem>>, vector<16xi32>,
      %get3A_332 = vector.shape_cast %get3A_331 : vector<16xi32> to vector<16xi32>
      %swap3A_333 = arith.constant 112 : index
      %swap3A_334 = tpu.vector_load %arg8[%swap3A_333] {strides = array<i32>} : memref<128xi32, #tpu.memory_space<vmem>>, vector<16xi32>,
      %swap3A_335 = vector.shape_cast %swap3A_334 : vector<16xi32> to vector<16xi32>
      %swap3A_336 = vector.shape_cast %get3A_332 : vector<16xi32> to vector<16xi32>
      tpu.vector_store %arg8[%swap3A_333], %swap3A_336 {strides = array<i32>} : memref<128xi32, #tpu.memory_space<vmem>>, vector<16xi32>,
      %dma_start3A_337 = arith.constant 0 : i32
      %dma_start3A_338 = arith.constant 0 : i32
      %dma_start3A_339 = tpu.memref_slice %arg2[%dma_start3A_337, %dma_start3A_338] : memref<10000x128xf32, #tpu.memory_space<hbm>> -> memref<10000x128xf32, #tpu.memory_space<hbm>>
      tpu.enqueue_indirect_dma source(%dma_start3A_339 : memref<10000x128xf32, #tpu.memory_space<hbm>>) target(%arg12 : memref<128x128xf32, #tpu.memory_space<vmem>>) offsets(%arg8 : memref<128xi32, #tpu.memory_space<vmem>>) semaphore(%arg15 : memref<!tpu.dma_semaphore, #tpu.memory_space<semaphore_mem>>)
      %mul3A_340 = arith.constant 2 : i32
      %mul3A_341 = arith.muli %while3A_86, %mul3A_340 : i32
      %add3A_342 = arith.constant 1 : i32
      %add3A_343 = arith.addi %mul3A_341, %add3A_342 : i32
      %mul3A_344 = arith.constant 128 : i32
      %mul3A_345 = arith.muli %add3A_343, %mul3A_344 : i32
      %add3A_346 = arith.addi %select_n3A, %mul3A_345 : i32
      %dma_start3A_347 = tpu.memref_slice %arg4[%add3A_346] : memref<327680xi32, #tpu.memory_space<hbm>> -> memref<128xi32, #tpu.memory_space<hbm>>
      %dma_start3A_348 = tpu.memref_slice %arg4[%add3A_346] : memref<327680xi32, #tpu.memory_space<hbm>> -> memref<128xi32, #tpu.memory_space<hbm>>
      tpu.enqueue_dma source(%dma_start3A_348 : memref<128xi32, #tpu.memory_space<hbm>>) target(%arg10 : memref<128xi32, #tpu.memory_space<vmem>>) target_semaphore(%arg17 : memref<!tpu.dma_semaphore, #tpu.memory_space<semaphore_mem>>)
      %dma_wait3A = arith.constant 0 : i32
      %dma_wait3A_349 = arith.constant 0 : i32
      %dma_wait3A_350 = tpu.memref_slice %arg2[%dma_wait3A, %dma_wait3A_349] : memref<10000x128xf32, #tpu.memory_space<hbm>> -> memref<10000x128xf32, #tpu.memory_space<hbm>>
      tpu.wait_indirect_dma semaphore(%arg14 : memref<!tpu.dma_semaphore, #tpu.memory_space<semaphore_mem>>) src(%dma_wait3A_350 : memref<10000x128xf32, #tpu.memory_space<hbm>>) dst(%arg11 : memref<128x128xf32, #tpu.memory_space<vmem>>)
      %dma_wait3A_351 = tpu.memref_slice %arg4[%add3A_214] : memref<327680xi32, #tpu.memory_space<hbm>> -> memref<128xi32, #tpu.memory_space<hbm>>
      %dma_wait3A_352 = tpu.memref_slice %arg4[%add3A_214] : memref<327680xi32, #tpu.memory_space<hbm>> -> memref<128xi32, #tpu.memory_space<hbm>>
      tpu.wait_dma2 semaphore(%arg16 : memref<!tpu.dma_semaphore, #tpu.memory_space<semaphore_mem>>) src(%dma_wait3A_352 : memref<128xi32, #tpu.memory_space<hbm>>) dst(%arg9 : memref<128xi32, #tpu.memory_space<vmem>>)
      "tpu.region"() ({
        %run_scoped3A = tpu.sem_alloc : memref<!tpu.dma_semaphore, #tpu.memory_space<semaphore_mem>>
        %dma_start3A_359 = arith.constant 0 : i32
        %dma_start3A_360 = arith.constant 0 : i32
        %dma_start3A_361 = tpu.memref_slice %arg13[%dma_start3A_359, %dma_start3A_360] : memref<10240x128xf32, #tpu.memory_space<vmem_shared>> -> memref<10240x128xf32, #tpu.memory_space<vmem_shared>>
        tpu.enqueue_indirect_dma source(%arg11 : memref<128x128xf32, #tpu.memory_space<vmem>>) target(%dma_start3A_361 : memref<10240x128xf32, #tpu.memory_space<vmem_shared>>) offsets(%arg9 : memref<128xi32, #tpu.memory_space<vmem>>) semaphore(%run_scoped3A : memref<!tpu.dma_semaphore, #tpu.memory_space<semaphore_mem>>) {add = true}
        %dma_wait3A_362 = arith.constant 0 : i32
        %dma_wait3A_363 = arith.constant 0 : i32
        %dma_wait3A_364 = tpu.memref_slice %arg13[%dma_wait3A_362, %dma_wait3A_363] : memref<10240x128xf32, #tpu.memory_space<vmem_shared>> -> memref<10240x128xf32, #tpu.memory_space<vmem_shared>>
        tpu.wait_indirect_dma semaphore(%run_scoped3A : memref<!tpu.dma_semaphore, #tpu.memory_space<semaphore_mem>>) src(%arg11 : memref<128x128xf32, #tpu.memory_space<vmem>>) dst(%dma_wait3A_364 : memref<10240x128xf32, #tpu.memory_space<vmem_shared>>)
        tpu.yield
      }) : () -> ()
      %dma_wait3A_353 = arith.constant 0 : i32
      %dma_wait3A_354 = arith.constant 0 : i32
      %dma_wait3A_355 = tpu.memref_slice %arg2[%dma_wait3A_353, %dma_wait3A_354] : memref<10000x128xf32, #tpu.memory_space<hbm>> -> memref<10000x128xf32, #tpu.memory_space<hbm>>
      tpu.wait_indirect_dma semaphore(%arg15 : memref<!tpu.dma_semaphore, #tpu.memory_space<semaphore_mem>>) src(%dma_wait3A_355 : memref<10000x128xf32, #tpu.memory_space<hbm>>) dst(%arg12 : memref<128x128xf32, #tpu.memory_space<vmem>>)
      %dma_wait3A_356 = tpu.memref_slice %arg4[%add3A_346] : memref<327680xi32, #tpu.memory_space<hbm>> -> memref<128xi32, #tpu.memory_space<hbm>>
      %dma_wait3A_357 = tpu.memref_slice %arg4[%add3A_346] : memref<327680xi32, #tpu.memory_space<hbm>> -> memref<128xi32, #tpu.memory_space<hbm>>
      tpu.wait_dma2 semaphore(%arg17 : memref<!tpu.dma_semaphore, #tpu.memory_space<semaphore_mem>>) src(%dma_wait3A_357 : memref<128xi32, #tpu.memory_space<hbm>>) dst(%arg10 : memref<128xi32, #tpu.memory_space<vmem>>)
      "tpu.region"() ({
        %run_scoped3A = tpu.sem_alloc : memref<!tpu.dma_semaphore, #tpu.memory_space<semaphore_mem>>
        %dma_start3A_359 = arith.constant 0 : i32
        %dma_start3A_360 = arith.constant 0 : i32
        %dma_start3A_361 = tpu.memref_slice %arg13[%dma_start3A_359, %dma_start3A_360] : memref<10240x128xf32, #tpu.memory_space<vmem_shared>> -> memref<10240x128xf32, #tpu.memory_space<vmem_shared>>
        tpu.enqueue_indirect_dma source(%arg12 : memref<128x128xf32, #tpu.memory_space<vmem>>) target(%dma_start3A_361 : memref<10240x128xf32, #tpu.memory_space<vmem_shared>>) offsets(%arg10 : memref<128xi32, #tpu.memory_space<vmem>>) semaphore(%run_scoped3A : memref<!tpu.dma_semaphore, #tpu.memory_space<semaphore_mem>>) {add = true}
        %dma_wait3A_362 = arith.constant 0 : i32
        %dma_wait3A_363 = arith.constant 0 : i32
        %dma_wait3A_364 = tpu.memref_slice %arg13[%dma_wait3A_362, %dma_wait3A_363] : memref<10240x128xf32, #tpu.memory_space<vmem_shared>> -> memref<10240x128xf32, #tpu.memory_space<vmem_shared>>
        tpu.wait_indirect_dma semaphore(%run_scoped3A : memref<!tpu.dma_semaphore, #tpu.memory_space<semaphore_mem>>) src(%arg12 : memref<128x128xf32, #tpu.memory_space<vmem>>) dst(%dma_wait3A_364 : memref<10240x128xf32, #tpu.memory_space<vmem_shared>>)
        tpu.yield
      }) : () -> ()
      %while3A_358 = arith.constant 0 : i32
      scf.yield %while3A_358 : i32
    }
    %while3A_48 = arith.constant 1 : i32
    %while3A_49 = scf.for %while3A_86 = %while3A_45 to %while3A_41 step %while3A_48 iter_args(%while3A_87 = %while3A_47) -> (i32)  : i32 {
      %mul3A_88 = arith.constant 2 : i32
      %mul3A_89 = arith.muli %while3A_86, %mul3A_88 : i32
      %add3A_90 = arith.constant 0 : i32
      %add3A_91 = arith.addi %mul3A_89, %add3A_90 : i32
      %mul3A_92 = arith.constant 128 : i32
      %mul3A_93 = arith.muli %add3A_91, %mul3A_92 : i32
      %add3A_94 = arith.constant 0 : i32
      %add3A_95 = arith.addi %mul3A_93, %add3A_94 : i32
      %get3A = arith.index_cast %add3A_95 : i32 to index
      %get3A_96 = tpu.vector_load %arg6[%get3A] {strides = array<i32>} : memref<15616xi32, #tpu.memory_space<vmem>>, vector<16xi32>,
      %get3A_97 = vector.shape_cast %get3A_96 : vector<16xi32> to vector<16xi32>
      %swap3A = arith.constant 0 : index
      %swap3A_98 = tpu.vector_load %arg7[%swap3A] {strides = array<i32>} : memref<128xi32, #tpu.memory_space<vmem>>, vector<16xi32>,
      %swap3A_99 = vector.shape_cast %swap3A_98 : vector<16xi32> to vector<16xi32>
      %swap3A_100 = vector.shape_cast %get3A_97 : vector<16xi32> to vector<16xi32>
      tpu.vector_store %arg7[%swap3A], %swap3A_100 {strides = array<i32>} : memref<128xi32, #tpu.memory_space<vmem>>, vector<16xi32>,
      %mul3A_101 = arith.constant 2 : i32
      %mul3A_102 = arith.muli %while3A_86, %mul3A_101 : i32
      %add3A_103 = arith.constant 0 : i32
      %add3A_104 = arith.addi %mul3A_102, %add3A_103 : i32
      %mul3A_105 = arith.constant 128 : i32
      %mul3A_106 = arith.muli %add3A_104, %mul3A_105 : i32
      %add3A_107 = arith.constant 16 : i32
      %add3A_108 = arith.addi %mul3A_106, %add3A_107 : i32
      %get3A_109 = arith.index_cast %add3A_108 : i32 to index
      %get3A_110 = tpu.vector_load %arg6[%get3A_109] {strides = array<i32>} : memref<15616xi32, #tpu.memory_space<vmem>>, vector<16xi32>,
      %get3A_111 = vector.shape_cast %get3A_110 : vector<16xi32> to vector<16xi32>
      %swap3A_112 = arith.constant 16 : index
      %swap3A_113 = tpu.vector_load %arg7[%swap3A_112] {strides = array<i32>} : memref<128xi32, #tpu.memory_space<vmem>>, vector<16xi32>,
      %swap3A_114 = vector.shape_cast %swap3A_113 : vector<16xi32> to vector<16xi32>
      %swap3A_115 = vector.shape_cast %get3A_111 : vector<16xi32> to vector<16xi32>
      tpu.vector_store %arg7[%swap3A_112], %swap3A_115 {strides = array<i32>} : memref<128xi32, #tpu.memory_space<vmem>>, vector<16xi32>,
      %mul3A_116 = arith.constant 2 : i32
      %mul3A_117 = arith.muli %while3A_86, %mul3A_116 : i32
      %add3A_118 = arith.constant 0 : i32
      %add3A_119 = arith.addi %mul3A_117, %add3A_118 : i32
      %mul3A_120 = arith.constant 128 : i32
      %mul3A_121 = arith.muli %add3A_119, %mul3A_120 : i32
      %add3A_122 = arith.constant 32 : i32
      %add3A_123 = arith.addi %mul3A_121, %add3A_122 : i32
      %get3A_124 = arith.index_cast %add3A_123 : i32 to index
      %get3A_125 = tpu.vector_load %arg6[%get3A_124] {strides = array<i32>} : memref<15616xi32, #tpu.memory_space<vmem>>, vector<16xi32>,
      %get3A_126 = vector.shape_cast %get3A_125 : vector<16xi32> to vector<16xi32>
      %swap3A_127 = arith.constant 32 : index
      %swap3A_128 = tpu.vector_load %arg7[%swap3A_127] {strides = array<i32>} : memref<128xi32, #tpu.memory_space<vmem>>, vector<16xi32>,
      %swap3A_129 = vector.shape_cast %swap3A_128 : vector<16xi32> to vector<16xi32>
      %swap3A_130 = vector.shape_cast %get3A_126 : vector<16xi32> to vector<16xi32>
      tpu.vector_store %arg7[%swap3A_127], %swap3A_130 {strides = array<i32>} : memref<128xi32, #tpu.memory_space<vmem>>, vector<16xi32>,
      %mul3A_131 = arith.constant 2 : i32
      %mul3A_132 = arith.muli %while3A_86, %mul3A_131 : i32
      %add3A_133 = arith.constant 0 : i32
      %add3A_134 = arith.addi %mul3A_132, %add3A_133 : i32
      %mul3A_135 = arith.constant 128 : i32
      %mul3A_136 = arith.muli %add3A_134, %mul3A_135 : i32
      %add3A_137 = arith.constant 48 : i32
      %add3A_138 = arith.addi %mul3A_136, %add3A_137 : i32
      %get3A_139 = arith.index_cast %add3A_138 : i32 to index
      %get3A_140 = tpu.vector_load %arg6[%get3A_139] {strides = array<i32>} : memref<15616xi32, #tpu.memory_space<vmem>>, vector<16xi32>,
      %get3A_141 = vector.shape_cast %get3A_140 : vector<16xi32> to vector<16xi32>
      %swap3A_142 = arith.constant 48 : index
      %swap3A_143 = tpu.vector_load %arg7[%swap3A_142] {strides = array<i32>} : memref<128xi32, #tpu.memory_space<vmem>>, vector<16xi32>,
      %swap3A_144 = vector.shape_cast %swap3A_143 : vector<16xi32> to vector<16xi32>
      %swap3A_145 = vector.shape_cast %get3A_141 : vector<16xi32> to vector<16xi32>
      tpu.vector_store %arg7[%swap3A_142], %swap3A_145 {strides = array<i32>} : memref<128xi32, #tpu.memory_space<vmem>>, vector<16xi32>,
      %mul3A_146 = arith.constant 2 : i32
      %mul3A_147 = arith.muli %while3A_86, %mul3A_146 : i32
      %add3A_148 = arith.constant 0 : i32
      %add3A_149 = arith.addi %mul3A_147, %add3A_148 : i32
      %mul3A_150 = arith.constant 128 : i32
      %mul3A_151 = arith.muli %add3A_149, %mul3A_150 : i32
      %add3A_152 = arith.constant 64 : i32
      %add3A_153 = arith.addi %mul3A_151, %add3A_152 : i32
      %get3A_154 = arith.index_cast %add3A_153 : i32 to index
      %get3A_155 = tpu.vector_load %arg6[%get3A_154] {strides = array<i32>} : memref<15616xi32, #tpu.memory_space<vmem>>, vector<16xi32>,
      %get3A_156 = vector.shape_cast %get3A_155 : vector<16xi32> to vector<16xi32>
      %swap3A_157 = arith.constant 64 : index
      %swap3A_158 = tpu.vector_load %arg7[%swap3A_157] {strides = array<i32>} : memref<128xi32, #tpu.memory_space<vmem>>, vector<16xi32>,
      %swap3A_159 = vector.shape_cast %swap3A_158 : vector<16xi32> to vector<16xi32>
      %swap3A_160 = vector.shape_cast %get3A_156 : vector<16xi32> to vector<16xi32>
      tpu.vector_store %arg7[%swap3A_157], %swap3A_160 {strides = array<i32>} : memref<128xi32, #tpu.memory_space<vmem>>, vector<16xi32>,
      %mul3A_161 = arith.constant 2 : i32
      %mul3A_162 = arith.muli %while3A_86, %mul3A_161 : i32
      %add3A_163 = arith.constant 0 : i32
      %add3A_164 = arith.addi %mul3A_162, %add3A_163 : i32
      %mul3A_165 = arith.constant 128 : i32
      %mul3A_166 = arith.muli %add3A_164, %mul3A_165 : i32
      %add3A_167 = arith.constant 80 : i32
      %add3A_168 = arith.addi %mul3A_166, %add3A_167 : i32
      %get3A_169 = arith.index_cast %add3A_168 : i32 to index
      %get3A_170 = tpu.vector_load %arg6[%get3A_169] {strides = array<i32>} : memref<15616xi32, #tpu.memory_space<vmem>>, vector<16xi32>,
      %get3A_171 = vector.shape_cast %get3A_170 : vector<16xi32> to vector<16xi32>
      %swap3A_172 = arith.constant 80 : index
      %swap3A_173 = tpu.vector_load %arg7[%swap3A_172] {strides = array<i32>} : memref<128xi32, #tpu.memory_space<vmem>>, vector<16xi32>,
      %swap3A_174 = vector.shape_cast %swap3A_173 : vector<16xi32> to vector<16xi32>
      %swap3A_175 = vector.shape_cast %get3A_171 : vector<16xi32> to vector<16xi32>
      tpu.vector_store %arg7[%swap3A_172], %swap3A_175 {strides = array<i32>} : memref<128xi32, #tpu.memory_space<vmem>>, vector<16xi32>,
      %mul3A_176 = arith.constant 2 : i32
      %mul3A_177 = arith.muli %while3A_86, %mul3A_176 : i32
      %add3A_178 = arith.constant 0 : i32
      %add3A_179 = arith.addi %mul3A_177, %add3A_178 : i32
      %mul3A_180 = arith.constant 128 : i32
      %mul3A_181 = arith.muli %add3A_179, %mul3A_180 : i32
      %add3A_182 = arith.constant 96 : i32
      %add3A_183 = arith.addi %mul3A_181, %add3A_182 : i32
      %get3A_184 = arith.index_cast %add3A_183 : i32 to index
      %get3A_185 = tpu.vector_load %arg6[%get3A_184] {strides = array<i32>} : memref<15616xi32, #tpu.memory_space<vmem>>, vector<16xi32>,
      %get3A_186 = vector.shape_cast %get3A_185 : vector<16xi32> to vector<16xi32>
      %swap3A_187 = arith.constant 96 : index
      %swap3A_188 = tpu.vector_load %arg7[%swap3A_187] {strides = array<i32>} : memref<128xi32, #tpu.memory_space<vmem>>, vector<16xi32>,
      %swap3A_189 = vector.shape_cast %swap3A_188 : vector<16xi32> to vector<16xi32>
      %swap3A_190 = vector.shape_cast %get3A_186 : vector<16xi32> to vector<16xi32>
      tpu.vector_store %arg7[%swap3A_187], %swap3A_190 {strides = array<i32>} : memref<128xi32, #tpu.memory_space<vmem>>, vector<16xi32>,
      %mul3A_191 = arith.constant 2 : i32
      %mul3A_192 = arith.muli %while3A_86, %mul3A_191 : i32
      %add3A_193 = arith.constant 0 : i32
      %add3A_194 = arith.addi %mul3A_192, %add3A_193 : i32
      %mul3A_195 = arith.constant 128 : i32
      %mul3A_196 = arith.muli %add3A_194, %mul3A_195 : i32
      %add3A_197 = arith.constant 112 : i32
      %add3A_198 = arith.addi %mul3A_196, %add3A_197 : i32
      %get3A_199 = arith.index_cast %add3A_198 : i32 to index
      %get3A_200 = tpu.vector_load %arg6[%get3A_199] {strides = array<i32>} : memref<15616xi32, #tpu.memory_space<vmem>>, vector<16xi32>,
      %get3A_201 = vector.shape_cast %get3A_200 : vector<16xi32> to vector<16xi32>
      %swap3A_202 = arith.constant 112 : index
      %swap3A_203 = tpu.vector_load %arg7[%swap3A_202] {strides = array<i32>} : memref<128xi32, #tpu.memory_space<vmem>>, vector<16xi32>,
      %swap3A_204 = vector.shape_cast %swap3A_203 : vector<16xi32> to vector<16xi32>
      %swap3A_205 = vector.shape_cast %get3A_201 : vector<16xi32> to vector<16xi32>
      tpu.vector_store %arg7[%swap3A_202], %swap3A_205 {strides = array<i32>} : memref<128xi32, #tpu.memory_space<vmem>>, vector<16xi32>,
      %dma_start3A = arith.constant 0 : i32
      %dma_start3A_206 = arith.constant 0 : i32
      %dma_start3A_207 = tpu.memref_slice %arg2[%dma_start3A, %dma_start3A_206] : memref<10000x128xf32, #tpu.memory_space<hbm>> -> memref<10000x128xf32, #tpu.memory_space<hbm>>
      tpu.enqueue_indirect_dma source(%dma_start3A_207 : memref<10000x128xf32, #tpu.memory_space<hbm>>) target(%arg11 : memref<128x128xf32, #tpu.memory_space<vmem>>) offsets(%arg7 : memref<128xi32, #tpu.memory_space<vmem>>) semaphore(%arg14 : memref<!tpu.dma_semaphore, #tpu.memory_space<semaphore_mem>>)
      %mul3A_208 = arith.constant 2 : i32
      %mul3A_209 = arith.muli %while3A_86, %mul3A_208 : i32
      %add3A_210 = arith.constant 0 : i32
      %add3A_211 = arith.addi %mul3A_209, %add3A_210 : i32
      %mul3A_212 = arith.constant 128 : i32
      %mul3A_213 = arith.muli %add3A_211, %mul3A_212 : i32
      %add3A_214 = arith.addi %select_n3A, %mul3A_213 : i32
      %dma_start3A_215 = tpu.memref_slice %arg4[%add3A_214] : memref<327680xi32, #tpu.memory_space<hbm>> -> memref<128xi32, #tpu.memory_space<hbm>>
      %dma_start3A_216 = tpu.memref_slice %arg4[%add3A_214] : memref<327680xi32, #tpu.memory_space<hbm>> -> memref<128xi32, #tpu.memory_space<hbm>>
      tpu.enqueue_dma source(%dma_start3A_216 : memref<128xi32, #tpu.memory_space<hbm>>) target(%arg9 : memref<128xi32, #tpu.memory_space<vmem>>) target_semaphore(%arg16 : memref<!tpu.dma_semaphore, #tpu.memory_space<semaphore_mem>>)
      %mul3A_217 = arith.constant 2 : i32
      %mul3A_218 = arith.muli %while3A_86, %mul3A_217 : i32
      %add3A_219 = arith.constant 1 : i32
      %add3A_220 = arith.addi %mul3A_218, %add3A_219 : i32
      %mul3A_221 = arith.constant 128 : i32
      %mul3A_222 = arith.muli %add3A_220, %mul3A_221 : i32
      %add3A_223 = arith.constant 0 : i32
      %add3A_224 = arith.addi %mul3A_222, %add3A_223 : i32
      %get3A_225 = arith.index_cast %add3A_224 : i32 to index
      %get3A_226 = tpu.vector_load %arg6[%get3A_225] {strides = array<i32>} : memref<15616xi32, #tpu.memory_space<vmem>>, vector<16xi32>,
      %get3A_227 = vector.shape_cast %get3A_226 : vector<16xi32> to vector<16xi32>
      %swap3A_228 = arith.constant 0 : index
      %swap3A_229 = tpu.vector_load %arg8[%swap3A_228] {strides = array<i32>} : memref<128xi32, #tpu.memory_space<vmem>>, vector<16xi32>,
      %swap3A_230 = vector.shape_cast %swap3A_229 : vector<16xi32> to vector<16xi32>
      %swap3A_231 = vector.shape_cast %get3A_227 : vector<16xi32> to vector<16xi32>
      tpu.vector_store %arg8[%swap3A_228], %swap3A_231 {strides = array<i32>} : memref<128xi32, #tpu.memory_space<vmem>>, vector<16xi32>,
      %mul3A_232 = arith.constant 2 : i32
      %mul3A_233 = arith.muli %while3A_86, %mul3A_232 : i32
      %add3A_234 = arith.constant 1 : i32
      %add3A_235 = arith.addi %mul3A_233, %add3A_234 : i32
      %mul3A_236 = arith.constant 128 : i32
      %mul3A_237 = arith.muli %add3A_235, %mul3A_236 : i32
      %add3A_238 = arith.constant 16 : i32
      %add3A_239 = arith.addi %mul3A_237, %add3A_238 : i32
      %get3A_240 = arith.index_cast %add3A_239 : i32 to index
      %get3A_241 = tpu.vector_load %arg6[%get3A_240] {strides = array<i32>} : memref<15616xi32, #tpu.memory_space<vmem>>, vector<16xi32>,
      %get3A_242 = vector.shape_cast %get3A_241 : vector<16xi32> to vector<16xi32>
      %swap3A_243 = arith.constant 16 : index
      %swap3A_244 = tpu.vector_load %arg8[%swap3A_243] {strides = array<i32>} : memref<128xi32, #tpu.memory_space<vmem>>, vector<16xi32>,
      %swap3A_245 = vector.shape_cast %swap3A_244 : vector<16xi32> to vector<16xi32>
      %swap3A_246 = vector.shape_cast %get3A_242 : vector<16xi32> to vector<16xi32>
      tpu.vector_store %arg8[%swap3A_243], %swap3A_246 {strides = array<i32>} : memref<128xi32, #tpu.memory_space<vmem>>, vector<16xi32>,
      %mul3A_247 = arith.constant 2 : i32
      %mul3A_248 = arith.muli %while3A_86, %mul3A_247 : i32
      %add3A_249 = arith.constant 1 : i32
      %add3A_250 = arith.addi %mul3A_248, %add3A_249 : i32
      %mul3A_251 = arith.constant 128 : i32
      %mul3A_252 = arith.muli %add3A_250, %mul3A_251 : i32
      %add3A_253 = arith.constant 32 : i32
      %add3A_254 = arith.addi %mul3A_252, %add3A_253 : i32
      %get3A_255 = arith.index_cast %add3A_254 : i32 to index
      %get3A_256 = tpu.vector_load %arg6[%get3A_255] {strides = array<i32>} : memref<15616xi32, #tpu.memory_space<vmem>>, vector<16xi32>,
      %get3A_257 = vector.shape_cast %get3A_256 : vector<16xi32> to vector<16xi32>
      %swap3A_258 = arith.constant 32 : index
      %swap3A_259 = tpu.vector_load %arg8[%swap3A_258] {strides = array<i32>} : memref<128xi32, #tpu.memory_space<vmem>>, vector<16xi32>,
      %swap3A_260 = vector.shape_cast %swap3A_259 : vector<16xi32> to vector<16xi32>
      %swap3A_261 = vector.shape_cast %get3A_257 : vector<16xi32> to vector<16xi32>
      tpu.vector_store %arg8[%swap3A_258], %swap3A_261 {strides = array<i32>} : memref<128xi32, #tpu.memory_space<vmem>>, vector<16xi32>,
      %mul3A_262 = arith.constant 2 : i32
      %mul3A_263 = arith.muli %while3A_86, %mul3A_262 : i32
      %add3A_264 = arith.constant 1 : i32
      %add3A_265 = arith.addi %mul3A_263, %add3A_264 : i32
      %mul3A_266 = arith.constant 128 : i32
      %mul3A_267 = arith.muli %add3A_265, %mul3A_266 : i32
      %add3A_268 = arith.constant 48 : i32
      %add3A_269 = arith.addi %mul3A_267, %add3A_268 : i32
      %get3A_270 = arith.index_cast %add3A_269 : i32 to index
      %get3A_271 = tpu.vector_load %arg6[%get3A_270] {strides = array<i32>} : memref<15616xi32, #tpu.memory_space<vmem>>, vector<16xi32>,
      %get3A_272 = vector.shape_cast %get3A_271 : vector<16xi32> to vector<16xi32>
      %swap3A_273 = arith.constant 48 : index
      %swap3A_274 = tpu.vector_load %arg8[%swap3A_273] {strides = array<i32>} : memref<128xi32, #tpu.memory_space<vmem>>, vector<16xi32>,
      %swap3A_275 = vector.shape_cast %swap3A_274 : vector<16xi32> to vector<16xi32>
      %swap3A_276 = vector.shape_cast %get3A_272 : vector<16xi32> to vector<16xi32>
      tpu.vector_store %arg8[%swap3A_273], %swap3A_276 {strides = array<i32>} : memref<128xi32, #tpu.memory_space<vmem>>, vector<16xi32>,
      %mul3A_277 = arith.constant 2 : i32
      %mul3A_278 = arith.muli %while3A_86, %mul3A_277 : i32
      %add3A_279 = arith.constant 1 : i32
      %add3A_280 = arith.addi %mul3A_278, %add3A_279 : i32
      %mul3A_281 = arith.constant 128 : i32
      %mul3A_282 = arith.muli %add3A_280, %mul3A_281 : i32
      %add3A_283 = arith.constant 64 : i32
      %add3A_284 = arith.addi %mul3A_282, %add3A_283 : i32
      %get3A_285 = arith.index_cast %add3A_284 : i32 to index
      %get3A_286 = tpu.vector_load %arg6[%get3A_285] {strides = array<i32>} : memref<15616xi32, #tpu.memory_space<vmem>>, vector<16xi32>,
      %get3A_287 = vector.shape_cast %get3A_286 : vector<16xi32> to vector<16xi32>
      %swap3A_288 = arith.constant 64 : index
      %swap3A_289 = tpu.vector_load %arg8[%swap3A_288] {strides = array<i32>} : memref<128xi32, #tpu.memory_space<vmem>>, vector<16xi32>,
      %swap3A_290 = vector.shape_cast %swap3A_289 : vector<16xi32> to vector<16xi32>
      %swap3A_291 = vector.shape_cast %get3A_287 : vector<16xi32> to vector<16xi32>
      tpu.vector_store %arg8[%swap3A_288], %swap3A_291 {strides = array<i32>} : memref<128xi32, #tpu.memory_space<vmem>>, vector<16xi32>,
      %mul3A_292 = arith.constant 2 : i32
      %mul3A_293 = arith.muli %while3A_86, %mul3A_292 : i32
      %add3A_294 = arith.constant 1 : i32
      %add3A_295 = arith.addi %mul3A_293, %add3A_294 : i32
      %mul3A_296 = arith.constant 128 : i32
      %mul3A_297 = arith.muli %add3A_295, %mul3A_296 : i32
      %add3A_298 = arith.constant 80 : i32
      %add3A_299 = arith.addi %mul3A_297, %add3A_298 : i32
      %get3A_300 = arith.index_cast %add3A_299 : i32 to index
      %get3A_301 = tpu.vector_load %arg6[%get3A_300] {strides = array<i32>} : memref<15616xi32, #tpu.memory_space<vmem>>, vector<16xi32>,
      %get3A_302 = vector.shape_cast %get3A_301 : vector<16xi32> to vector<16xi32>
      %swap3A_303 = arith.constant 80 : index
      %swap3A_304 = tpu.vector_load %arg8[%swap3A_303] {strides = array<i32>} : memref<128xi32, #tpu.memory_space<vmem>>, vector<16xi32>,
      %swap3A_305 = vector.shape_cast %swap3A_304 : vector<16xi32> to vector<16xi32>
      %swap3A_306 = vector.shape_cast %get3A_302 : vector<16xi32> to vector<16xi32>
      tpu.vector_store %arg8[%swap3A_303], %swap3A_306 {strides = array<i32>} : memref<128xi32, #tpu.memory_space<vmem>>, vector<16xi32>,
      %mul3A_307 = arith.constant 2 : i32
      %mul3A_308 = arith.muli %while3A_86, %mul3A_307 : i32
      %add3A_309 = arith.constant 1 : i32
      %add3A_310 = arith.addi %mul3A_308, %add3A_309 : i32
      %mul3A_311 = arith.constant 128 : i32
      %mul3A_312 = arith.muli %add3A_310, %mul3A_311 : i32
      %add3A_313 = arith.constant 96 : i32
      %add3A_314 = arith.addi %mul3A_312, %add3A_313 : i32
      %get3A_315 = arith.index_cast %add3A_314 : i32 to index
      %get3A_316 = tpu.vector_load %arg6[%get3A_315] {strides = array<i32>} : memref<15616xi32, #tpu.memory_space<vmem>>, vector<16xi32>,
      %get3A_317 = vector.shape_cast %get3A_316 : vector<16xi32> to vector<16xi32>
      %swap3A_318 = arith.constant 96 : index
      %swap3A_319 = tpu.vector_load %arg8[%swap3A_318] {strides = array<i32>} : memref<128xi32, #tpu.memory_space<vmem>>, vector<16xi32>,
      %swap3A_320 = vector.shape_cast %swap3A_319 : vector<16xi32> to vector<16xi32>
      %swap3A_321 = vector.shape_cast %get3A_317 : vector<16xi32> to vector<16xi32>
      tpu.vector_store %arg8[%swap3A_318], %swap3A_321 {strides = array<i32>} : memref<128xi32, #tpu.memory_space<vmem>>, vector<16xi32>,
      %mul3A_322 = arith.constant 2 : i32
      %mul3A_323 = arith.muli %while3A_86, %mul3A_322 : i32
      %add3A_324 = arith.constant 1 : i32
      %add3A_325 = arith.addi %mul3A_323, %add3A_324 : i32
      %mul3A_326 = arith.constant 128 : i32
      %mul3A_327 = arith.muli %add3A_325, %mul3A_326 : i32
      %add3A_328 = arith.constant 112 : i32
      %add3A_329 = arith.addi %mul3A_327, %add3A_328 : i32
      %get3A_330 = arith.index_cast %add3A_329 : i32 to index
      %get3A_331 = tpu.vector_load %arg6[%get3A_330] {strides = array<i32>} : memref<15616xi32, #tpu.memory_space<vmem>>, vector<16xi32>,
      %get3A_332 = vector.shape_cast %get3A_331 : vector<16xi32> to vector<16xi32>
      %swap3A_333 = arith.constant 112 : index
      %swap3A_334 = tpu.vector_load %arg8[%swap3A_333] {strides = array<i32>} : memref<128xi32, #tpu.memory_space<vmem>>, vector<16xi32>,
      %swap3A_335 = vector.shape_cast %swap3A_334 : vector<16xi32> to vector<16xi32>
      %swap3A_336 = vector.shape_cast %get3A_332 : vector<16xi32> to vector<16xi32>
      tpu.vector_store %arg8[%swap3A_333], %swap3A_336 {strides = array<i32>} : memref<128xi32, #tpu.memory_space<vmem>>, vector<16xi32>,
      %dma_start3A_337 = arith.constant 0 : i32
      %dma_start3A_338 = arith.constant 0 : i32
      %dma_start3A_339 = tpu.memref_slice %arg2[%dma_start3A_337, %dma_start3A_338] : memref<10000x128xf32, #tpu.memory_space<hbm>> -> memref<10000x128xf32, #tpu.memory_space<hbm>>
      tpu.enqueue_indirect_dma source(%dma_start3A_339 : memref<10000x128xf32, #tpu.memory_space<hbm>>) target(%arg12 : memref<128x128xf32, #tpu.memory_space<vmem>>) offsets(%arg8 : memref<128xi32, #tpu.memory_space<vmem>>) semaphore(%arg15 : memref<!tpu.dma_semaphore, #tpu.memory_space<semaphore_mem>>)
      %mul3A_340 = arith.constant 2 : i32
      %mul3A_341 = arith.muli %while3A_86, %mul3A_340 : i32
      %add3A_342 = arith.constant 1 : i32
      %add3A_343 = arith.addi %mul3A_341, %add3A_342 : i32
      %mul3A_344 = arith.constant 128 : i32
      %mul3A_345 = arith.muli %add3A_343, %mul3A_344 : i32
      %add3A_346 = arith.addi %select_n3A, %mul3A_345 : i32
      %dma_start3A_347 = tpu.memref_slice %arg4[%add3A_346] : memref<327680xi32, #tpu.memory_space<hbm>> -> memref<128xi32, #tpu.memory_space<hbm>>
      %dma_start3A_348 = tpu.memref_slice %arg4[%add3A_346] : memref<327680xi32, #tpu.memory_space<hbm>> -> memref<128xi32, #tpu.memory_space<hbm>>
      tpu.enqueue_dma source(%dma_start3A_348 : memref<128xi32, #tpu.memory_space<hbm>>) target(%arg10 : memref<128xi32, #tpu.memory_space<vmem>>) target_semaphore(%arg17 : memref<!tpu.dma_semaphore, #tpu.memory_space<semaphore_mem>>)
      %dma_wait3A = arith.constant 0 : i32
      %dma_wait3A_349 = arith.constant 0 : i32
      %dma_wait3A_350 = tpu.memref_slice %arg2[%dma_wait3A, %dma_wait3A_349] : memref<10000x128xf32, #tpu.memory_space<hbm>> -> memref<10000x128xf32, #tpu.memory_space<hbm>>
      tpu.wait_indirect_dma semaphore(%arg14 : memref<!tpu.dma_semaphore, #tpu.memory_space<semaphore_mem>>) src(%dma_wait3A_350 : memref<10000x128xf32, #tpu.memory_space<hbm>>) dst(%arg11 : memref<128x128xf32, #tpu.memory_space<vmem>>)
      %dma_wait3A_351 = tpu.memref_slice %arg4[%add3A_214] : memref<327680xi32, #tpu.memory_space<hbm>> -> memref<128xi32, #tpu.memory_space<hbm>>
      %dma_wait3A_352 = tpu.memref_slice %arg4[%add3A_214] : memref<327680xi32, #tpu.memory_space<hbm>> -> memref<128xi32, #tpu.memory_space<hbm>>
      tpu.wait_dma2 semaphore(%arg16 : memref<!tpu.dma_semaphore, #tpu.memory_space<semaphore_mem>>) src(%dma_wait3A_352 : memref<128xi32, #tpu.memory_space<hbm>>) dst(%arg9 : memref<128xi32, #tpu.memory_space<vmem>>)
      "tpu.region"() ({
        %run_scoped3A = tpu.sem_alloc : memref<!tpu.dma_semaphore, #tpu.memory_space<semaphore_mem>>
        %dma_start3A_359 = arith.constant 0 : i32
        %dma_start3A_360 = arith.constant 0 : i32
        %dma_start3A_361 = tpu.memref_slice %arg13[%dma_start3A_359, %dma_start3A_360] : memref<10240x128xf32, #tpu.memory_space<vmem_shared>> -> memref<10240x128xf32, #tpu.memory_space<vmem_shared>>
        tpu.enqueue_indirect_dma source(%arg11 : memref<128x128xf32, #tpu.memory_space<vmem>>) target(%dma_start3A_361 : memref<10240x128xf32, #tpu.memory_space<vmem_shared>>) offsets(%arg9 : memref<128xi32, #tpu.memory_space<vmem>>) semaphore(%run_scoped3A : memref<!tpu.dma_semaphore, #tpu.memory_space<semaphore_mem>>) {add = true}
        %dma_wait3A_362 = arith.constant 0 : i32
        %dma_wait3A_363 = arith.constant 0 : i32
        %dma_wait3A_364 = tpu.memref_slice %arg13[%dma_wait3A_362, %dma_wait3A_363] : memref<10240x128xf32, #tpu.memory_space<vmem_shared>> -> memref<10240x128xf32, #tpu.memory_space<vmem_shared>>
        tpu.wait_indirect_dma semaphore(%run_scoped3A : memref<!tpu.dma_semaphore, #tpu.memory_space<semaphore_mem>>) src(%arg11 : memref<128x128xf32, #tpu.memory_space<vmem>>) dst(%dma_wait3A_364 : memref<10240x128xf32, #tpu.memory_space<vmem_shared>>)
        tpu.yield
      }) : () -> ()
      %dma_wait3A_353 = arith.constant 0 : i32
      %dma_wait3A_354 = arith.constant 0 : i32
      %dma_wait3A_355 = tpu.memref_slice %arg2[%dma_wait3A_353, %dma_wait3A_354] : memref<10000x128xf32, #tpu.memory_space<hbm>> -> memref<10000x128xf32, #tpu.memory_space<hbm>>
      tpu.wait_indirect_dma semaphore(%arg15 : memref<!tpu.dma_semaphore, #tpu.memory_space<semaphore_mem>>) src(%dma_wait3A_355 : memref<10000x128xf32, #tpu.memory_space<hbm>>) dst(%arg12 : memref<128x128xf32, #tpu.memory_space<vmem>>)
      %dma_wait3A_356 = tpu.memref_slice %arg4[%add3A_346] : memref<327680xi32, #tpu.memory_space<hbm>> -> memref<128xi32, #tpu.memory_space<hbm>>
      %dma_wait3A_357 = tpu.memref_slice %arg4[%add3A_346] : memref<327680xi32, #tpu.memory_space<hbm>> -> memref<128xi32, #tpu.memory_space<hbm>>
      tpu.wait_dma2 semaphore(%arg17 : memref<!tpu.dma_semaphore, #tpu.memory_space<semaphore_mem>>) src(%dma_wait3A_357 : memref<128xi32, #tpu.memory_space<hbm>>) dst(%arg10 : memref<128xi32, #tpu.memory_space<vmem>>)
      "tpu.region"() ({
        %run_scoped3A = tpu.sem_alloc : memref<!tpu.dma_semaphore, #tpu.memory_space<semaphore_mem>>
        %dma_start3A_359 = arith.constant 0 : i32
        %dma_start3A_360 = arith.constant 0 : i32
        %dma_start3A_361 = tpu.memref_slice %arg13[%dma_start3A_359, %dma_start3A_360] : memref<10240x128xf32, #tpu.memory_space<vmem_shared>> -> memref<10240x128xf32, #tpu.memory_space<vmem_shared>>
        tpu.enqueue_indirect_dma source(%arg12 : memref<128x128xf32, #tpu.memory_space<vmem>>) target(%dma_start3A_361 : memref<10240x128xf32, #tpu.memory_space<vmem_shared>>) offsets(%arg10 : memref<128xi32, #tpu.memory_space<vmem>>) semaphore(%run_scoped3A : memref<!tpu.dma_semaphore, #tpu.memory_space<semaphore_mem>>) {add = true}
        %dma_wait3A_362 = arith.constant 0 : i32
        %dma_wait3A_363 = arith.constant 0 : i32
        %dma_wait3A_364 = tpu.memref_slice %arg13[%dma_wait3A_362, %dma_wait3A_363] : memref<10240x128xf32, #tpu.memory_space<vmem_shared>> -> memref<10240x128xf32, #tpu.memory_space<vmem_shared>>
        tpu.wait_indirect_dma semaphore(%run_scoped3A : memref<!tpu.dma_semaphore, #tpu.memory_space<semaphore_mem>>) src(%arg12 : memref<128x128xf32, #tpu.memory_space<vmem>>) dst(%dma_wait3A_364 : memref<10240x128xf32, #tpu.memory_space<vmem_shared>>)
        tpu.yield
      }) : () -> ()
      %while3A_358 = arith.constant 0 : i32
      scf.yield %while3A_358 : i32
    }
    %barrier3A_50 = arith.constant 0 : index
    tpu.barrier barrier_id(%barrier3A_50)
    %mul3A_51 = arith.constant 640 : i32
    %mul3A_52 = arith.muli %arg1, %mul3A_51 : i32
    %add3A_53 = arith.constant 0 : i32
    %add3A_54 = arith.addi %mul3A_52, %add3A_53 : i32
    "tpu.region"() ({
      %run_scoped3A = tpu.sem_alloc : memref<!tpu.dma_semaphore, #tpu.memory_space<semaphore_mem>>
      %dma_start3A = arith.constant 0 : i32
      %dma_start3A_86 = tpu.memref_slice %arg13[%add3A_54, %dma_start3A] : memref<10240x128xf32, #tpu.memory_space<vmem_shared>> -> memref<128x128xf32, #tpu.memory_space<vmem_shared>>
      %dma_start3A_87 = arith.constant 0 : i32
      %dma_start3A_88 = tpu.memref_slice %arg13[%add3A_54, %dma_start3A_87] : memref<10240x128xf32, #tpu.memory_space<vmem_shared>> -> memref<128x128xf32, #tpu.memory_space<vmem_shared>>
      tpu.enqueue_dma source(%dma_start3A_88 : memref<128x128xf32, #tpu.memory_space<vmem_shared>>) target(%arg11 : memref<128x128xf32, #tpu.memory_space<vmem>>) target_semaphore(%run_scoped3A : memref<!tpu.dma_semaphore, #tpu.memory_space<semaphore_mem>>)
      %dma_wait3A = arith.constant 0 : i32
      %dma_wait3A_89 = tpu.memref_slice %arg13[%add3A_54, %dma_wait3A] : memref<10240x128xf32, #tpu.memory_space<vmem_shared>> -> memref<128x128xf32, #tpu.memory_space<vmem_shared>>
      %dma_wait3A_90 = arith.constant 0 : i32
      %dma_wait3A_91 = tpu.memref_slice %arg13[%add3A_54, %dma_wait3A_90] : memref<10240x128xf32, #tpu.memory_space<vmem_shared>> -> memref<128x128xf32, #tpu.memory_space<vmem_shared>>
      tpu.wait_dma2 semaphore(%run_scoped3A : memref<!tpu.dma_semaphore, #tpu.memory_space<semaphore_mem>>) src(%dma_wait3A_91 : memref<128x128xf32, #tpu.memory_space<vmem_shared>>) dst(%arg11 : memref<128x128xf32, #tpu.memory_space<vmem>>)
      tpu.yield
    }) : () -> ()
    %mul3A_55 = arith.constant 10240 : i32
    %mul3A_56 = arith.muli %arg0, %mul3A_55 : i32
    %add3A_57 = arith.addi %mul3A_56, %add3A_54 : i32
    "tpu.region"() ({
      %run_scoped3A = tpu.sem_alloc : memref<!tpu.dma_semaphore, #tpu.memory_space<semaphore_mem>>
      %dma_start3A = arith.constant 0 : i32
      %dma_start3A_86 = tpu.memref_slice %arg5[%add3A_57, %dma_start3A] : memref<20480x128xf32, #tpu.memory_space<hbm>> -> memref<128x128xf32, #tpu.memory_space<hbm>>
      %dma_start3A_87 = arith.constant 0 : i32
      %dma_start3A_88 = tpu.memref_slice %arg5[%add3A_57, %dma_start3A_87] : memref<20480x128xf32, #tpu.memory_space<hbm>> -> memref<128x128xf32, #tpu.memory_space<hbm>>
      tpu.enqueue_dma source(%arg11 : memref<128x128xf32, #tpu.memory_space<vmem>>) target(%dma_start3A_88 : memref<128x128xf32, #tpu.memory_space<hbm>>) target_semaphore(%run_scoped3A : memref<!tpu.dma_semaphore, #tpu.memory_space<semaphore_mem>>)
      %dma_wait3A = arith.constant 0 : i32
      %dma_wait3A_89 = tpu.memref_slice %arg5[%add3A_57, %dma_wait3A] : memref<20480x128xf32, #tpu.memory_space<hbm>> -> memref<128x128xf32, #tpu.memory_space<hbm>>
      %dma_wait3A_90 = arith.constant 0 : i32
      %dma_wait3A_91 = tpu.memref_slice %arg5[%add3A_57, %dma_wait3A_90] : memref<20480x128xf32, #tpu.memory_space<hbm>> -> memref<128x128xf32, #tpu.memory_space<hbm>>
      tpu.wait_dma2 semaphore(%run_scoped3A : memref<!tpu.dma_semaphore, #tpu.memory_space<semaphore_mem>>) src(%arg11 : memref<128x128xf32, #tpu.memory_space<vmem>>) dst(%dma_wait3A_91 : memref<128x128xf32, #tpu.memory_space<hbm>>)
      tpu.yield
    }) : () -> ()
    %mul3A_58 = arith.constant 640 : i32
    %mul3A_59 = arith.muli %arg1, %mul3A_58 : i32
    %add3A_60 = arith.constant 128 : i32
    %add3A_61 = arith.addi %mul3A_59, %add3A_60 : i32
    "tpu.region"() ({
      %run_scoped3A = tpu.sem_alloc : memref<!tpu.dma_semaphore, #tpu.memory_space<semaphore_mem>>
      %dma_start3A = arith.constant 0 : i32
      %dma_start3A_86 = tpu.memref_slice %arg13[%add3A_61, %dma_start3A] : memref<10240x128xf32, #tpu.memory_space<vmem_shared>> -> memref<128x128xf32, #tpu.memory_space<vmem_shared>>
      %dma_start3A_87 = arith.constant 0 : i32
      %dma_start3A_88 = tpu.memref_slice %arg13[%add3A_61, %dma_start3A_87] : memref<10240x128xf32, #tpu.memory_space<vmem_shared>> -> memref<128x128xf32, #tpu.memory_space<vmem_shared>>
      tpu.enqueue_dma source(%dma_start3A_88 : memref<128x128xf32, #tpu.memory_space<vmem_shared>>) target(%arg11 : memref<128x128xf32, #tpu.memory_space<vmem>>) target_semaphore(%run_scoped3A : memref<!tpu.dma_semaphore, #tpu.memory_space<semaphore_mem>>)
      %dma_wait3A = arith.constant 0 : i32
      %dma_wait3A_89 = tpu.memref_slice %arg13[%add3A_61, %dma_wait3A] : memref<10240x128xf32, #tpu.memory_space<vmem_shared>> -> memref<128x128xf32, #tpu.memory_space<vmem_shared>>
      %dma_wait3A_90 = arith.constant 0 : i32
      %dma_wait3A_91 = tpu.memref_slice %arg13[%add3A_61, %dma_wait3A_90] : memref<10240x128xf32, #tpu.memory_space<vmem_shared>> -> memref<128x128xf32, #tpu.memory_space<vmem_shared>>
      tpu.wait_dma2 semaphore(%run_scoped3A : memref<!tpu.dma_semaphore, #tpu.memory_space<semaphore_mem>>) src(%dma_wait3A_91 : memref<128x128xf32, #tpu.memory_space<vmem_shared>>) dst(%arg11 : memref<128x128xf32, #tpu.memory_space<vmem>>)
      tpu.yield
    }) : () -> ()
    %mul3A_62 = arith.constant 10240 : i32
    %mul3A_63 = arith.muli %arg0, %mul3A_62 : i32
    %add3A_64 = arith.addi %mul3A_63, %add3A_61 : i32
    "tpu.region"() ({
      %run_scoped3A = tpu.sem_alloc : memref<!tpu.dma_semaphore, #tpu.memory_space<semaphore_mem>>
      %dma_start3A = arith.constant 0 : i32
      %dma_start3A_86 = tpu.memref_slice %arg5[%add3A_64, %dma_start3A] : memref<20480x128xf32, #tpu.memory_space<hbm>> -> memref<128x128xf32, #tpu.memory_space<hbm>>
      %dma_start3A_87 = arith.constant 0 : i32
      %dma_start3A_88 = tpu.memref_slice %arg5[%add3A_64, %dma_start3A_87] : memref<20480x128xf32, #tpu.memory_space<hbm>> -> memref<128x128xf32, #tpu.memory_space<hbm>>
      tpu.enqueue_dma source(%arg11 : memref<128x128xf32, #tpu.memory_space<vmem>>) target(%dma_start3A_88 : memref<128x128xf32, #tpu.memory_space<hbm>>) target_semaphore(%run_scoped3A : memref<!tpu.dma_semaphore, #tpu.memory_space<semaphore_mem>>)
      %dma_wait3A = arith.constant 0 : i32
      %dma_wait3A_89 = tpu.memref_slice %arg5[%add3A_64, %dma_wait3A] : memref<20480x128xf32, #tpu.memory_space<hbm>> -> memref<128x128xf32, #tpu.memory_space<hbm>>
      %dma_wait3A_90 = arith.constant 0 : i32
      %dma_wait3A_91 = tpu.memref_slice %arg5[%add3A_64, %dma_wait3A_90] : memref<20480x128xf32, #tpu.memory_space<hbm>> -> memref<128x128xf32, #tpu.memory_space<hbm>>
      tpu.wait_dma2 semaphore(%run_scoped3A : memref<!tpu.dma_semaphore, #tpu.memory_space<semaphore_mem>>) src(%arg11 : memref<128x128xf32, #tpu.memory_space<vmem>>) dst(%dma_wait3A_91 : memref<128x128xf32, #tpu.memory_space<hbm>>)
      tpu.yield
    }) : () -> ()
    %mul3A_65 = arith.constant 640 : i32
    %mul3A_66 = arith.muli %arg1, %mul3A_65 : i32
    %add3A_67 = arith.constant 256 : i32
    %add3A_68 = arith.addi %mul3A_66, %add3A_67 : i32
    "tpu.region"() ({
      %run_scoped3A = tpu.sem_alloc : memref<!tpu.dma_semaphore, #tpu.memory_space<semaphore_mem>>
      %dma_start3A = arith.constant 0 : i32
      %dma_start3A_86 = tpu.memref_slice %arg13[%add3A_68, %dma_start3A] : memref<10240x128xf32, #tpu.memory_space<vmem_shared>> -> memref<128x128xf32, #tpu.memory_space<vmem_shared>>
      %dma_start3A_87 = arith.constant 0 : i32
      %dma_start3A_88 = tpu.memref_slice %arg13[%add3A_68, %dma_start3A_87] : memref<10240x128xf32, #tpu.memory_space<vmem_shared>> -> memref<128x128xf32, #tpu.memory_space<vmem_shared>>
      tpu.enqueue_dma source(%dma_start3A_88 : memref<128x128xf32, #tpu.memory_space<vmem_shared>>) target(%arg11 : memref<128x128xf32, #tpu.memory_space<vmem>>) target_semaphore(%run_scoped3A : memref<!tpu.dma_semaphore, #tpu.memory_space<semaphore_mem>>)
      %dma_wait3A = arith.constant 0 : i32
      %dma_wait3A_89 = tpu.memref_slice %arg13[%add3A_68, %dma_wait3A] : memref<10240x128xf32, #tpu.memory_space<vmem_shared>> -> memref<128x128xf32, #tpu.memory_space<vmem_shared>>
      %dma_wait3A_90 = arith.constant 0 : i32
      %dma_wait3A_91 = tpu.memref_slice %arg13[%add3A_68, %dma_wait3A_90] : memref<10240x128xf32, #tpu.memory_space<vmem_shared>> -> memref<128x128xf32, #tpu.memory_space<vmem_shared>>
      tpu.wait_dma2 semaphore(%run_scoped3A : memref<!tpu.dma_semaphore, #tpu.memory_space<semaphore_mem>>) src(%dma_wait3A_91 : memref<128x128xf32, #tpu.memory_space<vmem_shared>>) dst(%arg11 : memref<128x128xf32, #tpu.memory_space<vmem>>)
      tpu.yield
    }) : () -> ()
    %mul3A_69 = arith.constant 10240 : i32
    %mul3A_70 = arith.muli %arg0, %mul3A_69 : i32
    %add3A_71 = arith.addi %mul3A_70, %add3A_68 : i32
    "tpu.region"() ({
      %run_scoped3A = tpu.sem_alloc : memref<!tpu.dma_semaphore, #tpu.memory_space<semaphore_mem>>
      %dma_start3A = arith.constant 0 : i32
      %dma_start3A_86 = tpu.memref_slice %arg5[%add3A_71, %dma_start3A] : memref<20480x128xf32, #tpu.memory_space<hbm>> -> memref<128x128xf32, #tpu.memory_space<hbm>>
      %dma_start3A_87 = arith.constant 0 : i32
      %dma_start3A_88 = tpu.memref_slice %arg5[%add3A_71, %dma_start3A_87] : memref<20480x128xf32, #tpu.memory_space<hbm>> -> memref<128x128xf32, #tpu.memory_space<hbm>>
      tpu.enqueue_dma source(%arg11 : memref<128x128xf32, #tpu.memory_space<vmem>>) target(%dma_start3A_88 : memref<128x128xf32, #tpu.memory_space<hbm>>) target_semaphore(%run_scoped3A : memref<!tpu.dma_semaphore, #tpu.memory_space<semaphore_mem>>)
      %dma_wait3A = arith.constant 0 : i32
      %dma_wait3A_89 = tpu.memref_slice %arg5[%add3A_71, %dma_wait3A] : memref<20480x128xf32, #tpu.memory_space<hbm>> -> memref<128x128xf32, #tpu.memory_space<hbm>>
      %dma_wait3A_90 = arith.constant 0 : i32
      %dma_wait3A_91 = tpu.memref_slice %arg5[%add3A_71, %dma_wait3A_90] : memref<20480x128xf32, #tpu.memory_space<hbm>> -> memref<128x128xf32, #tpu.memory_space<hbm>>
      tpu.wait_dma2 semaphore(%run_scoped3A : memref<!tpu.dma_semaphore, #tpu.memory_space<semaphore_mem>>) src(%arg11 : memref<128x128xf32, #tpu.memory_space<vmem>>) dst(%dma_wait3A_91 : memref<128x128xf32, #tpu.memory_space<hbm>>)
      tpu.yield
    }) : () -> ()
    %mul3A_72 = arith.constant 640 : i32
    %mul3A_73 = arith.muli %arg1, %mul3A_72 : i32
    %add3A_74 = arith.constant 384 : i32
    %add3A_75 = arith.addi %mul3A_73, %add3A_74 : i32
    "tpu.region"() ({
      %run_scoped3A = tpu.sem_alloc : memref<!tpu.dma_semaphore, #tpu.memory_space<semaphore_mem>>
      %dma_start3A = arith.constant 0 : i32
      %dma_start3A_86 = tpu.memref_slice %arg13[%add3A_75, %dma_start3A] : memref<10240x128xf32, #tpu.memory_space<vmem_shared>> -> memref<128x128xf32, #tpu.memory_space<vmem_shared>>
      %dma_start3A_87 = arith.constant 0 : i32
      %dma_start3A_88 = tpu.memref_slice %arg13[%add3A_75, %dma_start3A_87] : memref<10240x128xf32, #tpu.memory_space<vmem_shared>> -> memref<128x128xf32, #tpu.memory_space<vmem_shared>>
      tpu.enqueue_dma source(%dma_start3A_88 : memref<128x128xf32, #tpu.memory_space<vmem_shared>>) target(%arg11 : memref<128x128xf32, #tpu.memory_space<vmem>>) target_semaphore(%run_scoped3A : memref<!tpu.dma_semaphore, #tpu.memory_space<semaphore_mem>>)
      %dma_wait3A = arith.constant 0 : i32
      %dma_wait3A_89 = tpu.memref_slice %arg13[%add3A_75, %dma_wait3A] : memref<10240x128xf32, #tpu.memory_space<vmem_shared>> -> memref<128x128xf32, #tpu.memory_space<vmem_shared>>
      %dma_wait3A_90 = arith.constant 0 : i32
      %dma_wait3A_91 = tpu.memref_slice %arg13[%add3A_75, %dma_wait3A_90] : memref<10240x128xf32, #tpu.memory_space<vmem_shared>> -> memref<128x128xf32, #tpu.memory_space<vmem_shared>>
      tpu.wait_dma2 semaphore(%run_scoped3A : memref<!tpu.dma_semaphore, #tpu.memory_space<semaphore_mem>>) src(%dma_wait3A_91 : memref<128x128xf32, #tpu.memory_space<vmem_shared>>) dst(%arg11 : memref<128x128xf32, #tpu.memory_space<vmem>>)
      tpu.yield
    }) : () -> ()
    %mul3A_76 = arith.constant 10240 : i32
    %mul3A_77 = arith.muli %arg0, %mul3A_76 : i32
    %add3A_78 = arith.addi %mul3A_77, %add3A_75 : i32
    "tpu.region"() ({
      %run_scoped3A = tpu.sem_alloc : memref<!tpu.dma_semaphore, #tpu.memory_space<semaphore_mem>>
      %dma_start3A = arith.constant 0 : i32
      %dma_start3A_86 = tpu.memref_slice %arg5[%add3A_78, %dma_start3A] : memref<20480x128xf32, #tpu.memory_space<hbm>> -> memref<128x128xf32, #tpu.memory_space<hbm>>
      %dma_start3A_87 = arith.constant 0 : i32
      %dma_start3A_88 = tpu.memref_slice %arg5[%add3A_78, %dma_start3A_87] : memref<20480x128xf32, #tpu.memory_space<hbm>> -> memref<128x128xf32, #tpu.memory_space<hbm>>
      tpu.enqueue_dma source(%arg11 : memref<128x128xf32, #tpu.memory_space<vmem>>) target(%dma_start3A_88 : memref<128x128xf32, #tpu.memory_space<hbm>>) target_semaphore(%run_scoped3A : memref<!tpu.dma_semaphore, #tpu.memory_space<semaphore_mem>>)
      %dma_wait3A = arith.constant 0 : i32
      %dma_wait3A_89 = tpu.memref_slice %arg5[%add3A_78, %dma_wait3A] : memref<20480x128xf32, #tpu.memory_space<hbm>> -> memref<128x128xf32, #tpu.memory_space<hbm>>
      %dma_wait3A_90 = arith.constant 0 : i32
      %dma_wait3A_91 = tpu.memref_slice %arg5[%add3A_78, %dma_wait3A_90] : memref<20480x128xf32, #tpu.memory_space<hbm>> -> memref<128x128xf32, #tpu.memory_space<hbm>>
      tpu.wait_dma2 semaphore(%run_scoped3A : memref<!tpu.dma_semaphore, #tpu.memory_space<semaphore_mem>>) src(%arg11 : memref<128x128xf32, #tpu.memory_space<vmem>>) dst(%dma_wait3A_91 : memref<128x128xf32, #tpu.memory_space<hbm>>)
      tpu.yield
    }) : () -> ()
    %mul3A_79 = arith.constant 640 : i32
    %mul3A_80 = arith.muli %arg1, %mul3A_79 : i32
    %add3A_81 = arith.constant 512 : i32
    %add3A_82 = arith.addi %mul3A_80, %add3A_81 : i32
    "tpu.region"() ({
      %run_scoped3A = tpu.sem_alloc : memref<!tpu.dma_semaphore, #tpu.memory_space<semaphore_mem>>
      %dma_start3A = arith.constant 0 : i32
      %dma_start3A_86 = tpu.memref_slice %arg13[%add3A_82, %dma_start3A] : memref<10240x128xf32, #tpu.memory_space<vmem_shared>> -> memref<128x128xf32, #tpu.memory_space<vmem_shared>>
      %dma_start3A_87 = arith.constant 0 : i32
      %dma_start3A_88 = tpu.memref_slice %arg13[%add3A_82, %dma_start3A_87] : memref<10240x128xf32, #tpu.memory_space<vmem_shared>> -> memref<128x128xf32, #tpu.memory_space<vmem_shared>>
      tpu.enqueue_dma source(%dma_start3A_88 : memref<128x128xf32, #tpu.memory_space<vmem_shared>>) target(%arg11 : memref<128x128xf32, #tpu.memory_space<vmem>>) target_semaphore(%run_scoped3A : memref<!tpu.dma_semaphore, #tpu.memory_space<semaphore_mem>>)
      %dma_wait3A = arith.constant 0 : i32
      %dma_wait3A_89 = tpu.memref_slice %arg13[%add3A_82, %dma_wait3A] : memref<10240x128xf32, #tpu.memory_space<vmem_shared>> -> memref<128x128xf32, #tpu.memory_space<vmem_shared>>
      %dma_wait3A_90 = arith.constant 0 : i32
      %dma_wait3A_91 = tpu.memref_slice %arg13[%add3A_82, %dma_wait3A_90] : memref<10240x128xf32, #tpu.memory_space<vmem_shared>> -> memref<128x128xf32, #tpu.memory_space<vmem_shared>>
      tpu.wait_dma2 semaphore(%run_scoped3A : memref<!tpu.dma_semaphore, #tpu.memory_space<semaphore_mem>>) src(%dma_wait3A_91 : memref<128x128xf32, #tpu.memory_space<vmem_shared>>) dst(%arg11 : memref<128x128xf32, #tpu.memory_space<vmem>>)
      tpu.yield
    }) : () -> ()
    %mul3A_83 = arith.constant 10240 : i32
    %mul3A_84 = arith.muli %arg0, %mul3A_83 : i32
    %add3A_85 = arith.addi %mul3A_84, %add3A_82 : i32
    "tpu.region"() ({
      %run_scoped3A = tpu.sem_alloc : memref<!tpu.dma_semaphore, #tpu.memory_space<semaphore_mem>>
      %dma_start3A = arith.constant 0 : i32
      %dma_start3A_86 = tpu.memref_slice %arg5[%add3A_85, %dma_start3A] : memref<20480x128xf32, #tpu.memory_space<hbm>> -> memref<128x128xf32, #tpu.memory_space<hbm>>
      %dma_start3A_87 = arith.constant 0 : i32
      %dma_start3A_88 = tpu.memref_slice %arg5[%add3A_85, %dma_start3A_87] : memref<20480x128xf32, #tpu.memory_space<hbm>> -> memref<128x128xf32, #tpu.memory_space<hbm>>
      tpu.enqueue_dma source(%arg11 : memref<128x128xf32, #tpu.memory_space<vmem>>) target(%dma_start3A_88 : memref<128x128xf32, #tpu.memory_space<hbm>>) target_semaphore(%run_scoped3A : memref<!tpu.dma_semaphore, #tpu.memory_space<semaphore_mem>>)
      %dma_wait3A = arith.constant 0 : i32
      %dma_wait3A_89 = tpu.memref_slice %arg5[%add3A_85, %dma_wait3A] : memref<20480x128xf32, #tpu.memory_space<hbm>> -> memref<128x128xf32, #tpu.memory_space<hbm>>
      %dma_wait3A_90 = arith.constant 0 : i32
      %dma_wait3A_91 = tpu.memref_slice %arg5[%add3A_85, %dma_wait3A_90] : memref<20480x128xf32, #tpu.memory_space<hbm>> -> memref<128x128xf32, #tpu.memory_space<hbm>>
      tpu.wait_dma2 semaphore(%run_scoped3A : memref<!tpu.dma_semaphore, #tpu.memory_space<semaphore_mem>>) src(%arg11 : memref<128x128xf32, #tpu.memory_space<vmem>>) dst(%dma_wait3A_91 : memref<128x128xf32, #tpu.memory_space<hbm>>)
      tpu.yield
    }) : () -> ()
    return
  }
}

#map = affine_map<(d0, d1) -> (0, 0)>
#map1 = affine_map<(d0, d1) -> (0)>
module attributes {stable_mosaic.version = 14 : i64} {
  func.func @_edge_kernel(%arg0: i32, %arg1: i32, %arg2: memref<10000x128xf32, #tpu.memory_space<hbm>>, %arg3: memref<343296xi32, #tpu.memory_space<hbm>>, %arg4: memref<327680xi32, #tpu.memory_space<hbm>>, %arg5: memref<20480x128xf32, #tpu.memory_space<hbm>>, %arg6: memref<15616xi32, #tpu.memory_space<vmem>>, %arg7: memref<128xi32, #tpu.memory_space<vmem>>, %arg8: memref<128xi32, #tpu.memory_space<vmem>>, %arg9: memref<128xi32, #tpu.memory_space<vmem>>, %arg10: memref<128xi32, #tpu.memory_space<vmem>>, %arg11: memref<128x128xf32, #tpu.memory_space<vmem>>, %arg12: memref<128x128xf32, #tpu.memory_space<vmem>>, %arg13: memref<10240x128xf32, #tpu.memory_space<vmem_shared>>, %arg14: memref<!tpu.dma_semaphore, #tpu.memory_space<semaphore_mem>>, %arg15: memref<!tpu.dma_semaphore, #tpu.memory_space<semaphore_mem>>, %arg16: memref<!tpu.dma_semaphore, #tpu.memory_space<semaphore_mem>>, %arg17: memref<!tpu.dma_semaphore, #tpu.memory_space<semaphore_mem>>) attributes {dimension_semantics = [#tpu.dimension_semantics<core_parallel>, #tpu.dimension_semantics<subcore_parallel>], iteration_bounds = array<i64: 2, 16>, scalar_prefetch = 0 : i64, scratch_operands = 12 : i64, tpu.core_type = #tpu.core_type<sc_vector_subcore>, window_params = [{transform_indices = #map}, {transform_indices = #map1}, {transform_indices = #map1}, {transform_indices = #map}]} {
    %mul3A = arith.constant 2 : i32
    %mul3A_0 = arith.muli %arg1, %mul3A : i32
    %add3A = arith.addi %mul3A_0, %arg0 : i32
    %eq3A = arith.constant 0 : i32
    %eq3A_1 = arith.cmpi eq, %arg0, %eq3A : i32
    %mul3A_2 = arith.constant 15616 : i32
    %mul3A_3 = arith.muli %arg1, %mul3A_2 : i32
    %mul3A_4 = arith.constant 4864 : i32
    %mul3A_5 = arith.muli %arg1, %mul3A_4 : i32
    %add3A_6 = arith.constant 249856 : i32
    %add3A_7 = arith.addi %add3A_6, %mul3A_5 : i32
    %select_n3A = arith.select %eq3A_1, %mul3A_3, %add3A_7 : i32
    "tpu.region"() ({
      %run_scoped3A = tpu.sem_alloc : memref<!tpu.dma_semaphore, #tpu.memory_space<semaphore_mem>>
      %dma_start3A = tpu.memref_slice %arg3[%select_n3A] : memref<343296xi32, #tpu.memory_space<hbm>> -> memref<15616xi32, #tpu.memory_space<hbm>>
      %dma_start3A_86 = tpu.memref_slice %arg3[%select_n3A] : memref<343296xi32, #tpu.memory_space<hbm>> -> memref<15616xi32, #tpu.memory_space<hbm>>
      tpu.enqueue_dma source(%dma_start3A_86 : memref<15616xi32, #tpu.memory_space<hbm>>) target(%arg6 : memref<15616xi32, #tpu.memory_space<vmem>>) target_semaphore(%run_scoped3A : memref<!tpu.dma_semaphore, #tpu.memory_space<semaphore_mem>>)
      %dma_wait3A = tpu.memref_slice %arg3[%select_n3A] : memref<343296xi32, #tpu.memory_space<hbm>> -> memref<15616xi32, #tpu.memory_space<hbm>>
      %dma_wait3A_87 = tpu.memref_slice %arg3[%select_n3A] : memref<343296xi32, #tpu.memory_space<hbm>> -> memref<15616xi32, #tpu.memory_space<hbm>>
      tpu.wait_dma2 semaphore(%run_scoped3A : memref<!tpu.dma_semaphore, #tpu.memory_space<semaphore_mem>>) src(%dma_wait3A_87 : memref<15616xi32, #tpu.memory_space<hbm>>) dst(%arg6 : memref<15616xi32, #tpu.memory_space<vmem>>)
      tpu.yield
    }) : () -> ()
    %broadcast_in_dim3A = arith.constant 0.000000e+00 : f32
    %broadcast_in_dim3A_8 = vector.broadcast %broadcast_in_dim3A : f32 to vector<16xf32>
    %scan3A = arith.constant 0 : i32
    %scan3A_9 = arith.constant 0 : i32
    %scan3A_10 = arith.constant 128 : i32
    %scan3A_11 = arith.addi %scan3A_9, %scan3A_10 : i32
    %scan3A_12 = arith.constant 1 : i32
    %scan3A_13 = scf.for %scan3A_86 = %scan3A_9 to %scan3A_11 step %scan3A_12 iter_args(%scan3A_87 = %scan3A) -> (i32)  : i32 {
      %swap3A = arith.index_cast %scan3A_86 : i32 to index
      %swap3A_88 = arith.constant 0 : index
      %swap3A_89 = tpu.vector_load %arg11[%swap3A, %swap3A_88] {strides = array<i32>} : memref<128x128xf32, #tpu.memory_space<vmem>>, vector<1x16xf32>,
      %swap3A_90 = vector.shape_cast %swap3A_89 : vector<1x16xf32> to vector<16xf32>
      %swap3A_91 = vector.shape_cast %broadcast_in_dim3A_8 : vector<16xf32> to vector<1x16xf32>
      tpu.vector_store %arg11[%swap3A, %swap3A_88], %swap3A_91 {strides = array<i32>} : memref<128x128xf32, #tpu.memory_space<vmem>>, vector<1x16xf32>,
      %swap3A_92 = arith.index_cast %scan3A_86 : i32 to index
      %swap3A_93 = arith.constant 16 : index
      %swap3A_94 = tpu.vector_load %arg11[%swap3A_92, %swap3A_93] {strides = array<i32>} : memref<128x128xf32, #tpu.memory_space<vmem>>, vector<1x16xf32>,
      %swap3A_95 = vector.shape_cast %swap3A_94 : vector<1x16xf32> to vector<16xf32>
      %swap3A_96 = vector.shape_cast %broadcast_in_dim3A_8 : vector<16xf32> to vector<1x16xf32>
      tpu.vector_store %arg11[%swap3A_92, %swap3A_93], %swap3A_96 {strides = array<i32>} : memref<128x128xf32, #tpu.memory_space<vmem>>, vector<1x16xf32>,
      %swap3A_97 = arith.index_cast %scan3A_86 : i32 to index
      %swap3A_98 = arith.constant 32 : index
      %swap3A_99 = tpu.vector_load %arg11[%swap3A_97, %swap3A_98] {strides = array<i32>} : memref<128x128xf32, #tpu.memory_space<vmem>>, vector<1x16xf32>,
      %swap3A_100 = vector.shape_cast %swap3A_99 : vector<1x16xf32> to vector<16xf32>
      %swap3A_101 = vector.shape_cast %broadcast_in_dim3A_8 : vector<16xf32> to vector<1x16xf32>
      tpu.vector_store %arg11[%swap3A_97, %swap3A_98], %swap3A_101 {strides = array<i32>} : memref<128x128xf32, #tpu.memory_space<vmem>>, vector<1x16xf32>,
      %swap3A_102 = arith.index_cast %scan3A_86 : i32 to index
      %swap3A_103 = arith.constant 48 : index
      %swap3A_104 = tpu.vector_load %arg11[%swap3A_102, %swap3A_103] {strides = array<i32>} : memref<128x128xf32, #tpu.memory_space<vmem>>, vector<1x16xf32>,
      %swap3A_105 = vector.shape_cast %swap3A_104 : vector<1x16xf32> to vector<16xf32>
      %swap3A_106 = vector.shape_cast %broadcast_in_dim3A_8 : vector<16xf32> to vector<1x16xf32>
      tpu.vector_store %arg11[%swap3A_102, %swap3A_103], %swap3A_106 {strides = array<i32>} : memref<128x128xf32, #tpu.memory_space<vmem>>, vector<1x16xf32>,
      %swap3A_107 = arith.index_cast %scan3A_86 : i32 to index
      %swap3A_108 = arith.constant 64 : index
      %swap3A_109 = tpu.vector_load %arg11[%swap3A_107, %swap3A_108] {strides = array<i32>} : memref<128x128xf32, #tpu.memory_space<vmem>>, vector<1x16xf32>,
      %swap3A_110 = vector.shape_cast %swap3A_109 : vector<1x16xf32> to vector<16xf32>
      %swap3A_111 = vector.shape_cast %broadcast_in_dim3A_8 : vector<16xf32> to vector<1x16xf32>
      tpu.vector_store %arg11[%swap3A_107, %swap3A_108], %swap3A_111 {strides = array<i32>} : memref<128x128xf32, #tpu.memory_space<vmem>>, vector<1x16xf32>,
      %swap3A_112 = arith.index_cast %scan3A_86 : i32 to index
      %swap3A_113 = arith.constant 80 : index
      %swap3A_114 = tpu.vector_load %arg11[%swap3A_112, %swap3A_113] {strides = array<i32>} : memref<128x128xf32, #tpu.memory_space<vmem>>, vector<1x16xf32>,
      %swap3A_115 = vector.shape_cast %swap3A_114 : vector<1x16xf32> to vector<16xf32>
      %swap3A_116 = vector.shape_cast %broadcast_in_dim3A_8 : vector<16xf32> to vector<1x16xf32>
      tpu.vector_store %arg11[%swap3A_112, %swap3A_113], %swap3A_116 {strides = array<i32>} : memref<128x128xf32, #tpu.memory_space<vmem>>, vector<1x16xf32>,
      %swap3A_117 = arith.index_cast %scan3A_86 : i32 to index
      %swap3A_118 = arith.constant 96 : index
      %swap3A_119 = tpu.vector_load %arg11[%swap3A_117, %swap3A_118] {strides = array<i32>} : memref<128x128xf32, #tpu.memory_space<vmem>>, vector<1x16xf32>,
      %swap3A_120 = vector.shape_cast %swap3A_119 : vector<1x16xf32> to vector<16xf32>
      %swap3A_121 = vector.shape_cast %broadcast_in_dim3A_8 : vector<16xf32> to vector<1x16xf32>
      tpu.vector_store %arg11[%swap3A_117, %swap3A_118], %swap3A_121 {strides = array<i32>} : memref<128x128xf32, #tpu.memory_space<vmem>>, vector<1x16xf32>,
      %swap3A_122 = arith.index_cast %scan3A_86 : i32 to index
      %swap3A_123 = arith.constant 112 : index
      %swap3A_124 = tpu.vector_load %arg11[%swap3A_122, %swap3A_123] {strides = array<i32>} : memref<128x128xf32, #tpu.memory_space<vmem>>, vector<1x16xf32>,
      %swap3A_125 = vector.shape_cast %swap3A_124 : vector<1x16xf32> to vector<16xf32>
      %swap3A_126 = vector.shape_cast %broadcast_in_dim3A_8 : vector<16xf32> to vector<1x16xf32>
      tpu.vector_store %arg11[%swap3A_122, %swap3A_123], %swap3A_126 {strides = array<i32>} : memref<128x128xf32, #tpu.memory_space<vmem>>, vector<1x16xf32>,
      %scan3A_127 = arith.constant 0 : i32
      scf.yield %scan3A_127 : i32
    }
    %scan3A_14 = arith.constant 128 : i32
    %mul3A_15 = arith.constant 640 : i32
    %mul3A_16 = arith.muli %arg1, %mul3A_15 : i32
    %add3A_17 = arith.constant 0 : i32
    %add3A_18 = arith.addi %mul3A_16, %add3A_17 : i32
    "tpu.region"() ({
      %run_scoped3A = tpu.sem_alloc : memref<!tpu.dma_semaphore, #tpu.memory_space<semaphore_mem>>
      %dma_start3A = arith.constant 0 : i32
      %dma_start3A_86 = tpu.memref_slice %arg13[%add3A_18, %dma_start3A] : memref<10240x128xf32, #tpu.memory_space<vmem_shared>> -> memref<128x128xf32, #tpu.memory_space<vmem_shared>>
      %dma_start3A_87 = arith.constant 0 : i32
      %dma_start3A_88 = tpu.memref_slice %arg13[%add3A_18, %dma_start3A_87] : memref<10240x128xf32, #tpu.memory_space<vmem_shared>> -> memref<128x128xf32, #tpu.memory_space<vmem_shared>>
      tpu.enqueue_dma source(%arg11 : memref<128x128xf32, #tpu.memory_space<vmem>>) target(%dma_start3A_88 : memref<128x128xf32, #tpu.memory_space<vmem_shared>>) target_semaphore(%run_scoped3A : memref<!tpu.dma_semaphore, #tpu.memory_space<semaphore_mem>>)
      %dma_wait3A = arith.constant 0 : i32
      %dma_wait3A_89 = tpu.memref_slice %arg13[%add3A_18, %dma_wait3A] : memref<10240x128xf32, #tpu.memory_space<vmem_shared>> -> memref<128x128xf32, #tpu.memory_space<vmem_shared>>
      %dma_wait3A_90 = arith.constant 0 : i32
      %dma_wait3A_91 = tpu.memref_slice %arg13[%add3A_18, %dma_wait3A_90] : memref<10240x128xf32, #tpu.memory_space<vmem_shared>> -> memref<128x128xf32, #tpu.memory_space<vmem_shared>>
      tpu.wait_dma2 semaphore(%run_scoped3A : memref<!tpu.dma_semaphore, #tpu.memory_space<semaphore_mem>>) src(%arg11 : memref<128x128xf32, #tpu.memory_space<vmem>>) dst(%dma_wait3A_91 : memref<128x128xf32, #tpu.memory_space<vmem_shared>>)
      tpu.yield
    }) : () -> ()
    %mul3A_19 = arith.constant 640 : i32
    %mul3A_20 = arith.muli %arg1, %mul3A_19 : i32
    %add3A_21 = arith.constant 128 : i32
    %add3A_22 = arith.addi %mul3A_20, %add3A_21 : i32
    "tpu.region"() ({
      %run_scoped3A = tpu.sem_alloc : memref<!tpu.dma_semaphore, #tpu.memory_space<semaphore_mem>>
      %dma_start3A = arith.constant 0 : i32
      %dma_start3A_86 = tpu.memref_slice %arg13[%add3A_22, %dma_start3A] : memref<10240x128xf32, #tpu.memory_space<vmem_shared>> -> memref<128x128xf32, #tpu.memory_space<vmem_shared>>
      %dma_start3A_87 = arith.constant 0 : i32
      %dma_start3A_88 = tpu.memref_slice %arg13[%add3A_22, %dma_start3A_87] : memref<10240x128xf32, #tpu.memory_space<vmem_shared>> -> memref<128x128xf32, #tpu.memory_space<vmem_shared>>
      tpu.enqueue_dma source(%arg11 : memref<128x128xf32, #tpu.memory_space<vmem>>) target(%dma_start3A_88 : memref<128x128xf32, #tpu.memory_space<vmem_shared>>) target_semaphore(%run_scoped3A : memref<!tpu.dma_semaphore, #tpu.memory_space<semaphore_mem>>)
      %dma_wait3A = arith.constant 0 : i32
      %dma_wait3A_89 = tpu.memref_slice %arg13[%add3A_22, %dma_wait3A] : memref<10240x128xf32, #tpu.memory_space<vmem_shared>> -> memref<128x128xf32, #tpu.memory_space<vmem_shared>>
      %dma_wait3A_90 = arith.constant 0 : i32
      %dma_wait3A_91 = tpu.memref_slice %arg13[%add3A_22, %dma_wait3A_90] : memref<10240x128xf32, #tpu.memory_space<vmem_shared>> -> memref<128x128xf32, #tpu.memory_space<vmem_shared>>
      tpu.wait_dma2 semaphore(%run_scoped3A : memref<!tpu.dma_semaphore, #tpu.memory_space<semaphore_mem>>) src(%arg11 : memref<128x128xf32, #tpu.memory_space<vmem>>) dst(%dma_wait3A_91 : memref<128x128xf32, #tpu.memory_space<vmem_shared>>)
      tpu.yield
    }) : () -> ()
    %mul3A_23 = arith.constant 640 : i32
    %mul3A_24 = arith.muli %arg1, %mul3A_23 : i32
    %add3A_25 = arith.constant 256 : i32
    %add3A_26 = arith.addi %mul3A_24, %add3A_25 : i32
    "tpu.region"() ({
      %run_scoped3A = tpu.sem_alloc : memref<!tpu.dma_semaphore, #tpu.memory_space<semaphore_mem>>
      %dma_start3A = arith.constant 0 : i32
      %dma_start3A_86 = tpu.memref_slice %arg13[%add3A_26, %dma_start3A] : memref<10240x128xf32, #tpu.memory_space<vmem_shared>> -> memref<128x128xf32, #tpu.memory_space<vmem_shared>>
      %dma_start3A_87 = arith.constant 0 : i32
      %dma_start3A_88 = tpu.memref_slice %arg13[%add3A_26, %dma_start3A_87] : memref<10240x128xf32, #tpu.memory_space<vmem_shared>> -> memref<128x128xf32, #tpu.memory_space<vmem_shared>>
      tpu.enqueue_dma source(%arg11 : memref<128x128xf32, #tpu.memory_space<vmem>>) target(%dma_start3A_88 : memref<128x128xf32, #tpu.memory_space<vmem_shared>>) target_semaphore(%run_scoped3A : memref<!tpu.dma_semaphore, #tpu.memory_space<semaphore_mem>>)
      %dma_wait3A = arith.constant 0 : i32
      %dma_wait3A_89 = tpu.memref_slice %arg13[%add3A_26, %dma_wait3A] : memref<10240x128xf32, #tpu.memory_space<vmem_shared>> -> memref<128x128xf32, #tpu.memory_space<vmem_shared>>
      %dma_wait3A_90 = arith.constant 0 : i32
      %dma_wait3A_91 = tpu.memref_slice %arg13[%add3A_26, %dma_wait3A_90] : memref<10240x128xf32, #tpu.memory_space<vmem_shared>> -> memref<128x128xf32, #tpu.memory_space<vmem_shared>>
      tpu.wait_dma2 semaphore(%run_scoped3A : memref<!tpu.dma_semaphore, #tpu.memory_space<semaphore_mem>>) src(%arg11 : memref<128x128xf32, #tpu.memory_space<vmem>>) dst(%dma_wait3A_91 : memref<128x128xf32, #tpu.memory_space<vmem_shared>>)
      tpu.yield
    }) : () -> ()
    %mul3A_27 = arith.constant 640 : i32
    %mul3A_28 = arith.muli %arg1, %mul3A_27 : i32
    %add3A_29 = arith.constant 384 : i32
    %add3A_30 = arith.addi %mul3A_28, %add3A_29 : i32
    "tpu.region"() ({
      %run_scoped3A = tpu.sem_alloc : memref<!tpu.dma_semaphore, #tpu.memory_space<semaphore_mem>>
      %dma_start3A = arith.constant 0 : i32
      %dma_start3A_86 = tpu.memref_slice %arg13[%add3A_30, %dma_start3A] : memref<10240x128xf32, #tpu.memory_space<vmem_shared>> -> memref<128x128xf32, #tpu.memory_space<vmem_shared>>
      %dma_start3A_87 = arith.constant 0 : i32
      %dma_start3A_88 = tpu.memref_slice %arg13[%add3A_30, %dma_start3A_87] : memref<10240x128xf32, #tpu.memory_space<vmem_shared>> -> memref<128x128xf32, #tpu.memory_space<vmem_shared>>
      tpu.enqueue_dma source(%arg11 : memref<128x128xf32, #tpu.memory_space<vmem>>) target(%dma_start3A_88 : memref<128x128xf32, #tpu.memory_space<vmem_shared>>) target_semaphore(%run_scoped3A : memref<!tpu.dma_semaphore, #tpu.memory_space<semaphore_mem>>)
      %dma_wait3A = arith.constant 0 : i32
      %dma_wait3A_89 = tpu.memref_slice %arg13[%add3A_30, %dma_wait3A] : memref<10240x128xf32, #tpu.memory_space<vmem_shared>> -> memref<128x128xf32, #tpu.memory_space<vmem_shared>>
      %dma_wait3A_90 = arith.constant 0 : i32
      %dma_wait3A_91 = tpu.memref_slice %arg13[%add3A_30, %dma_wait3A_90] : memref<10240x128xf32, #tpu.memory_space<vmem_shared>> -> memref<128x128xf32, #tpu.memory_space<vmem_shared>>
      tpu.wait_dma2 semaphore(%run_scoped3A : memref<!tpu.dma_semaphore, #tpu.memory_space<semaphore_mem>>) src(%arg11 : memref<128x128xf32, #tpu.memory_space<vmem>>) dst(%dma_wait3A_91 : memref<128x128xf32, #tpu.memory_space<vmem_shared>>)
      tpu.yield
    }) : () -> ()
    %mul3A_31 = arith.constant 640 : i32
    %mul3A_32 = arith.muli %arg1, %mul3A_31 : i32
    %add3A_33 = arith.constant 512 : i32
    %add3A_34 = arith.addi %mul3A_32, %add3A_33 : i32
    "tpu.region"() ({
      %run_scoped3A = tpu.sem_alloc : memref<!tpu.dma_semaphore, #tpu.memory_space<semaphore_mem>>
      %dma_start3A = arith.constant 0 : i32
      %dma_start3A_86 = tpu.memref_slice %arg13[%add3A_34, %dma_start3A] : memref<10240x128xf32, #tpu.memory_space<vmem_shared>> -> memref<128x128xf32, #tpu.memory_space<vmem_shared>>
      %dma_start3A_87 = arith.constant 0 : i32
      %dma_start3A_88 = tpu.memref_slice %arg13[%add3A_34, %dma_start3A_87] : memref<10240x128xf32, #tpu.memory_space<vmem_shared>> -> memref<128x128xf32, #tpu.memory_space<vmem_shared>>
      tpu.enqueue_dma source(%arg11 : memref<128x128xf32, #tpu.memory_space<vmem>>) target(%dma_start3A_88 : memref<128x128xf32, #tpu.memory_space<vmem_shared>>) target_semaphore(%run_scoped3A : memref<!tpu.dma_semaphore, #tpu.memory_space<semaphore_mem>>)
      %dma_wait3A = arith.constant 0 : i32
      %dma_wait3A_89 = tpu.memref_slice %arg13[%add3A_34, %dma_wait3A] : memref<10240x128xf32, #tpu.memory_space<vmem_shared>> -> memref<128x128xf32, #tpu.memory_space<vmem_shared>>
      %dma_wait3A_90 = arith.constant 0 : i32
      %dma_wait3A_91 = tpu.memref_slice %arg13[%add3A_34, %dma_wait3A_90] : memref<10240x128xf32, #tpu.memory_space<vmem_shared>> -> memref<128x128xf32, #tpu.memory_space<vmem_shared>>
      tpu.wait_dma2 semaphore(%run_scoped3A : memref<!tpu.dma_semaphore, #tpu.memory_space<semaphore_mem>>) src(%arg11 : memref<128x128xf32, #tpu.memory_space<vmem>>) dst(%dma_wait3A_91 : memref<128x128xf32, #tpu.memory_space<vmem_shared>>)
      tpu.yield
    }) : () -> ()
    %barrier3A = arith.constant 0 : index
    tpu.barrier barrier_id(%barrier3A)
    %eq3A_35 = arith.constant 0 : i32
    %eq3A_36 = arith.cmpi eq, %arg0, %eq3A_35 : i32
    %jit3A = arith.constant 61 : i32
    %jit3A_37 = arith.constant 19 : i32
    %select_n3A_38 = arith.select %eq3A_36, %jit3A, %jit3A_37 : i32
    %while3A = arith.constant 0 : i32
    %while3A_39 = arith.constant 0 : i32
    %while3A_40 = arith.subi %select_n3A_38, %while3A : i32
    %while3A_41 = arith.addi %while3A, %while3A_40 : i32
    %while3A_42 = arith.constant 1 : i32
    %while3A_43 = arith.divsi %while3A_40, %while3A_42 : i32
    %while3A_44 = arith.muli %while3A_43, %while3A_42 : i32
    %while3A_45 = arith.addi %while3A, %while3A_44 : i32
    %while3A_46 = arith.constant 1 : i32
    %while3A_47 = scf.for %while3A_86 = %while3A to %while3A_45 step %while3A_46 iter_args(%while3A_87 = %while3A_39) -> (i32)  : i32 {
      %mul3A_88 = arith.constant 2 : i32
      %mul3A_89 = arith.muli %while3A_86, %mul3A_88 : i32
      %add3A_90 = arith.constant 0 : i32
      %add3A_91 = arith.addi %mul3A_89, %add3A_90 : i32
      %mul3A_92 = arith.constant 128 : i32
      %mul3A_93 = arith.muli %add3A_91, %mul3A_92 : i32
      %add3A_94 = arith.constant 0 : i32
      %add3A_95 = arith.addi %mul3A_93, %add3A_94 : i32
      %get3A = arith.index_cast %add3A_95 : i32 to index
      %get3A_96 = tpu.vector_load %arg6[%get3A] {strides = array<i32>} : memref<15616xi32, #tpu.memory_space<vmem>>, vector<16xi32>,
      %get3A_97 = vector.shape_cast %get3A_96 : vector<16xi32> to vector<16xi32>
      %swap3A = arith.constant 0 : index
      %swap3A_98 = tpu.vector_load %arg7[%swap3A] {strides = array<i32>} : memref<128xi32, #tpu.memory_space<vmem>>, vector<16xi32>,
      %swap3A_99 = vector.shape_cast %swap3A_98 : vector<16xi32> to vector<16xi32>
      %swap3A_100 = vector.shape_cast %get3A_97 : vector<16xi32> to vector<16xi32>
      tpu.vector_store %arg7[%swap3A], %swap3A_100 {strides = array<i32>} : memref<128xi32, #tpu.memory_space<vmem>>, vector<16xi32>,
      %mul3A_101 = arith.constant 2 : i32
      %mul3A_102 = arith.muli %while3A_86, %mul3A_101 : i32
      %add3A_103 = arith.constant 0 : i32
      %add3A_104 = arith.addi %mul3A_102, %add3A_103 : i32
      %mul3A_105 = arith.constant 128 : i32
      %mul3A_106 = arith.muli %add3A_104, %mul3A_105 : i32
      %add3A_107 = arith.constant 16 : i32
      %add3A_108 = arith.addi %mul3A_106, %add3A_107 : i32
      %get3A_109 = arith.index_cast %add3A_108 : i32 to index
      %get3A_110 = tpu.vector_load %arg6[%get3A_109] {strides = array<i32>} : memref<15616xi32, #tpu.memory_space<vmem>>, vector<16xi32>,
      %get3A_111 = vector.shape_cast %get3A_110 : vector<16xi32> to vector<16xi32>
      %swap3A_112 = arith.constant 16 : index
      %swap3A_113 = tpu.vector_load %arg7[%swap3A_112] {strides = array<i32>} : memref<128xi32, #tpu.memory_space<vmem>>, vector<16xi32>,
      %swap3A_114 = vector.shape_cast %swap3A_113 : vector<16xi32> to vector<16xi32>
      %swap3A_115 = vector.shape_cast %get3A_111 : vector<16xi32> to vector<16xi32>
      tpu.vector_store %arg7[%swap3A_112], %swap3A_115 {strides = array<i32>} : memref<128xi32, #tpu.memory_space<vmem>>, vector<16xi32>,
      %mul3A_116 = arith.constant 2 : i32
      %mul3A_117 = arith.muli %while3A_86, %mul3A_116 : i32
      %add3A_118 = arith.constant 0 : i32
      %add3A_119 = arith.addi %mul3A_117, %add3A_118 : i32
      %mul3A_120 = arith.constant 128 : i32
      %mul3A_121 = arith.muli %add3A_119, %mul3A_120 : i32
      %add3A_122 = arith.constant 32 : i32
      %add3A_123 = arith.addi %mul3A_121, %add3A_122 : i32
      %get3A_124 = arith.index_cast %add3A_123 : i32 to index
      %get3A_125 = tpu.vector_load %arg6[%get3A_124] {strides = array<i32>} : memref<15616xi32, #tpu.memory_space<vmem>>, vector<16xi32>,
      %get3A_126 = vector.shape_cast %get3A_125 : vector<16xi32> to vector<16xi32>
      %swap3A_127 = arith.constant 32 : index
      %swap3A_128 = tpu.vector_load %arg7[%swap3A_127] {strides = array<i32>} : memref<128xi32, #tpu.memory_space<vmem>>, vector<16xi32>,
      %swap3A_129 = vector.shape_cast %swap3A_128 : vector<16xi32> to vector<16xi32>
      %swap3A_130 = vector.shape_cast %get3A_126 : vector<16xi32> to vector<16xi32>
      tpu.vector_store %arg7[%swap3A_127], %swap3A_130 {strides = array<i32>} : memref<128xi32, #tpu.memory_space<vmem>>, vector<16xi32>,
      %mul3A_131 = arith.constant 2 : i32
      %mul3A_132 = arith.muli %while3A_86, %mul3A_131 : i32
      %add3A_133 = arith.constant 0 : i32
      %add3A_134 = arith.addi %mul3A_132, %add3A_133 : i32
      %mul3A_135 = arith.constant 128 : i32
      %mul3A_136 = arith.muli %add3A_134, %mul3A_135 : i32
      %add3A_137 = arith.constant 48 : i32
      %add3A_138 = arith.addi %mul3A_136, %add3A_137 : i32
      %get3A_139 = arith.index_cast %add3A_138 : i32 to index
      %get3A_140 = tpu.vector_load %arg6[%get3A_139] {strides = array<i32>} : memref<15616xi32, #tpu.memory_space<vmem>>, vector<16xi32>,
      %get3A_141 = vector.shape_cast %get3A_140 : vector<16xi32> to vector<16xi32>
      %swap3A_142 = arith.constant 48 : index
      %swap3A_143 = tpu.vector_load %arg7[%swap3A_142] {strides = array<i32>} : memref<128xi32, #tpu.memory_space<vmem>>, vector<16xi32>,
      %swap3A_144 = vector.shape_cast %swap3A_143 : vector<16xi32> to vector<16xi32>
      %swap3A_145 = vector.shape_cast %get3A_141 : vector<16xi32> to vector<16xi32>
      tpu.vector_store %arg7[%swap3A_142], %swap3A_145 {strides = array<i32>} : memref<128xi32, #tpu.memory_space<vmem>>, vector<16xi32>,
      %mul3A_146 = arith.constant 2 : i32
      %mul3A_147 = arith.muli %while3A_86, %mul3A_146 : i32
      %add3A_148 = arith.constant 0 : i32
      %add3A_149 = arith.addi %mul3A_147, %add3A_148 : i32
      %mul3A_150 = arith.constant 128 : i32
      %mul3A_151 = arith.muli %add3A_149, %mul3A_150 : i32
      %add3A_152 = arith.constant 64 : i32
      %add3A_153 = arith.addi %mul3A_151, %add3A_152 : i32
      %get3A_154 = arith.index_cast %add3A_153 : i32 to index
      %get3A_155 = tpu.vector_load %arg6[%get3A_154] {strides = array<i32>} : memref<15616xi32, #tpu.memory_space<vmem>>, vector<16xi32>,
      %get3A_156 = vector.shape_cast %get3A_155 : vector<16xi32> to vector<16xi32>
      %swap3A_157 = arith.constant 64 : index
      %swap3A_158 = tpu.vector_load %arg7[%swap3A_157] {strides = array<i32>} : memref<128xi32, #tpu.memory_space<vmem>>, vector<16xi32>,
      %swap3A_159 = vector.shape_cast %swap3A_158 : vector<16xi32> to vector<16xi32>
      %swap3A_160 = vector.shape_cast %get3A_156 : vector<16xi32> to vector<16xi32>
      tpu.vector_store %arg7[%swap3A_157], %swap3A_160 {strides = array<i32>} : memref<128xi32, #tpu.memory_space<vmem>>, vector<16xi32>,
      %mul3A_161 = arith.constant 2 : i32
      %mul3A_162 = arith.muli %while3A_86, %mul3A_161 : i32
      %add3A_163 = arith.constant 0 : i32
      %add3A_164 = arith.addi %mul3A_162, %add3A_163 : i32
      %mul3A_165 = arith.constant 128 : i32
      %mul3A_166 = arith.muli %add3A_164, %mul3A_165 : i32
      %add3A_167 = arith.constant 80 : i32
      %add3A_168 = arith.addi %mul3A_166, %add3A_167 : i32
      %get3A_169 = arith.index_cast %add3A_168 : i32 to index
      %get3A_170 = tpu.vector_load %arg6[%get3A_169] {strides = array<i32>} : memref<15616xi32, #tpu.memory_space<vmem>>, vector<16xi32>,
      %get3A_171 = vector.shape_cast %get3A_170 : vector<16xi32> to vector<16xi32>
      %swap3A_172 = arith.constant 80 : index
      %swap3A_173 = tpu.vector_load %arg7[%swap3A_172] {strides = array<i32>} : memref<128xi32, #tpu.memory_space<vmem>>, vector<16xi32>,
      %swap3A_174 = vector.shape_cast %swap3A_173 : vector<16xi32> to vector<16xi32>
      %swap3A_175 = vector.shape_cast %get3A_171 : vector<16xi32> to vector<16xi32>
      tpu.vector_store %arg7[%swap3A_172], %swap3A_175 {strides = array<i32>} : memref<128xi32, #tpu.memory_space<vmem>>, vector<16xi32>,
      %mul3A_176 = arith.constant 2 : i32
      %mul3A_177 = arith.muli %while3A_86, %mul3A_176 : i32
      %add3A_178 = arith.constant 0 : i32
      %add3A_179 = arith.addi %mul3A_177, %add3A_178 : i32
      %mul3A_180 = arith.constant 128 : i32
      %mul3A_181 = arith.muli %add3A_179, %mul3A_180 : i32
      %add3A_182 = arith.constant 96 : i32
      %add3A_183 = arith.addi %mul3A_181, %add3A_182 : i32
      %get3A_184 = arith.index_cast %add3A_183 : i32 to index
      %get3A_185 = tpu.vector_load %arg6[%get3A_184] {strides = array<i32>} : memref<15616xi32, #tpu.memory_space<vmem>>, vector<16xi32>,
      %get3A_186 = vector.shape_cast %get3A_185 : vector<16xi32> to vector<16xi32>
      %swap3A_187 = arith.constant 96 : index
      %swap3A_188 = tpu.vector_load %arg7[%swap3A_187] {strides = array<i32>} : memref<128xi32, #tpu.memory_space<vmem>>, vector<16xi32>,
      %swap3A_189 = vector.shape_cast %swap3A_188 : vector<16xi32> to vector<16xi32>
      %swap3A_190 = vector.shape_cast %get3A_186 : vector<16xi32> to vector<16xi32>
      tpu.vector_store %arg7[%swap3A_187], %swap3A_190 {strides = array<i32>} : memref<128xi32, #tpu.memory_space<vmem>>, vector<16xi32>,
      %mul3A_191 = arith.constant 2 : i32
      %mul3A_192 = arith.muli %while3A_86, %mul3A_191 : i32
      %add3A_193 = arith.constant 0 : i32
      %add3A_194 = arith.addi %mul3A_192, %add3A_193 : i32
      %mul3A_195 = arith.constant 128 : i32
      %mul3A_196 = arith.muli %add3A_194, %mul3A_195 : i32
      %add3A_197 = arith.constant 112 : i32
      %add3A_198 = arith.addi %mul3A_196, %add3A_197 : i32
      %get3A_199 = arith.index_cast %add3A_198 : i32 to index
      %get3A_200 = tpu.vector_load %arg6[%get3A_199] {strides = array<i32>} : memref<15616xi32, #tpu.memory_space<vmem>>, vector<16xi32>,
      %get3A_201 = vector.shape_cast %get3A_200 : vector<16xi32> to vector<16xi32>
      %swap3A_202 = arith.constant 112 : index
      %swap3A_203 = tpu.vector_load %arg7[%swap3A_202] {strides = array<i32>} : memref<128xi32, #tpu.memory_space<vmem>>, vector<16xi32>,
      %swap3A_204 = vector.shape_cast %swap3A_203 : vector<16xi32> to vector<16xi32>
      %swap3A_205 = vector.shape_cast %get3A_201 : vector<16xi32> to vector<16xi32>
      tpu.vector_store %arg7[%swap3A_202], %swap3A_205 {strides = array<i32>} : memref<128xi32, #tpu.memory_space<vmem>>, vector<16xi32>,
      %dma_start3A = arith.constant 0 : i32
      %dma_start3A_206 = arith.constant 0 : i32
      %dma_start3A_207 = tpu.memref_slice %arg2[%dma_start3A, %dma_start3A_206] : memref<10000x128xf32, #tpu.memory_space<hbm>> -> memref<10000x128xf32, #tpu.memory_space<hbm>>
      tpu.enqueue_indirect_dma source(%dma_start3A_207 : memref<10000x128xf32, #tpu.memory_space<hbm>>) target(%arg11 : memref<128x128xf32, #tpu.memory_space<vmem>>) offsets(%arg7 : memref<128xi32, #tpu.memory_space<vmem>>) semaphore(%arg14 : memref<!tpu.dma_semaphore, #tpu.memory_space<semaphore_mem>>)
      %mul3A_208 = arith.constant 2 : i32
      %mul3A_209 = arith.muli %while3A_86, %mul3A_208 : i32
      %add3A_210 = arith.constant 0 : i32
      %add3A_211 = arith.addi %mul3A_209, %add3A_210 : i32
      %mul3A_212 = arith.constant 128 : i32
      %mul3A_213 = arith.muli %add3A_211, %mul3A_212 : i32
      %add3A_214 = arith.addi %select_n3A, %mul3A_213 : i32
      %dma_start3A_215 = tpu.memref_slice %arg4[%add3A_214] : memref<327680xi32, #tpu.memory_space<hbm>> -> memref<128xi32, #tpu.memory_space<hbm>>
      %dma_start3A_216 = tpu.memref_slice %arg4[%add3A_214] : memref<327680xi32, #tpu.memory_space<hbm>> -> memref<128xi32, #tpu.memory_space<hbm>>
      tpu.enqueue_dma source(%dma_start3A_216 : memref<128xi32, #tpu.memory_space<hbm>>) target(%arg9 : memref<128xi32, #tpu.memory_space<vmem>>) target_semaphore(%arg16 : memref<!tpu.dma_semaphore, #tpu.memory_space<semaphore_mem>>)
      %mul3A_217 = arith.constant 2 : i32
      %mul3A_218 = arith.muli %while3A_86, %mul3A_217 : i32
      %add3A_219 = arith.constant 1 : i32
      %add3A_220 = arith.addi %mul3A_218, %add3A_219 : i32
      %mul3A_221 = arith.constant 128 : i32
      %mul3A_222 = arith.muli %add3A_220, %mul3A_221 : i32
      %add3A_223 = arith.constant 0 : i32
      %add3A_224 = arith.addi %mul3A_222, %add3A_223 : i32
      %get3A_225 = arith.index_cast %add3A_224 : i32 to index
      %get3A_226 = tpu.vector_load %arg6[%get3A_225] {strides = array<i32>} : memref<15616xi32, #tpu.memory_space<vmem>>, vector<16xi32>,
      %get3A_227 = vector.shape_cast %get3A_226 : vector<16xi32> to vector<16xi32>
      %swap3A_228 = arith.constant 0 : index
      %swap3A_229 = tpu.vector_load %arg8[%swap3A_228] {strides = array<i32>} : memref<128xi32, #tpu.memory_space<vmem>>, vector<16xi32>,
      %swap3A_230 = vector.shape_cast %swap3A_229 : vector<16xi32> to vector<16xi32>
      %swap3A_231 = vector.shape_cast %get3A_227 : vector<16xi32> to vector<16xi32>
      tpu.vector_store %arg8[%swap3A_228], %swap3A_231 {strides = array<i32>} : memref<128xi32, #tpu.memory_space<vmem>>, vector<16xi32>,
      %mul3A_232 = arith.constant 2 : i32
      %mul3A_233 = arith.muli %while3A_86, %mul3A_232 : i32
      %add3A_234 = arith.constant 1 : i32
      %add3A_235 = arith.addi %mul3A_233, %add3A_234 : i32
      %mul3A_236 = arith.constant 128 : i32
      %mul3A_237 = arith.muli %add3A_235, %mul3A_236 : i32
      %add3A_238 = arith.constant 16 : i32
      %add3A_239 = arith.addi %mul3A_237, %add3A_238 : i32
      %get3A_240 = arith.index_cast %add3A_239 : i32 to index
      %get3A_241 = tpu.vector_load %arg6[%get3A_240] {strides = array<i32>} : memref<15616xi32, #tpu.memory_space<vmem>>, vector<16xi32>,
      %get3A_242 = vector.shape_cast %get3A_241 : vector<16xi32> to vector<16xi32>
      %swap3A_243 = arith.constant 16 : index
      %swap3A_244 = tpu.vector_load %arg8[%swap3A_243] {strides = array<i32>} : memref<128xi32, #tpu.memory_space<vmem>>, vector<16xi32>,
      %swap3A_245 = vector.shape_cast %swap3A_244 : vector<16xi32> to vector<16xi32>
      %swap3A_246 = vector.shape_cast %get3A_242 : vector<16xi32> to vector<16xi32>
      tpu.vector_store %arg8[%swap3A_243], %swap3A_246 {strides = array<i32>} : memref<128xi32, #tpu.memory_space<vmem>>, vector<16xi32>,
      %mul3A_247 = arith.constant 2 : i32
      %mul3A_248 = arith.muli %while3A_86, %mul3A_247 : i32
      %add3A_249 = arith.constant 1 : i32
      %add3A_250 = arith.addi %mul3A_248, %add3A_249 : i32
      %mul3A_251 = arith.constant 128 : i32
      %mul3A_252 = arith.muli %add3A_250, %mul3A_251 : i32
      %add3A_253 = arith.constant 32 : i32
      %add3A_254 = arith.addi %mul3A_252, %add3A_253 : i32
      %get3A_255 = arith.index_cast %add3A_254 : i32 to index
      %get3A_256 = tpu.vector_load %arg6[%get3A_255] {strides = array<i32>} : memref<15616xi32, #tpu.memory_space<vmem>>, vector<16xi32>,
      %get3A_257 = vector.shape_cast %get3A_256 : vector<16xi32> to vector<16xi32>
      %swap3A_258 = arith.constant 32 : index
      %swap3A_259 = tpu.vector_load %arg8[%swap3A_258] {strides = array<i32>} : memref<128xi32, #tpu.memory_space<vmem>>, vector<16xi32>,
      %swap3A_260 = vector.shape_cast %swap3A_259 : vector<16xi32> to vector<16xi32>
      %swap3A_261 = vector.shape_cast %get3A_257 : vector<16xi32> to vector<16xi32>
      tpu.vector_store %arg8[%swap3A_258], %swap3A_261 {strides = array<i32>} : memref<128xi32, #tpu.memory_space<vmem>>, vector<16xi32>,
      %mul3A_262 = arith.constant 2 : i32
      %mul3A_263 = arith.muli %while3A_86, %mul3A_262 : i32
      %add3A_264 = arith.constant 1 : i32
      %add3A_265 = arith.addi %mul3A_263, %add3A_264 : i32
      %mul3A_266 = arith.constant 128 : i32
      %mul3A_267 = arith.muli %add3A_265, %mul3A_266 : i32
      %add3A_268 = arith.constant 48 : i32
      %add3A_269 = arith.addi %mul3A_267, %add3A_268 : i32
      %get3A_270 = arith.index_cast %add3A_269 : i32 to index
      %get3A_271 = tpu.vector_load %arg6[%get3A_270] {strides = array<i32>} : memref<15616xi32, #tpu.memory_space<vmem>>, vector<16xi32>,
      %get3A_272 = vector.shape_cast %get3A_271 : vector<16xi32> to vector<16xi32>
      %swap3A_273 = arith.constant 48 : index
      %swap3A_274 = tpu.vector_load %arg8[%swap3A_273] {strides = array<i32>} : memref<128xi32, #tpu.memory_space<vmem>>, vector<16xi32>,
      %swap3A_275 = vector.shape_cast %swap3A_274 : vector<16xi32> to vector<16xi32>
      %swap3A_276 = vector.shape_cast %get3A_272 : vector<16xi32> to vector<16xi32>
      tpu.vector_store %arg8[%swap3A_273], %swap3A_276 {strides = array<i32>} : memref<128xi32, #tpu.memory_space<vmem>>, vector<16xi32>,
      %mul3A_277 = arith.constant 2 : i32
      %mul3A_278 = arith.muli %while3A_86, %mul3A_277 : i32
      %add3A_279 = arith.constant 1 : i32
      %add3A_280 = arith.addi %mul3A_278, %add3A_279 : i32
      %mul3A_281 = arith.constant 128 : i32
      %mul3A_282 = arith.muli %add3A_280, %mul3A_281 : i32
      %add3A_283 = arith.constant 64 : i32
      %add3A_284 = arith.addi %mul3A_282, %add3A_283 : i32
      %get3A_285 = arith.index_cast %add3A_284 : i32 to index
      %get3A_286 = tpu.vector_load %arg6[%get3A_285] {strides = array<i32>} : memref<15616xi32, #tpu.memory_space<vmem>>, vector<16xi32>,
      %get3A_287 = vector.shape_cast %get3A_286 : vector<16xi32> to vector<16xi32>
      %swap3A_288 = arith.constant 64 : index
      %swap3A_289 = tpu.vector_load %arg8[%swap3A_288] {strides = array<i32>} : memref<128xi32, #tpu.memory_space<vmem>>, vector<16xi32>,
      %swap3A_290 = vector.shape_cast %swap3A_289 : vector<16xi32> to vector<16xi32>
      %swap3A_291 = vector.shape_cast %get3A_287 : vector<16xi32> to vector<16xi32>
      tpu.vector_store %arg8[%swap3A_288], %swap3A_291 {strides = array<i32>} : memref<128xi32, #tpu.memory_space<vmem>>, vector<16xi32>,
      %mul3A_292 = arith.constant 2 : i32
      %mul3A_293 = arith.muli %while3A_86, %mul3A_292 : i32
      %add3A_294 = arith.constant 1 : i32
      %add3A_295 = arith.addi %mul3A_293, %add3A_294 : i32
      %mul3A_296 = arith.constant 128 : i32
      %mul3A_297 = arith.muli %add3A_295, %mul3A_296 : i32
      %add3A_298 = arith.constant 80 : i32
      %add3A_299 = arith.addi %mul3A_297, %add3A_298 : i32
      %get3A_300 = arith.index_cast %add3A_299 : i32 to index
      %get3A_301 = tpu.vector_load %arg6[%get3A_300] {strides = array<i32>} : memref<15616xi32, #tpu.memory_space<vmem>>, vector<16xi32>,
      %get3A_302 = vector.shape_cast %get3A_301 : vector<16xi32> to vector<16xi32>
      %swap3A_303 = arith.constant 80 : index
      %swap3A_304 = tpu.vector_load %arg8[%swap3A_303] {strides = array<i32>} : memref<128xi32, #tpu.memory_space<vmem>>, vector<16xi32>,
      %swap3A_305 = vector.shape_cast %swap3A_304 : vector<16xi32> to vector<16xi32>
      %swap3A_306 = vector.shape_cast %get3A_302 : vector<16xi32> to vector<16xi32>
      tpu.vector_store %arg8[%swap3A_303], %swap3A_306 {strides = array<i32>} : memref<128xi32, #tpu.memory_space<vmem>>, vector<16xi32>,
      %mul3A_307 = arith.constant 2 : i32
      %mul3A_308 = arith.muli %while3A_86, %mul3A_307 : i32
      %add3A_309 = arith.constant 1 : i32
      %add3A_310 = arith.addi %mul3A_308, %add3A_309 : i32
      %mul3A_311 = arith.constant 128 : i32
      %mul3A_312 = arith.muli %add3A_310, %mul3A_311 : i32
      %add3A_313 = arith.constant 96 : i32
      %add3A_314 = arith.addi %mul3A_312, %add3A_313 : i32
      %get3A_315 = arith.index_cast %add3A_314 : i32 to index
      %get3A_316 = tpu.vector_load %arg6[%get3A_315] {strides = array<i32>} : memref<15616xi32, #tpu.memory_space<vmem>>, vector<16xi32>,
      %get3A_317 = vector.shape_cast %get3A_316 : vector<16xi32> to vector<16xi32>
      %swap3A_318 = arith.constant 96 : index
      %swap3A_319 = tpu.vector_load %arg8[%swap3A_318] {strides = array<i32>} : memref<128xi32, #tpu.memory_space<vmem>>, vector<16xi32>,
      %swap3A_320 = vector.shape_cast %swap3A_319 : vector<16xi32> to vector<16xi32>
      %swap3A_321 = vector.shape_cast %get3A_317 : vector<16xi32> to vector<16xi32>
      tpu.vector_store %arg8[%swap3A_318], %swap3A_321 {strides = array<i32>} : memref<128xi32, #tpu.memory_space<vmem>>, vector<16xi32>,
      %mul3A_322 = arith.constant 2 : i32
      %mul3A_323 = arith.muli %while3A_86, %mul3A_322 : i32
      %add3A_324 = arith.constant 1 : i32
      %add3A_325 = arith.addi %mul3A_323, %add3A_324 : i32
      %mul3A_326 = arith.constant 128 : i32
      %mul3A_327 = arith.muli %add3A_325, %mul3A_326 : i32
      %add3A_328 = arith.constant 112 : i32
      %add3A_329 = arith.addi %mul3A_327, %add3A_328 : i32
      %get3A_330 = arith.index_cast %add3A_329 : i32 to index
      %get3A_331 = tpu.vector_load %arg6[%get3A_330] {strides = array<i32>} : memref<15616xi32, #tpu.memory_space<vmem>>, vector<16xi32>,
      %get3A_332 = vector.shape_cast %get3A_331 : vector<16xi32> to vector<16xi32>
      %swap3A_333 = arith.constant 112 : index
      %swap3A_334 = tpu.vector_load %arg8[%swap3A_333] {strides = array<i32>} : memref<128xi32, #tpu.memory_space<vmem>>, vector<16xi32>,
      %swap3A_335 = vector.shape_cast %swap3A_334 : vector<16xi32> to vector<16xi32>
      %swap3A_336 = vector.shape_cast %get3A_332 : vector<16xi32> to vector<16xi32>
      tpu.vector_store %arg8[%swap3A_333], %swap3A_336 {strides = array<i32>} : memref<128xi32, #tpu.memory_space<vmem>>, vector<16xi32>,
      %dma_start3A_337 = arith.constant 0 : i32
      %dma_start3A_338 = arith.constant 0 : i32
      %dma_start3A_339 = tpu.memref_slice %arg2[%dma_start3A_337, %dma_start3A_338] : memref<10000x128xf32, #tpu.memory_space<hbm>> -> memref<10000x128xf32, #tpu.memory_space<hbm>>
      tpu.enqueue_indirect_dma source(%dma_start3A_339 : memref<10000x128xf32, #tpu.memory_space<hbm>>) target(%arg12 : memref<128x128xf32, #tpu.memory_space<vmem>>) offsets(%arg8 : memref<128xi32, #tpu.memory_space<vmem>>) semaphore(%arg15 : memref<!tpu.dma_semaphore, #tpu.memory_space<semaphore_mem>>)
      %mul3A_340 = arith.constant 2 : i32
      %mul3A_341 = arith.muli %while3A_86, %mul3A_340 : i32
      %add3A_342 = arith.constant 1 : i32
      %add3A_343 = arith.addi %mul3A_341, %add3A_342 : i32
      %mul3A_344 = arith.constant 128 : i32
      %mul3A_345 = arith.muli %add3A_343, %mul3A_344 : i32
      %add3A_346 = arith.addi %select_n3A, %mul3A_345 : i32
      %dma_start3A_347 = tpu.memref_slice %arg4[%add3A_346] : memref<327680xi32, #tpu.memory_space<hbm>> -> memref<128xi32, #tpu.memory_space<hbm>>
      %dma_start3A_348 = tpu.memref_slice %arg4[%add3A_346] : memref<327680xi32, #tpu.memory_space<hbm>> -> memref<128xi32, #tpu.memory_space<hbm>>
      tpu.enqueue_dma source(%dma_start3A_348 : memref<128xi32, #tpu.memory_space<hbm>>) target(%arg10 : memref<128xi32, #tpu.memory_space<vmem>>) target_semaphore(%arg17 : memref<!tpu.dma_semaphore, #tpu.memory_space<semaphore_mem>>)
      %dma_wait3A = arith.constant 0 : i32
      %dma_wait3A_349 = arith.constant 0 : i32
      %dma_wait3A_350 = tpu.memref_slice %arg2[%dma_wait3A, %dma_wait3A_349] : memref<10000x128xf32, #tpu.memory_space<hbm>> -> memref<10000x128xf32, #tpu.memory_space<hbm>>
      tpu.wait_indirect_dma semaphore(%arg14 : memref<!tpu.dma_semaphore, #tpu.memory_space<semaphore_mem>>) src(%dma_wait3A_350 : memref<10000x128xf32, #tpu.memory_space<hbm>>) dst(%arg11 : memref<128x128xf32, #tpu.memory_space<vmem>>)
      %dma_wait3A_351 = tpu.memref_slice %arg4[%add3A_214] : memref<327680xi32, #tpu.memory_space<hbm>> -> memref<128xi32, #tpu.memory_space<hbm>>
      %dma_wait3A_352 = tpu.memref_slice %arg4[%add3A_214] : memref<327680xi32, #tpu.memory_space<hbm>> -> memref<128xi32, #tpu.memory_space<hbm>>
      tpu.wait_dma2 semaphore(%arg16 : memref<!tpu.dma_semaphore, #tpu.memory_space<semaphore_mem>>) src(%dma_wait3A_352 : memref<128xi32, #tpu.memory_space<hbm>>) dst(%arg9 : memref<128xi32, #tpu.memory_space<vmem>>)
      "tpu.region"() ({
        %run_scoped3A = tpu.sem_alloc : memref<!tpu.dma_semaphore, #tpu.memory_space<semaphore_mem>>
        %dma_start3A_359 = arith.constant 0 : i32
        %dma_start3A_360 = arith.constant 0 : i32
        %dma_start3A_361 = tpu.memref_slice %arg13[%dma_start3A_359, %dma_start3A_360] : memref<10240x128xf32, #tpu.memory_space<vmem_shared>> -> memref<10240x128xf32, #tpu.memory_space<vmem_shared>>
        tpu.enqueue_indirect_dma source(%arg11 : memref<128x128xf32, #tpu.memory_space<vmem>>) target(%dma_start3A_361 : memref<10240x128xf32, #tpu.memory_space<vmem_shared>>) offsets(%arg9 : memref<128xi32, #tpu.memory_space<vmem>>) semaphore(%run_scoped3A : memref<!tpu.dma_semaphore, #tpu.memory_space<semaphore_mem>>) {add = true}
        %dma_wait3A_362 = arith.constant 0 : i32
        %dma_wait3A_363 = arith.constant 0 : i32
        %dma_wait3A_364 = tpu.memref_slice %arg13[%dma_wait3A_362, %dma_wait3A_363] : memref<10240x128xf32, #tpu.memory_space<vmem_shared>> -> memref<10240x128xf32, #tpu.memory_space<vmem_shared>>
        tpu.wait_indirect_dma semaphore(%run_scoped3A : memref<!tpu.dma_semaphore, #tpu.memory_space<semaphore_mem>>) src(%arg11 : memref<128x128xf32, #tpu.memory_space<vmem>>) dst(%dma_wait3A_364 : memref<10240x128xf32, #tpu.memory_space<vmem_shared>>)
        tpu.yield
      }) : () -> ()
      %dma_wait3A_353 = arith.constant 0 : i32
      %dma_wait3A_354 = arith.constant 0 : i32
      %dma_wait3A_355 = tpu.memref_slice %arg2[%dma_wait3A_353, %dma_wait3A_354] : memref<10000x128xf32, #tpu.memory_space<hbm>> -> memref<10000x128xf32, #tpu.memory_space<hbm>>
      tpu.wait_indirect_dma semaphore(%arg15 : memref<!tpu.dma_semaphore, #tpu.memory_space<semaphore_mem>>) src(%dma_wait3A_355 : memref<10000x128xf32, #tpu.memory_space<hbm>>) dst(%arg12 : memref<128x128xf32, #tpu.memory_space<vmem>>)
      %dma_wait3A_356 = tpu.memref_slice %arg4[%add3A_346] : memref<327680xi32, #tpu.memory_space<hbm>> -> memref<128xi32, #tpu.memory_space<hbm>>
      %dma_wait3A_357 = tpu.memref_slice %arg4[%add3A_346] : memref<327680xi32, #tpu.memory_space<hbm>> -> memref<128xi32, #tpu.memory_space<hbm>>
      tpu.wait_dma2 semaphore(%arg17 : memref<!tpu.dma_semaphore, #tpu.memory_space<semaphore_mem>>) src(%dma_wait3A_357 : memref<128xi32, #tpu.memory_space<hbm>>) dst(%arg10 : memref<128xi32, #tpu.memory_space<vmem>>)
      "tpu.region"() ({
        %run_scoped3A = tpu.sem_alloc : memref<!tpu.dma_semaphore, #tpu.memory_space<semaphore_mem>>
        %dma_start3A_359 = arith.constant 0 : i32
        %dma_start3A_360 = arith.constant 0 : i32
        %dma_start3A_361 = tpu.memref_slice %arg13[%dma_start3A_359, %dma_start3A_360] : memref<10240x128xf32, #tpu.memory_space<vmem_shared>> -> memref<10240x128xf32, #tpu.memory_space<vmem_shared>>
        tpu.enqueue_indirect_dma source(%arg12 : memref<128x128xf32, #tpu.memory_space<vmem>>) target(%dma_start3A_361 : memref<10240x128xf32, #tpu.memory_space<vmem_shared>>) offsets(%arg10 : memref<128xi32, #tpu.memory_space<vmem>>) semaphore(%run_scoped3A : memref<!tpu.dma_semaphore, #tpu.memory_space<semaphore_mem>>) {add = true}
        %dma_wait3A_362 = arith.constant 0 : i32
        %dma_wait3A_363 = arith.constant 0 : i32
        %dma_wait3A_364 = tpu.memref_slice %arg13[%dma_wait3A_362, %dma_wait3A_363] : memref<10240x128xf32, #tpu.memory_space<vmem_shared>> -> memref<10240x128xf32, #tpu.memory_space<vmem_shared>>
        tpu.wait_indirect_dma semaphore(%run_scoped3A : memref<!tpu.dma_semaphore, #tpu.memory_space<semaphore_mem>>) src(%arg12 : memref<128x128xf32, #tpu.memory_space<vmem>>) dst(%dma_wait3A_364 : memref<10240x128xf32, #tpu.memory_space<vmem_shared>>)
        tpu.yield
      }) : () -> ()
      %while3A_358 = arith.constant 0 : i32
      scf.yield %while3A_358 : i32
    }
    %while3A_48 = arith.constant 1 : i32
    %while3A_49 = scf.for %while3A_86 = %while3A_45 to %while3A_41 step %while3A_48 iter_args(%while3A_87 = %while3A_47) -> (i32)  : i32 {
      %mul3A_88 = arith.constant 2 : i32
      %mul3A_89 = arith.muli %while3A_86, %mul3A_88 : i32
      %add3A_90 = arith.constant 0 : i32
      %add3A_91 = arith.addi %mul3A_89, %add3A_90 : i32
      %mul3A_92 = arith.constant 128 : i32
      %mul3A_93 = arith.muli %add3A_91, %mul3A_92 : i32
      %add3A_94 = arith.constant 0 : i32
      %add3A_95 = arith.addi %mul3A_93, %add3A_94 : i32
      %get3A = arith.index_cast %add3A_95 : i32 to index
      %get3A_96 = tpu.vector_load %arg6[%get3A] {strides = array<i32>} : memref<15616xi32, #tpu.memory_space<vmem>>, vector<16xi32>,
      %get3A_97 = vector.shape_cast %get3A_96 : vector<16xi32> to vector<16xi32>
      %swap3A = arith.constant 0 : index
      %swap3A_98 = tpu.vector_load %arg7[%swap3A] {strides = array<i32>} : memref<128xi32, #tpu.memory_space<vmem>>, vector<16xi32>,
      %swap3A_99 = vector.shape_cast %swap3A_98 : vector<16xi32> to vector<16xi32>
      %swap3A_100 = vector.shape_cast %get3A_97 : vector<16xi32> to vector<16xi32>
      tpu.vector_store %arg7[%swap3A], %swap3A_100 {strides = array<i32>} : memref<128xi32, #tpu.memory_space<vmem>>, vector<16xi32>,
      %mul3A_101 = arith.constant 2 : i32
      %mul3A_102 = arith.muli %while3A_86, %mul3A_101 : i32
      %add3A_103 = arith.constant 0 : i32
      %add3A_104 = arith.addi %mul3A_102, %add3A_103 : i32
      %mul3A_105 = arith.constant 128 : i32
      %mul3A_106 = arith.muli %add3A_104, %mul3A_105 : i32
      %add3A_107 = arith.constant 16 : i32
      %add3A_108 = arith.addi %mul3A_106, %add3A_107 : i32
      %get3A_109 = arith.index_cast %add3A_108 : i32 to index
      %get3A_110 = tpu.vector_load %arg6[%get3A_109] {strides = array<i32>} : memref<15616xi32, #tpu.memory_space<vmem>>, vector<16xi32>,
      %get3A_111 = vector.shape_cast %get3A_110 : vector<16xi32> to vector<16xi32>
      %swap3A_112 = arith.constant 16 : index
      %swap3A_113 = tpu.vector_load %arg7[%swap3A_112] {strides = array<i32>} : memref<128xi32, #tpu.memory_space<vmem>>, vector<16xi32>,
      %swap3A_114 = vector.shape_cast %swap3A_113 : vector<16xi32> to vector<16xi32>
      %swap3A_115 = vector.shape_cast %get3A_111 : vector<16xi32> to vector<16xi32>
      tpu.vector_store %arg7[%swap3A_112], %swap3A_115 {strides = array<i32>} : memref<128xi32, #tpu.memory_space<vmem>>, vector<16xi32>,
      %mul3A_116 = arith.constant 2 : i32
      %mul3A_117 = arith.muli %while3A_86, %mul3A_116 : i32
      %add3A_118 = arith.constant 0 : i32
      %add3A_119 = arith.addi %mul3A_117, %add3A_118 : i32
      %mul3A_120 = arith.constant 128 : i32
      %mul3A_121 = arith.muli %add3A_119, %mul3A_120 : i32
      %add3A_122 = arith.constant 32 : i32
      %add3A_123 = arith.addi %mul3A_121, %add3A_122 : i32
      %get3A_124 = arith.index_cast %add3A_123 : i32 to index
      %get3A_125 = tpu.vector_load %arg6[%get3A_124] {strides = array<i32>} : memref<15616xi32, #tpu.memory_space<vmem>>, vector<16xi32>,
      %get3A_126 = vector.shape_cast %get3A_125 : vector<16xi32> to vector<16xi32>
      %swap3A_127 = arith.constant 32 : index
      %swap3A_128 = tpu.vector_load %arg7[%swap3A_127] {strides = array<i32>} : memref<128xi32, #tpu.memory_space<vmem>>, vector<16xi32>,
      %swap3A_129 = vector.shape_cast %swap3A_128 : vector<16xi32> to vector<16xi32>
      %swap3A_130 = vector.shape_cast %get3A_126 : vector<16xi32> to vector<16xi32>
      tpu.vector_store %arg7[%swap3A_127], %swap3A_130 {strides = array<i32>} : memref<128xi32, #tpu.memory_space<vmem>>, vector<16xi32>,
      %mul3A_131 = arith.constant 2 : i32
      %mul3A_132 = arith.muli %while3A_86, %mul3A_131 : i32
      %add3A_133 = arith.constant 0 : i32
      %add3A_134 = arith.addi %mul3A_132, %add3A_133 : i32
      %mul3A_135 = arith.constant 128 : i32
      %mul3A_136 = arith.muli %add3A_134, %mul3A_135 : i32
      %add3A_137 = arith.constant 48 : i32
      %add3A_138 = arith.addi %mul3A_136, %add3A_137 : i32
      %get3A_139 = arith.index_cast %add3A_138 : i32 to index
      %get3A_140 = tpu.vector_load %arg6[%get3A_139] {strides = array<i32>} : memref<15616xi32, #tpu.memory_space<vmem>>, vector<16xi32>,
      %get3A_141 = vector.shape_cast %get3A_140 : vector<16xi32> to vector<16xi32>
      %swap3A_142 = arith.constant 48 : index
      %swap3A_143 = tpu.vector_load %arg7[%swap3A_142] {strides = array<i32>} : memref<128xi32, #tpu.memory_space<vmem>>, vector<16xi32>,
      %swap3A_144 = vector.shape_cast %swap3A_143 : vector<16xi32> to vector<16xi32>
      %swap3A_145 = vector.shape_cast %get3A_141 : vector<16xi32> to vector<16xi32>
      tpu.vector_store %arg7[%swap3A_142], %swap3A_145 {strides = array<i32>} : memref<128xi32, #tpu.memory_space<vmem>>, vector<16xi32>,
      %mul3A_146 = arith.constant 2 : i32
      %mul3A_147 = arith.muli %while3A_86, %mul3A_146 : i32
      %add3A_148 = arith.constant 0 : i32
      %add3A_149 = arith.addi %mul3A_147, %add3A_148 : i32
      %mul3A_150 = arith.constant 128 : i32
      %mul3A_151 = arith.muli %add3A_149, %mul3A_150 : i32
      %add3A_152 = arith.constant 64 : i32
      %add3A_153 = arith.addi %mul3A_151, %add3A_152 : i32
      %get3A_154 = arith.index_cast %add3A_153 : i32 to index
      %get3A_155 = tpu.vector_load %arg6[%get3A_154] {strides = array<i32>} : memref<15616xi32, #tpu.memory_space<vmem>>, vector<16xi32>,
      %get3A_156 = vector.shape_cast %get3A_155 : vector<16xi32> to vector<16xi32>
      %swap3A_157 = arith.constant 64 : index
      %swap3A_158 = tpu.vector_load %arg7[%swap3A_157] {strides = array<i32>} : memref<128xi32, #tpu.memory_space<vmem>>, vector<16xi32>,
      %swap3A_159 = vector.shape_cast %swap3A_158 : vector<16xi32> to vector<16xi32>
      %swap3A_160 = vector.shape_cast %get3A_156 : vector<16xi32> to vector<16xi32>
      tpu.vector_store %arg7[%swap3A_157], %swap3A_160 {strides = array<i32>} : memref<128xi32, #tpu.memory_space<vmem>>, vector<16xi32>,
      %mul3A_161 = arith.constant 2 : i32
      %mul3A_162 = arith.muli %while3A_86, %mul3A_161 : i32
      %add3A_163 = arith.constant 0 : i32
      %add3A_164 = arith.addi %mul3A_162, %add3A_163 : i32
      %mul3A_165 = arith.constant 128 : i32
      %mul3A_166 = arith.muli %add3A_164, %mul3A_165 : i32
      %add3A_167 = arith.constant 80 : i32
      %add3A_168 = arith.addi %mul3A_166, %add3A_167 : i32
      %get3A_169 = arith.index_cast %add3A_168 : i32 to index
      %get3A_170 = tpu.vector_load %arg6[%get3A_169] {strides = array<i32>} : memref<15616xi32, #tpu.memory_space<vmem>>, vector<16xi32>,
      %get3A_171 = vector.shape_cast %get3A_170 : vector<16xi32> to vector<16xi32>
      %swap3A_172 = arith.constant 80 : index
      %swap3A_173 = tpu.vector_load %arg7[%swap3A_172] {strides = array<i32>} : memref<128xi32, #tpu.memory_space<vmem>>, vector<16xi32>,
      %swap3A_174 = vector.shape_cast %swap3A_173 : vector<16xi32> to vector<16xi32>
      %swap3A_175 = vector.shape_cast %get3A_171 : vector<16xi32> to vector<16xi32>
      tpu.vector_store %arg7[%swap3A_172], %swap3A_175 {strides = array<i32>} : memref<128xi32, #tpu.memory_space<vmem>>, vector<16xi32>,
      %mul3A_176 = arith.constant 2 : i32
      %mul3A_177 = arith.muli %while3A_86, %mul3A_176 : i32
      %add3A_178 = arith.constant 0 : i32
      %add3A_179 = arith.addi %mul3A_177, %add3A_178 : i32
      %mul3A_180 = arith.constant 128 : i32
      %mul3A_181 = arith.muli %add3A_179, %mul3A_180 : i32
      %add3A_182 = arith.constant 96 : i32
      %add3A_183 = arith.addi %mul3A_181, %add3A_182 : i32
      %get3A_184 = arith.index_cast %add3A_183 : i32 to index
      %get3A_185 = tpu.vector_load %arg6[%get3A_184] {strides = array<i32>} : memref<15616xi32, #tpu.memory_space<vmem>>, vector<16xi32>,
      %get3A_186 = vector.shape_cast %get3A_185 : vector<16xi32> to vector<16xi32>
      %swap3A_187 = arith.constant 96 : index
      %swap3A_188 = tpu.vector_load %arg7[%swap3A_187] {strides = array<i32>} : memref<128xi32, #tpu.memory_space<vmem>>, vector<16xi32>,
      %swap3A_189 = vector.shape_cast %swap3A_188 : vector<16xi32> to vector<16xi32>
      %swap3A_190 = vector.shape_cast %get3A_186 : vector<16xi32> to vector<16xi32>
      tpu.vector_store %arg7[%swap3A_187], %swap3A_190 {strides = array<i32>} : memref<128xi32, #tpu.memory_space<vmem>>, vector<16xi32>,
      %mul3A_191 = arith.constant 2 : i32
      %mul3A_192 = arith.muli %while3A_86, %mul3A_191 : i32
      %add3A_193 = arith.constant 0 : i32
      %add3A_194 = arith.addi %mul3A_192, %add3A_193 : i32
      %mul3A_195 = arith.constant 128 : i32
      %mul3A_196 = arith.muli %add3A_194, %mul3A_195 : i32
      %add3A_197 = arith.constant 112 : i32
      %add3A_198 = arith.addi %mul3A_196, %add3A_197 : i32
      %get3A_199 = arith.index_cast %add3A_198 : i32 to index
      %get3A_200 = tpu.vector_load %arg6[%get3A_199] {strides = array<i32>} : memref<15616xi32, #tpu.memory_space<vmem>>, vector<16xi32>,
      %get3A_201 = vector.shape_cast %get3A_200 : vector<16xi32> to vector<16xi32>
      %swap3A_202 = arith.constant 112 : index
      %swap3A_203 = tpu.vector_load %arg7[%swap3A_202] {strides = array<i32>} : memref<128xi32, #tpu.memory_space<vmem>>, vector<16xi32>,
      %swap3A_204 = vector.shape_cast %swap3A_203 : vector<16xi32> to vector<16xi32>
      %swap3A_205 = vector.shape_cast %get3A_201 : vector<16xi32> to vector<16xi32>
      tpu.vector_store %arg7[%swap3A_202], %swap3A_205 {strides = array<i32>} : memref<128xi32, #tpu.memory_space<vmem>>, vector<16xi32>,
      %dma_start3A = arith.constant 0 : i32
      %dma_start3A_206 = arith.constant 0 : i32
      %dma_start3A_207 = tpu.memref_slice %arg2[%dma_start3A, %dma_start3A_206] : memref<10000x128xf32, #tpu.memory_space<hbm>> -> memref<10000x128xf32, #tpu.memory_space<hbm>>
      tpu.enqueue_indirect_dma source(%dma_start3A_207 : memref<10000x128xf32, #tpu.memory_space<hbm>>) target(%arg11 : memref<128x128xf32, #tpu.memory_space<vmem>>) offsets(%arg7 : memref<128xi32, #tpu.memory_space<vmem>>) semaphore(%arg14 : memref<!tpu.dma_semaphore, #tpu.memory_space<semaphore_mem>>)
      %mul3A_208 = arith.constant 2 : i32
      %mul3A_209 = arith.muli %while3A_86, %mul3A_208 : i32
      %add3A_210 = arith.constant 0 : i32
      %add3A_211 = arith.addi %mul3A_209, %add3A_210 : i32
      %mul3A_212 = arith.constant 128 : i32
      %mul3A_213 = arith.muli %add3A_211, %mul3A_212 : i32
      %add3A_214 = arith.addi %select_n3A, %mul3A_213 : i32
      %dma_start3A_215 = tpu.memref_slice %arg4[%add3A_214] : memref<327680xi32, #tpu.memory_space<hbm>> -> memref<128xi32, #tpu.memory_space<hbm>>
      %dma_start3A_216 = tpu.memref_slice %arg4[%add3A_214] : memref<327680xi32, #tpu.memory_space<hbm>> -> memref<128xi32, #tpu.memory_space<hbm>>
      tpu.enqueue_dma source(%dma_start3A_216 : memref<128xi32, #tpu.memory_space<hbm>>) target(%arg9 : memref<128xi32, #tpu.memory_space<vmem>>) target_semaphore(%arg16 : memref<!tpu.dma_semaphore, #tpu.memory_space<semaphore_mem>>)
      %mul3A_217 = arith.constant 2 : i32
      %mul3A_218 = arith.muli %while3A_86, %mul3A_217 : i32
      %add3A_219 = arith.constant 1 : i32
      %add3A_220 = arith.addi %mul3A_218, %add3A_219 : i32
      %mul3A_221 = arith.constant 128 : i32
      %mul3A_222 = arith.muli %add3A_220, %mul3A_221 : i32
      %add3A_223 = arith.constant 0 : i32
      %add3A_224 = arith.addi %mul3A_222, %add3A_223 : i32
      %get3A_225 = arith.index_cast %add3A_224 : i32 to index
      %get3A_226 = tpu.vector_load %arg6[%get3A_225] {strides = array<i32>} : memref<15616xi32, #tpu.memory_space<vmem>>, vector<16xi32>,
      %get3A_227 = vector.shape_cast %get3A_226 : vector<16xi32> to vector<16xi32>
      %swap3A_228 = arith.constant 0 : index
      %swap3A_229 = tpu.vector_load %arg8[%swap3A_228] {strides = array<i32>} : memref<128xi32, #tpu.memory_space<vmem>>, vector<16xi32>,
      %swap3A_230 = vector.shape_cast %swap3A_229 : vector<16xi32> to vector<16xi32>
      %swap3A_231 = vector.shape_cast %get3A_227 : vector<16xi32> to vector<16xi32>
      tpu.vector_store %arg8[%swap3A_228], %swap3A_231 {strides = array<i32>} : memref<128xi32, #tpu.memory_space<vmem>>, vector<16xi32>,
      %mul3A_232 = arith.constant 2 : i32
      %mul3A_233 = arith.muli %while3A_86, %mul3A_232 : i32
      %add3A_234 = arith.constant 1 : i32
      %add3A_235 = arith.addi %mul3A_233, %add3A_234 : i32
      %mul3A_236 = arith.constant 128 : i32
      %mul3A_237 = arith.muli %add3A_235, %mul3A_236 : i32
      %add3A_238 = arith.constant 16 : i32
      %add3A_239 = arith.addi %mul3A_237, %add3A_238 : i32
      %get3A_240 = arith.index_cast %add3A_239 : i32 to index
      %get3A_241 = tpu.vector_load %arg6[%get3A_240] {strides = array<i32>} : memref<15616xi32, #tpu.memory_space<vmem>>, vector<16xi32>,
      %get3A_242 = vector.shape_cast %get3A_241 : vector<16xi32> to vector<16xi32>
      %swap3A_243 = arith.constant 16 : index
      %swap3A_244 = tpu.vector_load %arg8[%swap3A_243] {strides = array<i32>} : memref<128xi32, #tpu.memory_space<vmem>>, vector<16xi32>,
      %swap3A_245 = vector.shape_cast %swap3A_244 : vector<16xi32> to vector<16xi32>
      %swap3A_246 = vector.shape_cast %get3A_242 : vector<16xi32> to vector<16xi32>
      tpu.vector_store %arg8[%swap3A_243], %swap3A_246 {strides = array<i32>} : memref<128xi32, #tpu.memory_space<vmem>>, vector<16xi32>,
      %mul3A_247 = arith.constant 2 : i32
      %mul3A_248 = arith.muli %while3A_86, %mul3A_247 : i32
      %add3A_249 = arith.constant 1 : i32
      %add3A_250 = arith.addi %mul3A_248, %add3A_249 : i32
      %mul3A_251 = arith.constant 128 : i32
      %mul3A_252 = arith.muli %add3A_250, %mul3A_251 : i32
      %add3A_253 = arith.constant 32 : i32
      %add3A_254 = arith.addi %mul3A_252, %add3A_253 : i32
      %get3A_255 = arith.index_cast %add3A_254 : i32 to index
      %get3A_256 = tpu.vector_load %arg6[%get3A_255] {strides = array<i32>} : memref<15616xi32, #tpu.memory_space<vmem>>, vector<16xi32>,
      %get3A_257 = vector.shape_cast %get3A_256 : vector<16xi32> to vector<16xi32>
      %swap3A_258 = arith.constant 32 : index
      %swap3A_259 = tpu.vector_load %arg8[%swap3A_258] {strides = array<i32>} : memref<128xi32, #tpu.memory_space<vmem>>, vector<16xi32>,
      %swap3A_260 = vector.shape_cast %swap3A_259 : vector<16xi32> to vector<16xi32>
      %swap3A_261 = vector.shape_cast %get3A_257 : vector<16xi32> to vector<16xi32>
      tpu.vector_store %arg8[%swap3A_258], %swap3A_261 {strides = array<i32>} : memref<128xi32, #tpu.memory_space<vmem>>, vector<16xi32>,
      %mul3A_262 = arith.constant 2 : i32
      %mul3A_263 = arith.muli %while3A_86, %mul3A_262 : i32
      %add3A_264 = arith.constant 1 : i32
      %add3A_265 = arith.addi %mul3A_263, %add3A_264 : i32
      %mul3A_266 = arith.constant 128 : i32
      %mul3A_267 = arith.muli %add3A_265, %mul3A_266 : i32
      %add3A_268 = arith.constant 48 : i32
      %add3A_269 = arith.addi %mul3A_267, %add3A_268 : i32
      %get3A_270 = arith.index_cast %add3A_269 : i32 to index
      %get3A_271 = tpu.vector_load %arg6[%get3A_270] {strides = array<i32>} : memref<15616xi32, #tpu.memory_space<vmem>>, vector<16xi32>,
      %get3A_272 = vector.shape_cast %get3A_271 : vector<16xi32> to vector<16xi32>
      %swap3A_273 = arith.constant 48 : index
      %swap3A_274 = tpu.vector_load %arg8[%swap3A_273] {strides = array<i32>} : memref<128xi32, #tpu.memory_space<vmem>>, vector<16xi32>,
      %swap3A_275 = vector.shape_cast %swap3A_274 : vector<16xi32> to vector<16xi32>
      %swap3A_276 = vector.shape_cast %get3A_272 : vector<16xi32> to vector<16xi32>
      tpu.vector_store %arg8[%swap3A_273], %swap3A_276 {strides = array<i32>} : memref<128xi32, #tpu.memory_space<vmem>>, vector<16xi32>,
      %mul3A_277 = arith.constant 2 : i32
      %mul3A_278 = arith.muli %while3A_86, %mul3A_277 : i32
      %add3A_279 = arith.constant 1 : i32
      %add3A_280 = arith.addi %mul3A_278, %add3A_279 : i32
      %mul3A_281 = arith.constant 128 : i32
      %mul3A_282 = arith.muli %add3A_280, %mul3A_281 : i32
      %add3A_283 = arith.constant 64 : i32
      %add3A_284 = arith.addi %mul3A_282, %add3A_283 : i32
      %get3A_285 = arith.index_cast %add3A_284 : i32 to index
      %get3A_286 = tpu.vector_load %arg6[%get3A_285] {strides = array<i32>} : memref<15616xi32, #tpu.memory_space<vmem>>, vector<16xi32>,
      %get3A_287 = vector.shape_cast %get3A_286 : vector<16xi32> to vector<16xi32>
      %swap3A_288 = arith.constant 64 : index
      %swap3A_289 = tpu.vector_load %arg8[%swap3A_288] {strides = array<i32>} : memref<128xi32, #tpu.memory_space<vmem>>, vector<16xi32>,
      %swap3A_290 = vector.shape_cast %swap3A_289 : vector<16xi32> to vector<16xi32>
      %swap3A_291 = vector.shape_cast %get3A_287 : vector<16xi32> to vector<16xi32>
      tpu.vector_store %arg8[%swap3A_288], %swap3A_291 {strides = array<i32>} : memref<128xi32, #tpu.memory_space<vmem>>, vector<16xi32>,
      %mul3A_292 = arith.constant 2 : i32
      %mul3A_293 = arith.muli %while3A_86, %mul3A_292 : i32
      %add3A_294 = arith.constant 1 : i32
      %add3A_295 = arith.addi %mul3A_293, %add3A_294 : i32
      %mul3A_296 = arith.constant 128 : i32
      %mul3A_297 = arith.muli %add3A_295, %mul3A_296 : i32
      %add3A_298 = arith.constant 80 : i32
      %add3A_299 = arith.addi %mul3A_297, %add3A_298 : i32
      %get3A_300 = arith.index_cast %add3A_299 : i32 to index
      %get3A_301 = tpu.vector_load %arg6[%get3A_300] {strides = array<i32>} : memref<15616xi32, #tpu.memory_space<vmem>>, vector<16xi32>,
      %get3A_302 = vector.shape_cast %get3A_301 : vector<16xi32> to vector<16xi32>
      %swap3A_303 = arith.constant 80 : index
      %swap3A_304 = tpu.vector_load %arg8[%swap3A_303] {strides = array<i32>} : memref<128xi32, #tpu.memory_space<vmem>>, vector<16xi32>,
      %swap3A_305 = vector.shape_cast %swap3A_304 : vector<16xi32> to vector<16xi32>
      %swap3A_306 = vector.shape_cast %get3A_302 : vector<16xi32> to vector<16xi32>
      tpu.vector_store %arg8[%swap3A_303], %swap3A_306 {strides = array<i32>} : memref<128xi32, #tpu.memory_space<vmem>>, vector<16xi32>,
      %mul3A_307 = arith.constant 2 : i32
      %mul3A_308 = arith.muli %while3A_86, %mul3A_307 : i32
      %add3A_309 = arith.constant 1 : i32
      %add3A_310 = arith.addi %mul3A_308, %add3A_309 : i32
      %mul3A_311 = arith.constant 128 : i32
      %mul3A_312 = arith.muli %add3A_310, %mul3A_311 : i32
      %add3A_313 = arith.constant 96 : i32
      %add3A_314 = arith.addi %mul3A_312, %add3A_313 : i32
      %get3A_315 = arith.index_cast %add3A_314 : i32 to index
      %get3A_316 = tpu.vector_load %arg6[%get3A_315] {strides = array<i32>} : memref<15616xi32, #tpu.memory_space<vmem>>, vector<16xi32>,
      %get3A_317 = vector.shape_cast %get3A_316 : vector<16xi32> to vector<16xi32>
      %swap3A_318 = arith.constant 96 : index
      %swap3A_319 = tpu.vector_load %arg8[%swap3A_318] {strides = array<i32>} : memref<128xi32, #tpu.memory_space<vmem>>, vector<16xi32>,
      %swap3A_320 = vector.shape_cast %swap3A_319 : vector<16xi32> to vector<16xi32>
      %swap3A_321 = vector.shape_cast %get3A_317 : vector<16xi32> to vector<16xi32>
      tpu.vector_store %arg8[%swap3A_318], %swap3A_321 {strides = array<i32>} : memref<128xi32, #tpu.memory_space<vmem>>, vector<16xi32>,
      %mul3A_322 = arith.constant 2 : i32
      %mul3A_323 = arith.muli %while3A_86, %mul3A_322 : i32
      %add3A_324 = arith.constant 1 : i32
      %add3A_325 = arith.addi %mul3A_323, %add3A_324 : i32
      %mul3A_326 = arith.constant 128 : i32
      %mul3A_327 = arith.muli %add3A_325, %mul3A_326 : i32
      %add3A_328 = arith.constant 112 : i32
      %add3A_329 = arith.addi %mul3A_327, %add3A_328 : i32
      %get3A_330 = arith.index_cast %add3A_329 : i32 to index
      %get3A_331 = tpu.vector_load %arg6[%get3A_330] {strides = array<i32>} : memref<15616xi32, #tpu.memory_space<vmem>>, vector<16xi32>,
      %get3A_332 = vector.shape_cast %get3A_331 : vector<16xi32> to vector<16xi32>
      %swap3A_333 = arith.constant 112 : index
      %swap3A_334 = tpu.vector_load %arg8[%swap3A_333] {strides = array<i32>} : memref<128xi32, #tpu.memory_space<vmem>>, vector<16xi32>,
      %swap3A_335 = vector.shape_cast %swap3A_334 : vector<16xi32> to vector<16xi32>
      %swap3A_336 = vector.shape_cast %get3A_332 : vector<16xi32> to vector<16xi32>
      tpu.vector_store %arg8[%swap3A_333], %swap3A_336 {strides = array<i32>} : memref<128xi32, #tpu.memory_space<vmem>>, vector<16xi32>,
      %dma_start3A_337 = arith.constant 0 : i32
      %dma_start3A_338 = arith.constant 0 : i32
      %dma_start3A_339 = tpu.memref_slice %arg2[%dma_start3A_337, %dma_start3A_338] : memref<10000x128xf32, #tpu.memory_space<hbm>> -> memref<10000x128xf32, #tpu.memory_space<hbm>>
      tpu.enqueue_indirect_dma source(%dma_start3A_339 : memref<10000x128xf32, #tpu.memory_space<hbm>>) target(%arg12 : memref<128x128xf32, #tpu.memory_space<vmem>>) offsets(%arg8 : memref<128xi32, #tpu.memory_space<vmem>>) semaphore(%arg15 : memref<!tpu.dma_semaphore, #tpu.memory_space<semaphore_mem>>)
      %mul3A_340 = arith.constant 2 : i32
      %mul3A_341 = arith.muli %while3A_86, %mul3A_340 : i32
      %add3A_342 = arith.constant 1 : i32
      %add3A_343 = arith.addi %mul3A_341, %add3A_342 : i32
      %mul3A_344 = arith.constant 128 : i32
      %mul3A_345 = arith.muli %add3A_343, %mul3A_344 : i32
      %add3A_346 = arith.addi %select_n3A, %mul3A_345 : i32
      %dma_start3A_347 = tpu.memref_slice %arg4[%add3A_346] : memref<327680xi32, #tpu.memory_space<hbm>> -> memref<128xi32, #tpu.memory_space<hbm>>
      %dma_start3A_348 = tpu.memref_slice %arg4[%add3A_346] : memref<327680xi32, #tpu.memory_space<hbm>> -> memref<128xi32, #tpu.memory_space<hbm>>
      tpu.enqueue_dma source(%dma_start3A_348 : memref<128xi32, #tpu.memory_space<hbm>>) target(%arg10 : memref<128xi32, #tpu.memory_space<vmem>>) target_semaphore(%arg17 : memref<!tpu.dma_semaphore, #tpu.memory_space<semaphore_mem>>)
      %dma_wait3A = arith.constant 0 : i32
      %dma_wait3A_349 = arith.constant 0 : i32
      %dma_wait3A_350 = tpu.memref_slice %arg2[%dma_wait3A, %dma_wait3A_349] : memref<10000x128xf32, #tpu.memory_space<hbm>> -> memref<10000x128xf32, #tpu.memory_space<hbm>>
      tpu.wait_indirect_dma semaphore(%arg14 : memref<!tpu.dma_semaphore, #tpu.memory_space<semaphore_mem>>) src(%dma_wait3A_350 : memref<10000x128xf32, #tpu.memory_space<hbm>>) dst(%arg11 : memref<128x128xf32, #tpu.memory_space<vmem>>)
      %dma_wait3A_351 = tpu.memref_slice %arg4[%add3A_214] : memref<327680xi32, #tpu.memory_space<hbm>> -> memref<128xi32, #tpu.memory_space<hbm>>
      %dma_wait3A_352 = tpu.memref_slice %arg4[%add3A_214] : memref<327680xi32, #tpu.memory_space<hbm>> -> memref<128xi32, #tpu.memory_space<hbm>>
      tpu.wait_dma2 semaphore(%arg16 : memref<!tpu.dma_semaphore, #tpu.memory_space<semaphore_mem>>) src(%dma_wait3A_352 : memref<128xi32, #tpu.memory_space<hbm>>) dst(%arg9 : memref<128xi32, #tpu.memory_space<vmem>>)
      "tpu.region"() ({
        %run_scoped3A = tpu.sem_alloc : memref<!tpu.dma_semaphore, #tpu.memory_space<semaphore_mem>>
        %dma_start3A_359 = arith.constant 0 : i32
        %dma_start3A_360 = arith.constant 0 : i32
        %dma_start3A_361 = tpu.memref_slice %arg13[%dma_start3A_359, %dma_start3A_360] : memref<10240x128xf32, #tpu.memory_space<vmem_shared>> -> memref<10240x128xf32, #tpu.memory_space<vmem_shared>>
        tpu.enqueue_indirect_dma source(%arg11 : memref<128x128xf32, #tpu.memory_space<vmem>>) target(%dma_start3A_361 : memref<10240x128xf32, #tpu.memory_space<vmem_shared>>) offsets(%arg9 : memref<128xi32, #tpu.memory_space<vmem>>) semaphore(%run_scoped3A : memref<!tpu.dma_semaphore, #tpu.memory_space<semaphore_mem>>) {add = true}
        %dma_wait3A_362 = arith.constant 0 : i32
        %dma_wait3A_363 = arith.constant 0 : i32
        %dma_wait3A_364 = tpu.memref_slice %arg13[%dma_wait3A_362, %dma_wait3A_363] : memref<10240x128xf32, #tpu.memory_space<vmem_shared>> -> memref<10240x128xf32, #tpu.memory_space<vmem_shared>>
        tpu.wait_indirect_dma semaphore(%run_scoped3A : memref<!tpu.dma_semaphore, #tpu.memory_space<semaphore_mem>>) src(%arg11 : memref<128x128xf32, #tpu.memory_space<vmem>>) dst(%dma_wait3A_364 : memref<10240x128xf32, #tpu.memory_space<vmem_shared>>)
        tpu.yield
      }) : () -> ()
      %dma_wait3A_353 = arith.constant 0 : i32
      %dma_wait3A_354 = arith.constant 0 : i32
      %dma_wait3A_355 = tpu.memref_slice %arg2[%dma_wait3A_353, %dma_wait3A_354] : memref<10000x128xf32, #tpu.memory_space<hbm>> -> memref<10000x128xf32, #tpu.memory_space<hbm>>
      tpu.wait_indirect_dma semaphore(%arg15 : memref<!tpu.dma_semaphore, #tpu.memory_space<semaphore_mem>>) src(%dma_wait3A_355 : memref<10000x128xf32, #tpu.memory_space<hbm>>) dst(%arg12 : memref<128x128xf32, #tpu.memory_space<vmem>>)
      %dma_wait3A_356 = tpu.memref_slice %arg4[%add3A_346] : memref<327680xi32, #tpu.memory_space<hbm>> -> memref<128xi32, #tpu.memory_space<hbm>>
      %dma_wait3A_357 = tpu.memref_slice %arg4[%add3A_346] : memref<327680xi32, #tpu.memory_space<hbm>> -> memref<128xi32, #tpu.memory_space<hbm>>
      tpu.wait_dma2 semaphore(%arg17 : memref<!tpu.dma_semaphore, #tpu.memory_space<semaphore_mem>>) src(%dma_wait3A_357 : memref<128xi32, #tpu.memory_space<hbm>>) dst(%arg10 : memref<128xi32, #tpu.memory_space<vmem>>)
      "tpu.region"() ({
        %run_scoped3A = tpu.sem_alloc : memref<!tpu.dma_semaphore, #tpu.memory_space<semaphore_mem>>
        %dma_start3A_359 = arith.constant 0 : i32
        %dma_start3A_360 = arith.constant 0 : i32
        %dma_start3A_361 = tpu.memref_slice %arg13[%dma_start3A_359, %dma_start3A_360] : memref<10240x128xf32, #tpu.memory_space<vmem_shared>> -> memref<10240x128xf32, #tpu.memory_space<vmem_shared>>
        tpu.enqueue_indirect_dma source(%arg12 : memref<128x128xf32, #tpu.memory_space<vmem>>) target(%dma_start3A_361 : memref<10240x128xf32, #tpu.memory_space<vmem_shared>>) offsets(%arg10 : memref<128xi32, #tpu.memory_space<vmem>>) semaphore(%run_scoped3A : memref<!tpu.dma_semaphore, #tpu.memory_space<semaphore_mem>>) {add = true}
        %dma_wait3A_362 = arith.constant 0 : i32
        %dma_wait3A_363 = arith.constant 0 : i32
        %dma_wait3A_364 = tpu.memref_slice %arg13[%dma_wait3A_362, %dma_wait3A_363] : memref<10240x128xf32, #tpu.memory_space<vmem_shared>> -> memref<10240x128xf32, #tpu.memory_space<vmem_shared>>
        tpu.wait_indirect_dma semaphore(%run_scoped3A : memref<!tpu.dma_semaphore, #tpu.memory_space<semaphore_mem>>) src(%arg12 : memref<128x128xf32, #tpu.memory_space<vmem>>) dst(%dma_wait3A_364 : memref<10240x128xf32, #tpu.memory_space<vmem_shared>>)
        tpu.yield
      }) : () -> ()
      %while3A_358 = arith.constant 0 : i32
      scf.yield %while3A_358 : i32
    }
    %barrier3A_50 = arith.constant 0 : index
    tpu.barrier barrier_id(%barrier3A_50)
    %mul3A_51 = arith.constant 640 : i32
    %mul3A_52 = arith.muli %arg1, %mul3A_51 : i32
    %add3A_53 = arith.constant 0 : i32
    %add3A_54 = arith.addi %mul3A_52, %add3A_53 : i32
    "tpu.region"() ({
      %run_scoped3A = tpu.sem_alloc : memref<!tpu.dma_semaphore, #tpu.memory_space<semaphore_mem>>
      %dma_start3A = arith.constant 0 : i32
      %dma_start3A_86 = tpu.memref_slice %arg13[%add3A_54, %dma_start3A] : memref<10240x128xf32, #tpu.memory_space<vmem_shared>> -> memref<128x128xf32, #tpu.memory_space<vmem_shared>>
      %dma_start3A_87 = arith.constant 0 : i32
      %dma_start3A_88 = tpu.memref_slice %arg13[%add3A_54, %dma_start3A_87] : memref<10240x128xf32, #tpu.memory_space<vmem_shared>> -> memref<128x128xf32, #tpu.memory_space<vmem_shared>>
      tpu.enqueue_dma source(%dma_start3A_88 : memref<128x128xf32, #tpu.memory_space<vmem_shared>>) target(%arg11 : memref<128x128xf32, #tpu.memory_space<vmem>>) target_semaphore(%run_scoped3A : memref<!tpu.dma_semaphore, #tpu.memory_space<semaphore_mem>>)
      %dma_wait3A = arith.constant 0 : i32
      %dma_wait3A_89 = tpu.memref_slice %arg13[%add3A_54, %dma_wait3A] : memref<10240x128xf32, #tpu.memory_space<vmem_shared>> -> memref<128x128xf32, #tpu.memory_space<vmem_shared>>
      %dma_wait3A_90 = arith.constant 0 : i32
      %dma_wait3A_91 = tpu.memref_slice %arg13[%add3A_54, %dma_wait3A_90] : memref<10240x128xf32, #tpu.memory_space<vmem_shared>> -> memref<128x128xf32, #tpu.memory_space<vmem_shared>>
      tpu.wait_dma2 semaphore(%run_scoped3A : memref<!tpu.dma_semaphore, #tpu.memory_space<semaphore_mem>>) src(%dma_wait3A_91 : memref<128x128xf32, #tpu.memory_space<vmem_shared>>) dst(%arg11 : memref<128x128xf32, #tpu.memory_space<vmem>>)
      tpu.yield
    }) : () -> ()
    %mul3A_55 = arith.constant 10240 : i32
    %mul3A_56 = arith.muli %arg0, %mul3A_55 : i32
    %add3A_57 = arith.addi %mul3A_56, %add3A_54 : i32
    "tpu.region"() ({
      %run_scoped3A = tpu.sem_alloc : memref<!tpu.dma_semaphore, #tpu.memory_space<semaphore_mem>>
      %dma_start3A = arith.constant 0 : i32
      %dma_start3A_86 = tpu.memref_slice %arg5[%add3A_57, %dma_start3A] : memref<20480x128xf32, #tpu.memory_space<hbm>> -> memref<128x128xf32, #tpu.memory_space<hbm>>
      %dma_start3A_87 = arith.constant 0 : i32
      %dma_start3A_88 = tpu.memref_slice %arg5[%add3A_57, %dma_start3A_87] : memref<20480x128xf32, #tpu.memory_space<hbm>> -> memref<128x128xf32, #tpu.memory_space<hbm>>
      tpu.enqueue_dma source(%arg11 : memref<128x128xf32, #tpu.memory_space<vmem>>) target(%dma_start3A_88 : memref<128x128xf32, #tpu.memory_space<hbm>>) target_semaphore(%run_scoped3A : memref<!tpu.dma_semaphore, #tpu.memory_space<semaphore_mem>>)
      %dma_wait3A = arith.constant 0 : i32
      %dma_wait3A_89 = tpu.memref_slice %arg5[%add3A_57, %dma_wait3A] : memref<20480x128xf32, #tpu.memory_space<hbm>> -> memref<128x128xf32, #tpu.memory_space<hbm>>
      %dma_wait3A_90 = arith.constant 0 : i32
      %dma_wait3A_91 = tpu.memref_slice %arg5[%add3A_57, %dma_wait3A_90] : memref<20480x128xf32, #tpu.memory_space<hbm>> -> memref<128x128xf32, #tpu.memory_space<hbm>>
      tpu.wait_dma2 semaphore(%run_scoped3A : memref<!tpu.dma_semaphore, #tpu.memory_space<semaphore_mem>>) src(%arg11 : memref<128x128xf32, #tpu.memory_space<vmem>>) dst(%dma_wait3A_91 : memref<128x128xf32, #tpu.memory_space<hbm>>)
      tpu.yield
    }) : () -> ()
    %mul3A_58 = arith.constant 640 : i32
    %mul3A_59 = arith.muli %arg1, %mul3A_58 : i32
    %add3A_60 = arith.constant 128 : i32
    %add3A_61 = arith.addi %mul3A_59, %add3A_60 : i32
    "tpu.region"() ({
      %run_scoped3A = tpu.sem_alloc : memref<!tpu.dma_semaphore, #tpu.memory_space<semaphore_mem>>
      %dma_start3A = arith.constant 0 : i32
      %dma_start3A_86 = tpu.memref_slice %arg13[%add3A_61, %dma_start3A] : memref<10240x128xf32, #tpu.memory_space<vmem_shared>> -> memref<128x128xf32, #tpu.memory_space<vmem_shared>>
      %dma_start3A_87 = arith.constant 0 : i32
      %dma_start3A_88 = tpu.memref_slice %arg13[%add3A_61, %dma_start3A_87] : memref<10240x128xf32, #tpu.memory_space<vmem_shared>> -> memref<128x128xf32, #tpu.memory_space<vmem_shared>>
      tpu.enqueue_dma source(%dma_start3A_88 : memref<128x128xf32, #tpu.memory_space<vmem_shared>>) target(%arg11 : memref<128x128xf32, #tpu.memory_space<vmem>>) target_semaphore(%run_scoped3A : memref<!tpu.dma_semaphore, #tpu.memory_space<semaphore_mem>>)
      %dma_wait3A = arith.constant 0 : i32
      %dma_wait3A_89 = tpu.memref_slice %arg13[%add3A_61, %dma_wait3A] : memref<10240x128xf32, #tpu.memory_space<vmem_shared>> -> memref<128x128xf32, #tpu.memory_space<vmem_shared>>
      %dma_wait3A_90 = arith.constant 0 : i32
      %dma_wait3A_91 = tpu.memref_slice %arg13[%add3A_61, %dma_wait3A_90] : memref<10240x128xf32, #tpu.memory_space<vmem_shared>> -> memref<128x128xf32, #tpu.memory_space<vmem_shared>>
      tpu.wait_dma2 semaphore(%run_scoped3A : memref<!tpu.dma_semaphore, #tpu.memory_space<semaphore_mem>>) src(%dma_wait3A_91 : memref<128x128xf32, #tpu.memory_space<vmem_shared>>) dst(%arg11 : memref<128x128xf32, #tpu.memory_space<vmem>>)
      tpu.yield
    }) : () -> ()
    %mul3A_62 = arith.constant 10240 : i32
    %mul3A_63 = arith.muli %arg0, %mul3A_62 : i32
    %add3A_64 = arith.addi %mul3A_63, %add3A_61 : i32
    "tpu.region"() ({
      %run_scoped3A = tpu.sem_alloc : memref<!tpu.dma_semaphore, #tpu.memory_space<semaphore_mem>>
      %dma_start3A = arith.constant 0 : i32
      %dma_start3A_86 = tpu.memref_slice %arg5[%add3A_64, %dma_start3A] : memref<20480x128xf32, #tpu.memory_space<hbm>> -> memref<128x128xf32, #tpu.memory_space<hbm>>
      %dma_start3A_87 = arith.constant 0 : i32
      %dma_start3A_88 = tpu.memref_slice %arg5[%add3A_64, %dma_start3A_87] : memref<20480x128xf32, #tpu.memory_space<hbm>> -> memref<128x128xf32, #tpu.memory_space<hbm>>
      tpu.enqueue_dma source(%arg11 : memref<128x128xf32, #tpu.memory_space<vmem>>) target(%dma_start3A_88 : memref<128x128xf32, #tpu.memory_space<hbm>>) target_semaphore(%run_scoped3A : memref<!tpu.dma_semaphore, #tpu.memory_space<semaphore_mem>>)
      %dma_wait3A = arith.constant 0 : i32
      %dma_wait3A_89 = tpu.memref_slice %arg5[%add3A_64, %dma_wait3A] : memref<20480x128xf32, #tpu.memory_space<hbm>> -> memref<128x128xf32, #tpu.memory_space<hbm>>
      %dma_wait3A_90 = arith.constant 0 : i32
      %dma_wait3A_91 = tpu.memref_slice %arg5[%add3A_64, %dma_wait3A_90] : memref<20480x128xf32, #tpu.memory_space<hbm>> -> memref<128x128xf32, #tpu.memory_space<hbm>>
      tpu.wait_dma2 semaphore(%run_scoped3A : memref<!tpu.dma_semaphore, #tpu.memory_space<semaphore_mem>>) src(%arg11 : memref<128x128xf32, #tpu.memory_space<vmem>>) dst(%dma_wait3A_91 : memref<128x128xf32, #tpu.memory_space<hbm>>)
      tpu.yield
    }) : () -> ()
    %mul3A_65 = arith.constant 640 : i32
    %mul3A_66 = arith.muli %arg1, %mul3A_65 : i32
    %add3A_67 = arith.constant 256 : i32
    %add3A_68 = arith.addi %mul3A_66, %add3A_67 : i32
    "tpu.region"() ({
      %run_scoped3A = tpu.sem_alloc : memref<!tpu.dma_semaphore, #tpu.memory_space<semaphore_mem>>
      %dma_start3A = arith.constant 0 : i32
      %dma_start3A_86 = tpu.memref_slice %arg13[%add3A_68, %dma_start3A] : memref<10240x128xf32, #tpu.memory_space<vmem_shared>> -> memref<128x128xf32, #tpu.memory_space<vmem_shared>>
      %dma_start3A_87 = arith.constant 0 : i32
      %dma_start3A_88 = tpu.memref_slice %arg13[%add3A_68, %dma_start3A_87] : memref<10240x128xf32, #tpu.memory_space<vmem_shared>> -> memref<128x128xf32, #tpu.memory_space<vmem_shared>>
      tpu.enqueue_dma source(%dma_start3A_88 : memref<128x128xf32, #tpu.memory_space<vmem_shared>>) target(%arg11 : memref<128x128xf32, #tpu.memory_space<vmem>>) target_semaphore(%run_scoped3A : memref<!tpu.dma_semaphore, #tpu.memory_space<semaphore_mem>>)
      %dma_wait3A = arith.constant 0 : i32
      %dma_wait3A_89 = tpu.memref_slice %arg13[%add3A_68, %dma_wait3A] : memref<10240x128xf32, #tpu.memory_space<vmem_shared>> -> memref<128x128xf32, #tpu.memory_space<vmem_shared>>
      %dma_wait3A_90 = arith.constant 0 : i32
      %dma_wait3A_91 = tpu.memref_slice %arg13[%add3A_68, %dma_wait3A_90] : memref<10240x128xf32, #tpu.memory_space<vmem_shared>> -> memref<128x128xf32, #tpu.memory_space<vmem_shared>>
      tpu.wait_dma2 semaphore(%run_scoped3A : memref<!tpu.dma_semaphore, #tpu.memory_space<semaphore_mem>>) src(%dma_wait3A_91 : memref<128x128xf32, #tpu.memory_space<vmem_shared>>) dst(%arg11 : memref<128x128xf32, #tpu.memory_space<vmem>>)
      tpu.yield
    }) : () -> ()
    %mul3A_69 = arith.constant 10240 : i32
    %mul3A_70 = arith.muli %arg0, %mul3A_69 : i32
    %add3A_71 = arith.addi %mul3A_70, %add3A_68 : i32
    "tpu.region"() ({
      %run_scoped3A = tpu.sem_alloc : memref<!tpu.dma_semaphore, #tpu.memory_space<semaphore_mem>>
      %dma_start3A = arith.constant 0 : i32
      %dma_start3A_86 = tpu.memref_slice %arg5[%add3A_71, %dma_start3A] : memref<20480x128xf32, #tpu.memory_space<hbm>> -> memref<128x128xf32, #tpu.memory_space<hbm>>
      %dma_start3A_87 = arith.constant 0 : i32
      %dma_start3A_88 = tpu.memref_slice %arg5[%add3A_71, %dma_start3A_87] : memref<20480x128xf32, #tpu.memory_space<hbm>> -> memref<128x128xf32, #tpu.memory_space<hbm>>
      tpu.enqueue_dma source(%arg11 : memref<128x128xf32, #tpu.memory_space<vmem>>) target(%dma_start3A_88 : memref<128x128xf32, #tpu.memory_space<hbm>>) target_semaphore(%run_scoped3A : memref<!tpu.dma_semaphore, #tpu.memory_space<semaphore_mem>>)
      %dma_wait3A = arith.constant 0 : i32
      %dma_wait3A_89 = tpu.memref_slice %arg5[%add3A_71, %dma_wait3A] : memref<20480x128xf32, #tpu.memory_space<hbm>> -> memref<128x128xf32, #tpu.memory_space<hbm>>
      %dma_wait3A_90 = arith.constant 0 : i32
      %dma_wait3A_91 = tpu.memref_slice %arg5[%add3A_71, %dma_wait3A_90] : memref<20480x128xf32, #tpu.memory_space<hbm>> -> memref<128x128xf32, #tpu.memory_space<hbm>>
      tpu.wait_dma2 semaphore(%run_scoped3A : memref<!tpu.dma_semaphore, #tpu.memory_space<semaphore_mem>>) src(%arg11 : memref<128x128xf32, #tpu.memory_space<vmem>>) dst(%dma_wait3A_91 : memref<128x128xf32, #tpu.memory_space<hbm>>)
      tpu.yield
    }) : () -> ()
    %mul3A_72 = arith.constant 640 : i32
    %mul3A_73 = arith.muli %arg1, %mul3A_72 : i32
    %add3A_74 = arith.constant 384 : i32
    %add3A_75 = arith.addi %mul3A_73, %add3A_74 : i32
    "tpu.region"() ({
      %run_scoped3A = tpu.sem_alloc : memref<!tpu.dma_semaphore, #tpu.memory_space<semaphore_mem>>
      %dma_start3A = arith.constant 0 : i32
      %dma_start3A_86 = tpu.memref_slice %arg13[%add3A_75, %dma_start3A] : memref<10240x128xf32, #tpu.memory_space<vmem_shared>> -> memref<128x128xf32, #tpu.memory_space<vmem_shared>>
      %dma_start3A_87 = arith.constant 0 : i32
      %dma_start3A_88 = tpu.memref_slice %arg13[%add3A_75, %dma_start3A_87] : memref<10240x128xf32, #tpu.memory_space<vmem_shared>> -> memref<128x128xf32, #tpu.memory_space<vmem_shared>>
      tpu.enqueue_dma source(%dma_start3A_88 : memref<128x128xf32, #tpu.memory_space<vmem_shared>>) target(%arg11 : memref<128x128xf32, #tpu.memory_space<vmem>>) target_semaphore(%run_scoped3A : memref<!tpu.dma_semaphore, #tpu.memory_space<semaphore_mem>>)
      %dma_wait3A = arith.constant 0 : i32
      %dma_wait3A_89 = tpu.memref_slice %arg13[%add3A_75, %dma_wait3A] : memref<10240x128xf32, #tpu.memory_space<vmem_shared>> -> memref<128x128xf32, #tpu.memory_space<vmem_shared>>
      %dma_wait3A_90 = arith.constant 0 : i32
      %dma_wait3A_91 = tpu.memref_slice %arg13[%add3A_75, %dma_wait3A_90] : memref<10240x128xf32, #tpu.memory_space<vmem_shared>> -> memref<128x128xf32, #tpu.memory_space<vmem_shared>>
      tpu.wait_dma2 semaphore(%run_scoped3A : memref<!tpu.dma_semaphore, #tpu.memory_space<semaphore_mem>>) src(%dma_wait3A_91 : memref<128x128xf32, #tpu.memory_space<vmem_shared>>) dst(%arg11 : memref<128x128xf32, #tpu.memory_space<vmem>>)
      tpu.yield
    }) : () -> ()
    %mul3A_76 = arith.constant 10240 : i32
    %mul3A_77 = arith.muli %arg0, %mul3A_76 : i32
    %add3A_78 = arith.addi %mul3A_77, %add3A_75 : i32
    "tpu.region"() ({
      %run_scoped3A = tpu.sem_alloc : memref<!tpu.dma_semaphore, #tpu.memory_space<semaphore_mem>>
      %dma_start3A = arith.constant 0 : i32
      %dma_start3A_86 = tpu.memref_slice %arg5[%add3A_78, %dma_start3A] : memref<20480x128xf32, #tpu.memory_space<hbm>> -> memref<128x128xf32, #tpu.memory_space<hbm>>
      %dma_start3A_87 = arith.constant 0 : i32
      %dma_start3A_88 = tpu.memref_slice %arg5[%add3A_78, %dma_start3A_87] : memref<20480x128xf32, #tpu.memory_space<hbm>> -> memref<128x128xf32, #tpu.memory_space<hbm>>
      tpu.enqueue_dma source(%arg11 : memref<128x128xf32, #tpu.memory_space<vmem>>) target(%dma_start3A_88 : memref<128x128xf32, #tpu.memory_space<hbm>>) target_semaphore(%run_scoped3A : memref<!tpu.dma_semaphore, #tpu.memory_space<semaphore_mem>>)
      %dma_wait3A = arith.constant 0 : i32
      %dma_wait3A_89 = tpu.memref_slice %arg5[%add3A_78, %dma_wait3A] : memref<20480x128xf32, #tpu.memory_space<hbm>> -> memref<128x128xf32, #tpu.memory_space<hbm>>
      %dma_wait3A_90 = arith.constant 0 : i32
      %dma_wait3A_91 = tpu.memref_slice %arg5[%add3A_78, %dma_wait3A_90] : memref<20480x128xf32, #tpu.memory_space<hbm>> -> memref<128x128xf32, #tpu.memory_space<hbm>>
      tpu.wait_dma2 semaphore(%run_scoped3A : memref<!tpu.dma_semaphore, #tpu.memory_space<semaphore_mem>>) src(%arg11 : memref<128x128xf32, #tpu.memory_space<vmem>>) dst(%dma_wait3A_91 : memref<128x128xf32, #tpu.memory_space<hbm>>)
      tpu.yield
    }) : () -> ()
    %mul3A_79 = arith.constant 640 : i32
    %mul3A_80 = arith.muli %arg1, %mul3A_79 : i32
    %add3A_81 = arith.constant 512 : i32
    %add3A_82 = arith.addi %mul3A_80, %add3A_81 : i32
    "tpu.region"() ({
      %run_scoped3A = tpu.sem_alloc : memref<!tpu.dma_semaphore, #tpu.memory_space<semaphore_mem>>
      %dma_start3A = arith.constant 0 : i32
      %dma_start3A_86 = tpu.memref_slice %arg13[%add3A_82, %dma_start3A] : memref<10240x128xf32, #tpu.memory_space<vmem_shared>> -> memref<128x128xf32, #tpu.memory_space<vmem_shared>>
      %dma_start3A_87 = arith.constant 0 : i32
      %dma_start3A_88 = tpu.memref_slice %arg13[%add3A_82, %dma_start3A_87] : memref<10240x128xf32, #tpu.memory_space<vmem_shared>> -> memref<128x128xf32, #tpu.memory_space<vmem_shared>>
      tpu.enqueue_dma source(%dma_start3A_88 : memref<128x128xf32, #tpu.memory_space<vmem_shared>>) target(%arg11 : memref<128x128xf32, #tpu.memory_space<vmem>>) target_semaphore(%run_scoped3A : memref<!tpu.dma_semaphore, #tpu.memory_space<semaphore_mem>>)
      %dma_wait3A = arith.constant 0 : i32
      %dma_wait3A_89 = tpu.memref_slice %arg13[%add3A_82, %dma_wait3A] : memref<10240x128xf32, #tpu.memory_space<vmem_shared>> -> memref<128x128xf32, #tpu.memory_space<vmem_shared>>
      %dma_wait3A_90 = arith.constant 0 : i32
      %dma_wait3A_91 = tpu.memref_slice %arg13[%add3A_82, %dma_wait3A_90] : memref<10240x128xf32, #tpu.memory_space<vmem_shared>> -> memref<128x128xf32, #tpu.memory_space<vmem_shared>>
      tpu.wait_dma2 semaphore(%run_scoped3A : memref<!tpu.dma_semaphore, #tpu.memory_space<semaphore_mem>>) src(%dma_wait3A_91 : memref<128x128xf32, #tpu.memory_space<vmem_shared>>) dst(%arg11 : memref<128x128xf32, #tpu.memory_space<vmem>>)
      tpu.yield
    }) : () -> ()
    %mul3A_83 = arith.constant 10240 : i32
    %mul3A_84 = arith.muli %arg0, %mul3A_83 : i32
    %add3A_85 = arith.addi %mul3A_84, %add3A_82 : i32
    "tpu.region"() ({
      %run_scoped3A = tpu.sem_alloc : memref<!tpu.dma_semaphore, #tpu.memory_space<semaphore_mem>>
      %dma_start3A = arith.constant 0 : i32
      %dma_start3A_86 = tpu.memref_slice %arg5[%add3A_85, %dma_start3A] : memref<20480x128xf32, #tpu.memory_space<hbm>> -> memref<128x128xf32, #tpu.memory_space<hbm>>
      %dma_start3A_87 = arith.constant 0 : i32
      %dma_start3A_88 = tpu.memref_slice %arg5[%add3A_85, %dma_start3A_87] : memref<20480x128xf32, #tpu.memory_space<hbm>> -> memref<128x128xf32, #tpu.memory_space<hbm>>
      tpu.enqueue_dma source(%arg11 : memref<128x128xf32, #tpu.memory_space<vmem>>) target(%dma_start3A_88 : memref<128x128xf32, #tpu.memory_space<hbm>>) target_semaphore(%run_scoped3A : memref<!tpu.dma_semaphore, #tpu.memory_space<semaphore_mem>>)
      %dma_wait3A = arith.constant 0 : i32
      %dma_wait3A_89 = tpu.memref_slice %arg5[%add3A_85, %dma_wait3A] : memref<20480x128xf32, #tpu.memory_space<hbm>> -> memref<128x128xf32, #tpu.memory_space<hbm>>
      %dma_wait3A_90 = arith.constant 0 : i32
      %dma_wait3A_91 = tpu.memref_slice %arg5[%add3A_85, %dma_wait3A_90] : memref<20480x128xf32, #tpu.memory_space<hbm>> -> memref<128x128xf32, #tpu.memory_space<hbm>>
      tpu.wait_dma2 semaphore(%run_scoped3A : memref<!tpu.dma_semaphore, #tpu.memory_space<semaphore_mem>>) src(%arg11 : memref<128x128xf32, #tpu.memory_space<vmem>>) dst(%dma_wait3A_91 : memref<128x128xf32, #tpu.memory_space<hbm>>)
      tpu.yield
    }) : () -> ()
    return
  }
}

module attributes {stable_mosaic.version = 14 : i64} {
  func.func @_tc1_body(%arg0: i32, %arg1: memref<1000x128xf32, #tpu.memory_space<vmem>>, %arg2: memref<128x128xf32, #tpu.memory_space<vmem>>, %arg3: memref<1000x1xf32, #tpu.memory_space<vmem>>, %arg4: memref<1000x1xf32, #tpu.memory_space<vmem>>, %arg5: memref<1000x128xf32, #tpu.memory_space<vmem>>, %arg6: memref<1000x1xf32, #tpu.memory_space<vmem>>) attributes {dimension_semantics = [#tpu.dimension_semantics<arbitrary>], iteration_bounds = array<i64: 10>, scalar_prefetch = 0 : i64, scratch_operands = 0 : i64, tpu.core_type = #tpu.core_type<tc>, window_params = [{transform_indices = @transform_0, window_bounds = array<i64: 1000, 128>}, {pipeline_mode = #tpu.pipeline_mode<synchronous>, transform_indices = @transform_1, window_bounds = array<i64: 128, 128>}, {transform_indices = @transform_2, window_bounds = array<i64: 1000, 1>}, {transform_indices = @transform_3, window_bounds = array<i64: 1000, 1>}, {transform_indices = @transform_4, window_bounds = array<i64: 1000, 128>}, {transform_indices = @transform_5, window_bounds = array<i64: 1000, 1>}]} {
    %get3A = arith.constant 0 : index
    %get3A_0 = arith.constant 0 : index
    %get3A_1 = vector.load %arg3[%get3A, %get3A_0] : memref<1000x1xf32, #tpu.memory_space<vmem>>, vector<1000x1xf32>
    %add3A = arith.constant 1.000000e+00 : f32
    %add3A_2 = vector.broadcast %add3A : f32 to vector<1000x1xf32>
    %add3A_3 = arith.addf %add3A_2, %get3A_1 : vector<1000x1xf32>
    %get3A_4 = arith.constant 0 : index
    %get3A_5 = arith.constant 0 : index
    %get3A_6 = vector.load %arg4[%get3A_4, %get3A_5] : memref<1000x1xf32, #tpu.memory_space<vmem>>, vector<1000x1xf32>
    %add3A_7 = arith.addf %add3A_3, %get3A_6 : vector<1000x1xf32>
    %rsqrt3A = math.rsqrt %add3A_7 : vector<1000x1xf32>
    %get3A_8 = arith.constant 0 : index
    %get3A_9 = arith.constant 0 : index
    %get3A_10 = vector.load %arg1[%get3A_8, %get3A_9] : memref<1000x128xf32, #tpu.memory_space<vmem>>, vector<1000x128xf32>
    %get3A_11 = arith.constant 0 : index
    %get3A_12 = arith.constant 0 : index
    %get3A_13 = vector.load %arg2[%get3A_11, %get3A_12] : memref<128x128xf32, #tpu.memory_space<vmem>>, vector<128x128xf32>
    %dot_general3A = arith.constant dense<0.000000e+00> : vector<1000x128xf32>
    %dot_general3A_14 = tpu.matmul %get3A_10, %get3A_13, %dot_general3A {dimension_numbers = #tpu.dot_dimension_numbers<[1], [1], [0], [0], [0, 0, 1, 0], [], []>, transpose_lhs_hint = false} : vector<1000x128xf32>, vector<128x128xf32>, vector<1000x128xf32> -> vector<1000x128xf32>
    %mul3A = vector.broadcast %rsqrt3A : vector<1000x1xf32> to vector<1000x128xf32>
    %mul3A_15 = arith.mulf %dot_general3A_14, %mul3A : vector<1000x128xf32>
    %swap3A = arith.constant 0 : index
    %swap3A_16 = arith.constant 0 : index
    %swap3A_17 = vector.load %arg5[%swap3A, %swap3A_16] : memref<1000x128xf32, #tpu.memory_space<vmem>>, vector<1000x128xf32>
    tpu.vector_store %arg5[%swap3A, %swap3A_16], %mul3A_15 {strides = array<i32>} : memref<1000x128xf32, #tpu.memory_space<vmem>>, vector<1000x128xf32>,
    %swap3A_18 = arith.constant 0 : index
    %swap3A_19 = arith.constant 0 : index
    %swap3A_20 = vector.load %arg6[%swap3A_18, %swap3A_19] : memref<1000x1xf32, #tpu.memory_space<vmem>>, vector<1000x1xf32>
    tpu.vector_store %arg6[%swap3A_18, %swap3A_19], %rsqrt3A {strides = array<i32>} : memref<1000x1xf32, #tpu.memory_space<vmem>>, vector<1000x1xf32>,
    return
  }
  func.func @transform_0(%arg0: i32) -> (i32, i32) {
    %c0_i32 = arith.constant 0 : i32
    %c0_i32_0 = arith.constant 0 : i32
    return %arg0, %c0_i32 : i32, i32
  }
  func.func @transform_1(%arg0: i32) -> (i32, i32) {
    %c0_i32 = arith.constant 0 : i32
    %c0_i32_0 = arith.constant 0 : i32
    %c0_i32_1 = arith.constant 0 : i32
    return %c0_i32, %c0_i32_0 : i32, i32
  }
  func.func @transform_2(%arg0: i32) -> (i32, i32) {
    %c0_i32 = arith.constant 0 : i32
    %c0_i32_0 = arith.constant 0 : i32
    return %arg0, %c0_i32 : i32, i32
  }
  func.func @transform_3(%arg0: i32) -> (i32, i32) {
    %c0_i32 = arith.constant 0 : i32
    %c0_i32_0 = arith.constant 0 : i32
    return %arg0, %c0_i32 : i32, i32
  }
  func.func @transform_4(%arg0: i32) -> (i32, i32) {
    %c0_i32 = arith.constant 0 : i32
    %c0_i32_0 = arith.constant 0 : i32
    return %arg0, %c0_i32 : i32, i32
  }
  func.func @transform_5(%arg0: i32) -> (i32, i32) {
    %c0_i32 = arith.constant 0 : i32
    %c0_i32_0 = arith.constant 0 : i32
    return %arg0, %c0_i32 : i32, i32
  }
}

module attributes {stable_mosaic.version = 14 : i64} {
  func.func @_tc2_body(%arg0: i32, %arg1: memref<2x1000x128xf32, #tpu.memory_space<vmem>>, %arg2: memref<1000x128xf32, #tpu.memory_space<vmem>>, %arg3: memref<1000x1xf32, #tpu.memory_space<vmem>>, %arg4: memref<1x128xf32, #tpu.memory_space<vmem>>, %arg5: memref<128x128xf32, #tpu.memory_space<vmem>>, %arg6: memref<1000x128xf32, #tpu.memory_space<vmem>>) attributes {dimension_semantics = [#tpu.dimension_semantics<arbitrary>], iteration_bounds = array<i64: 10>, scalar_prefetch = 0 : i64, scratch_operands = 0 : i64, tpu.core_type = #tpu.core_type<tc>, window_params = [{transform_indices = @transform_0, window_bounds = array<i64: 2, 1000, 128>}, {transform_indices = @transform_1, window_bounds = array<i64: 1000, 128>}, {transform_indices = @transform_2, window_bounds = array<i64: 1000, 1>}, {pipeline_mode = #tpu.pipeline_mode<synchronous>, transform_indices = @transform_3, window_bounds = array<i64: 1, 128>}, {pipeline_mode = #tpu.pipeline_mode<synchronous>, transform_indices = @transform_4, window_bounds = array<i64: 128, 128>}, {transform_indices = @transform_5, window_bounds = array<i64: 1000, 128>}]} {
    %get3A = arith.constant 0 : index
    %get3A_0 = arith.constant 0 : index
    %get3A_1 = arith.constant 0 : index
    %get3A_2 = vector.load %arg1[%get3A, %get3A_0, %get3A_1] : memref<2x1000x128xf32, #tpu.memory_space<vmem>>, vector<1x1000x128xf32>
    %get3A_3 = vector.shape_cast %get3A_2 : vector<1x1000x128xf32> to vector<1000x128xf32>
    %get3A_4 = arith.constant 1 : index
    %get3A_5 = arith.constant 0 : index
    %get3A_6 = arith.constant 0 : index
    %get3A_7 = vector.load %arg1[%get3A_4, %get3A_5, %get3A_6] : memref<2x1000x128xf32, #tpu.memory_space<vmem>>, vector<1x1000x128xf32>
    %get3A_8 = vector.shape_cast %get3A_7 : vector<1x1000x128xf32> to vector<1000x128xf32>
    %add3A = arith.addf %get3A_3, %get3A_8 : vector<1000x128xf32>
    %get3A_9 = arith.constant 0 : index
    %get3A_10 = arith.constant 0 : index
    %get3A_11 = vector.load %arg3[%get3A_9, %get3A_10] : memref<1000x1xf32, #tpu.memory_space<vmem>>, vector<1000x1xf32>
    %get3A_12 = arith.constant 0 : index
    %get3A_13 = arith.constant 0 : index
    %get3A_14 = vector.load %arg2[%get3A_12, %get3A_13] : memref<1000x128xf32, #tpu.memory_space<vmem>>, vector<1000x128xf32>
    %add3A_15 = arith.addf %add3A, %get3A_14 : vector<1000x128xf32>
    %mul3A = vector.broadcast %get3A_11 : vector<1000x1xf32> to vector<1000x128xf32>
    %mul3A_16 = arith.mulf %mul3A, %add3A_15 : vector<1000x128xf32>
    %get3A_17 = arith.constant 0 : index
    %get3A_18 = arith.constant 0 : index
    %get3A_19 = vector.load %arg4[%get3A_17, %get3A_18] : memref<1x128xf32, #tpu.memory_space<vmem>>, vector<1x128xf32>
    %add3A_20 = vector.broadcast %get3A_19 : vector<1x128xf32> to vector<1000x128xf32>
    %add3A_21 = arith.addf %mul3A_16, %add3A_20 : vector<1000x128xf32>
    %ge3A = arith.constant 0.000000e+00 : f32
    %ge3A_22 = vector.broadcast %ge3A : f32 to vector<1000x128xf32>
    %ge3A_23 = arith.cmpf oge, %add3A_21, %ge3A_22 : vector<1000x128xf32>
    %mul3A_24 = arith.constant 0.00999999977 : f32
    %mul3A_25 = vector.broadcast %mul3A_24 : f32 to vector<1000x128xf32>
    %mul3A_26 = arith.mulf %mul3A_25, %add3A_21 : vector<1000x128xf32>
    %select_n3A = arith.select %ge3A_23, %add3A_21, %mul3A_26 : vector<1000x128xi1>, vector<1000x128xf32>
    %get3A_27 = arith.constant 0 : index
    %get3A_28 = arith.constant 0 : index
    %get3A_29 = vector.load %arg5[%get3A_27, %get3A_28] : memref<128x128xf32, #tpu.memory_space<vmem>>, vector<128x128xf32>
    %dot_general3A = arith.constant dense<0.000000e+00> : vector<1000x128xf32>
    %dot_general3A_30 = tpu.matmul %select_n3A, %get3A_29, %dot_general3A {dimension_numbers = #tpu.dot_dimension_numbers<[1], [1], [0], [0], [0, 0, 1, 0], [], []>, transpose_lhs_hint = false} : vector<1000x128xf32>, vector<128x128xf32>, vector<1000x128xf32> -> vector<1000x128xf32>
    %mul3A_31 = vector.broadcast %get3A_11 : vector<1000x1xf32> to vector<1000x128xf32>
    %mul3A_32 = arith.mulf %dot_general3A_30, %mul3A_31 : vector<1000x128xf32>
    %swap3A = arith.constant 0 : index
    %swap3A_33 = arith.constant 0 : index
    %swap3A_34 = vector.load %arg6[%swap3A, %swap3A_33] : memref<1000x128xf32, #tpu.memory_space<vmem>>, vector<1000x128xf32>
    tpu.vector_store %arg6[%swap3A, %swap3A_33], %mul3A_32 {strides = array<i32>} : memref<1000x128xf32, #tpu.memory_space<vmem>>, vector<1000x128xf32>,
    return
  }
  func.func @transform_0(%arg0: i32) -> (i32, i32, i32) {
    %c0_i32 = arith.constant 0 : i32
    %c0_i32_0 = arith.constant 0 : i32
    %c0_i32_1 = arith.constant 0 : i32
    return %c0_i32, %arg0, %c0_i32_0 : i32, i32, i32
  }
  func.func @transform_1(%arg0: i32) -> (i32, i32) {
    %c0_i32 = arith.constant 0 : i32
    %c0_i32_0 = arith.constant 0 : i32
    return %arg0, %c0_i32 : i32, i32
  }
  func.func @transform_2(%arg0: i32) -> (i32, i32) {
    %c0_i32 = arith.constant 0 : i32
    %c0_i32_0 = arith.constant 0 : i32
    return %arg0, %c0_i32 : i32, i32
  }
  func.func @transform_3(%arg0: i32) -> (i32, i32) {
    %c0_i32 = arith.constant 0 : i32
    %c0_i32_0 = arith.constant 0 : i32
    %c0_i32_1 = arith.constant 0 : i32
    return %c0_i32, %c0_i32_0 : i32, i32
  }
  func.func @transform_4(%arg0: i32) -> (i32, i32) {
    %c0_i32 = arith.constant 0 : i32
    %c0_i32_0 = arith.constant 0 : i32
    %c0_i32_1 = arith.constant 0 : i32
    return %c0_i32, %c0_i32_0 : i32, i32
  }
  func.func @transform_5(%arg0: i32) -> (i32, i32) {
    %c0_i32 = arith.constant 0 : i32
    %c0_i32_0 = arith.constant 0 : i32
    return %arg0, %c0_i32 : i32, i32
  }
}

module attributes {stable_mosaic.version = 14 : i64} {
  func.func @_tc3_body(%arg0: i32, %arg1: memref<2x1000x128xf32, #tpu.memory_space<vmem>>, %arg2: memref<1000x128xf32, #tpu.memory_space<vmem>>, %arg3: memref<1000x1xf32, #tpu.memory_space<vmem>>, %arg4: memref<1x128xf32, #tpu.memory_space<vmem>>, %arg5: memref<1000x128xf32, #tpu.memory_space<vmem>>) attributes {dimension_semantics = [#tpu.dimension_semantics<arbitrary>], iteration_bounds = array<i64: 10>, scalar_prefetch = 0 : i64, scratch_operands = 0 : i64, tpu.core_type = #tpu.core_type<tc>, window_params = [{transform_indices = @transform_0, window_bounds = array<i64: 2, 1000, 128>}, {transform_indices = @transform_1, window_bounds = array<i64: 1000, 128>}, {transform_indices = @transform_2, window_bounds = array<i64: 1000, 1>}, {pipeline_mode = #tpu.pipeline_mode<synchronous>, transform_indices = @transform_3, window_bounds = array<i64: 1, 128>}, {transform_indices = @transform_4, window_bounds = array<i64: 1000, 128>}]} {
    %get3A = arith.constant 0 : index
    %get3A_0 = arith.constant 0 : index
    %get3A_1 = arith.constant 0 : index
    %get3A_2 = vector.load %arg1[%get3A, %get3A_0, %get3A_1] : memref<2x1000x128xf32, #tpu.memory_space<vmem>>, vector<1x1000x128xf32>
    %get3A_3 = vector.shape_cast %get3A_2 : vector<1x1000x128xf32> to vector<1000x128xf32>
    %get3A_4 = arith.constant 1 : index
    %get3A_5 = arith.constant 0 : index
    %get3A_6 = arith.constant 0 : index
    %get3A_7 = vector.load %arg1[%get3A_4, %get3A_5, %get3A_6] : memref<2x1000x128xf32, #tpu.memory_space<vmem>>, vector<1x1000x128xf32>
    %get3A_8 = vector.shape_cast %get3A_7 : vector<1x1000x128xf32> to vector<1000x128xf32>
    %add3A = arith.addf %get3A_3, %get3A_8 : vector<1000x128xf32>
    %get3A_9 = arith.constant 0 : index
    %get3A_10 = arith.constant 0 : index
    %get3A_11 = vector.load %arg3[%get3A_9, %get3A_10] : memref<1000x1xf32, #tpu.memory_space<vmem>>, vector<1000x1xf32>
    %get3A_12 = arith.constant 0 : index
    %get3A_13 = arith.constant 0 : index
    %get3A_14 = vector.load %arg2[%get3A_12, %get3A_13] : memref<1000x128xf32, #tpu.memory_space<vmem>>, vector<1000x128xf32>
    %add3A_15 = arith.addf %add3A, %get3A_14 : vector<1000x128xf32>
    %mul3A = vector.broadcast %get3A_11 : vector<1000x1xf32> to vector<1000x128xf32>
    %mul3A_16 = arith.mulf %mul3A, %add3A_15 : vector<1000x128xf32>
    %get3A_17 = arith.constant 0 : index
    %get3A_18 = arith.constant 0 : index
    %get3A_19 = vector.load %arg4[%get3A_17, %get3A_18] : memref<1x128xf32, #tpu.memory_space<vmem>>, vector<1x128xf32>
    %add3A_20 = vector.broadcast %get3A_19 : vector<1x128xf32> to vector<1000x128xf32>
    %add3A_21 = arith.addf %mul3A_16, %add3A_20 : vector<1000x128xf32>
    %ge3A = arith.constant 0.000000e+00 : f32
    %ge3A_22 = vector.broadcast %ge3A : f32 to vector<1000x128xf32>
    %ge3A_23 = arith.cmpf oge, %add3A_21, %ge3A_22 : vector<1000x128xf32>
    %mul3A_24 = arith.constant 0.00999999977 : f32
    %mul3A_25 = vector.broadcast %mul3A_24 : f32 to vector<1000x128xf32>
    %mul3A_26 = arith.mulf %mul3A_25, %add3A_21 : vector<1000x128xf32>
    %select_n3A = arith.select %ge3A_23, %add3A_21, %mul3A_26 : vector<1000x128xi1>, vector<1000x128xf32>
    %swap3A = arith.constant 0 : index
    %swap3A_27 = arith.constant 0 : index
    %swap3A_28 = vector.load %arg5[%swap3A, %swap3A_27] : memref<1000x128xf32, #tpu.memory_space<vmem>>, vector<1000x128xf32>
    tpu.vector_store %arg5[%swap3A, %swap3A_27], %select_n3A {strides = array<i32>} : memref<1000x128xf32, #tpu.memory_space<vmem>>, vector<1000x128xf32>,
    return
  }
  func.func @transform_0(%arg0: i32) -> (i32, i32, i32) {
    %c0_i32 = arith.constant 0 : i32
    %c0_i32_0 = arith.constant 0 : i32
    %c0_i32_1 = arith.constant 0 : i32
    return %c0_i32, %arg0, %c0_i32_0 : i32, i32, i32
  }
  func.func @transform_1(%arg0: i32) -> (i32, i32) {
    %c0_i32 = arith.constant 0 : i32
    %c0_i32_0 = arith.constant 0 : i32
    return %arg0, %c0_i32 : i32, i32
  }
  func.func @transform_2(%arg0: i32) -> (i32, i32) {
    %c0_i32 = arith.constant 0 : i32
    %c0_i32_0 = arith.constant 0 : i32
    return %arg0, %c0_i32 : i32, i32
  }
  func.func @transform_3(%arg0: i32) -> (i32, i32) {
    %c0_i32 = arith.constant 0 : i32
    %c0_i32_0 = arith.constant 0 : i32
    %c0_i32_1 = arith.constant 0 : i32
    return %c0_i32, %c0_i32_0 : i32, i32
  }
  func.func @transform_4(%arg0: i32) -> (i32, i32) {
    %c0_i32 = arith.constant 0 : i32
    %c0_i32_0 = arith.constant 0 : i32
    return %arg0, %c0_i32 : i32, i32
  }
}

</mosaic_0001>

<sc_bundles>
// kernel: kernel.11.cloned.1.call-start
scs
__scs_entry_jumppad:
0x0: {  	(pc) =	sbr.rel $0x88, $3  }
0x1: {  	(tag) =	ssettag $0x0;
	lr =	simm.s32 $0x1  }
0x2: {  	[smem:$0x3F9B] =	sst lr;
	_ =	strace $0xD0000000  }
0x3: {  	_ = 	snop  }
0x4: {  	_ = 	snop  }
0x5: {  	_ = 	snop  }
0x6: {  	_ = 	snop  }
0x7: {  	_ = 	snop  }
__scs_overlays_trampoline_lowered:
0x8: {  	[smem:$0x3FAA] =	sst s0  }
0x9: {  	[smem:$0x3FAB] =	sst s1  }
0xa: {  	[smem:$0x3FAC] =	sst s2  }
0xb: {  	[smem:$0x3FAD] =	sst s3  }
0xc: {  	[smem:$0x3FAE] =	sst s4  }
0xd: {  	[smem:$0x3FAF] =	sst s5  }
0xe: {  	[smem:$0x3FB0] =	sst s6  }
0xf: {  	[smem:$0x3FB1] =	sst s7  }
0x10: {  	[smem:$0x3FB2] =	sst s8  }
0x11: {  	[smem:$0x3FB3] =	sst s9;
	s0 =	simm.s32 @!p0 $0x0  }
0x12: {  	s1 =	sld [smem:$0x3F99];
	s0 =	simm.s32 @p0 $0x1  }
0x13: {  	[smem:$0x3FB4] =	sst s0;
	s0 =	simm.s32 @!p1 $0x0  }
0x14: {  	s2 =	sld [smem:$0x3F98];
	s0 =	simm.s32 @p1 $0x1  }
0x15: {  	[smem:$0x3FB5] =	sst s0;
	s0 =	simm.s32 @!p2 $0x0  }
0x16: {  	s3 =	sld [smem:$0x3FDB];
	s0 =	simm.s32 @p2 $0x1  }
0x17: {  	s4 =	simm.s32 $0x1BF5;
	[smem:$0x3FB7] =	sst s0  }
0x18: {  	s0 =	sld [smem:$0x3F9A];
	_ =	swait.ge [sflag:s4], $0x0  }
0x19: {  	s7 =	sld [smem:$0x3F9B]  }
0x1a: {  	s8 =	sadd.s32 $0xFFFFE003, lr  }
0x1b: {  	s9 =	sadd.s32 $0xFFFFFEF7, lr;
	s5 =	simm.s32 $0xFFFFFFFF;
	p2 =	slt.u32 s8, $0xFFFFF086  }
0x1c: {  	p1 =	slt.u32 s9, $0xF7A;
	s5 =	simm.s32 @!p2 $0x0  }
0x1d: {  	s5 =	simm.s32 @p1 $0x1;
	p0 =	seq.s32 s7, s2  }
0x1e: {  	s7 =	smul.u32 @!p0 $0xF7A, s2;
	p2 =	seq.s32 @!p0 s5, $0x0  }
0x1f: {  	s9 =	smul.u32 $0xF7A, s1;
	s8 =	simm.s32 @!p0 $0x1BF5;
	p2 =	por !p2, p0  }
0x20: {  	[sflag:s8] =	ssyncset.s32 @!p0 $0xFFFFF086;
	s6 =	sadd.s32 @!p0 s3, s7;
	s7 =	simm.s32 @!p0 $0x108  }
0x21: {  	s3 =	sadd.s32 s3, s9;
	s6 =	sadd.s32 @!p0 $0x88, s6;
	s7 =	simm.s32 @p2 $0x1082  }
0x22: {  	[simem:s7], [sflag:s8] =	dma.local @!p0 [hbm:s6], $0xF7A  }
0x23: {  	s9 =	sor.u32 $0xD0000000, s2;
	s6 =	simm.s32 $0x108;
	_ =	swait.ge @!p0 [sflag:s8], $0x0  }
0x24: {  	s3 =	sadd.s32 $0x88, s3;
	s6 =	simm.s32 @!p1 $0x1082;
	[sflag:s4] =	ssyncset.s32 $0xFFFFF086  }
0x25: {  	[simem:s6], [sflag:s4] =	dma.local [hbm:s3], $0xF7A  }
0x26: {  	[smem:$0x3F9B] =	sst s1;
	(tag) =	ssettag s2;
	_ =	strace s9  }
0x27: {  	s1 =	sld [smem:$0x3FAB]  }
0x28: {  	s2 =	sld [smem:$0x3FAC]  }
0x29: {  	s4 =	sld [smem:$0x3FAE]  }
0x2a: {  	p0 =	seq.s32 s5, $0x0;
	s5 =	sld [smem:$0x3FAF]  }
0x2b: {  	s6 =	sld [smem:$0x3FB0]  }
0x2c: {  	s7 =	sld [smem:$0x3FB1]  }
0x2d: {  	s3 =	simm.s32 $0x108;
	s8 =	sld [smem:$0x3FB2]  }
0x2e: {  	s3 =	simm.s32 @!p0 $0x1082;
	s9 =	sld [smem:$0x3FB3]  }
0x2f: {  	lr =	sadd.s32 s0, s3;
	s0 =	sld [smem:$0x3FAA]  }
0x30: {  	s3 =	sld [smem:$0x3FAD]  }
0x31: {  	[smem:$0x3FB6] =	sst s10  }
0x32: {  	s10 =	sld [smem:$0x3FB4];
	_ =	sdelay $0x3  }
0x33: {  	p0 =	seq.s32 s10, $0x1;
	s10 =	sld [smem:$0x3FB6];
	_ =	sdelay $0x3  }
0x34: {  	[smem:$0x3FB6] =	sst s10  }
0x35: {  	s10 =	sld [smem:$0x3FB5];
	_ =	sdelay $0x3  }
0x36: {  	p1 =	seq.s32 s10, $0x1;
	s10 =	sld [smem:$0x3FB6];
	_ =	sdelay $0x3  }
0x37: {  	[smem:$0x3FB6] =	sst s10  }
0x38: {  	s10 =	sld [smem:$0x3FB7]  }
0x39: {  	_ = 	snop;
	(pc) =	sbr.ind lr, $3  }
0x3a: {  	_ = 	snop  }
0x3b: {  	_ = 	snop  }
0x3c: {  	p2 =	seq.s32 s10, $0x1;
	s10 =	sld [smem:$0x3FB6]  }
0x3d: {  	_ =	shalt  }
0x3e: {  	_ =	shalt  }
0x3f: {  	_ =	shalt  }
0x40: {  	_ =	shalt  }
0x41: {  	_ =	shalt  }
0x42: {  	_ =	shalt  }
0x43: {  	_ =	shalt  }
0x44: {  	_ =	shalt  }
0x45: {  	_ =	shalt  }
0x46: {  	_ =	shalt  }
0x47: {  	_ =	shalt  }
0x48: {  	_ =	shalt  }
0x49: {  	_ =	shalt  }
0x4a: {  	_ =	shalt  }
0x4b: {  	_ =	shalt  }
0x4c: {  	_ =	shalt  }
0x4d: {  	_ =	shalt  }
0x4e: {  	_ =	shalt  }
0x4f: {  	_ =	shalt  }
0x50: {  	_ =	shalt  }
0x51: {  	_ =	shalt  }
0x52: {  	_ =	shalt  }
0x53: {  	_ =	shalt  }
0x54: {  	_ =	shalt  }
0x55: {  	_ =	shalt  }
0x56: {  	_ =	shalt  }
0x57: {  	_ =	shalt  }
0x58: {  	_ =	shalt  }
0x59: {  	_ =	shalt  }
0x5a: {  	_ =	shalt  }
0x5b: {  	_ =	shalt  }
0x5c: {  	_ =	shalt  }
0x5d: {  	_ =	shalt  }
0x5e: {  	_ =	shalt  }
0x5f: {  	_ =	shalt  }
0x60: {  	_ =	shalt  }
0x61: {  	_ =	shalt  }
0x62: {  	_ =	shalt  }
0x63: {  	_ =	shalt  }
0x64: {  	_ =	shalt  }
0x65: {  	_ =	shalt  }
0x66: {  	_ =	shalt  }
0x67: {  	_ =	shalt  }
0x68: {  	_ =	shalt  }
0x69: {  	_ =	shalt  }
0x6a: {  	_ =	shalt  }
0x6b: {  	_ =	shalt  }
0x6c: {  	_ =	shalt  }
0x6d: {  	_ =	shalt  }
0x6e: {  	_ =	shalt  }
0x6f: {  	_ =	shalt  }
0x70: {  	_ =	shalt  }
0x71: {  	_ =	shalt  }
0x72: {  	_ =	shalt  }
0x73: {  	_ =	shalt  }
0x74: {  	_ =	shalt  }
0x75: {  	_ =	shalt  }
0x76: {  	_ =	shalt  }
0x77: {  	_ =	shalt  }
0x78: {  	_ =	shalt  }
0x79: {  	_ =	shalt  }
0x7a: {  	_ =	shalt  }
0x7b: {  	_ =	shalt  }
0x7c: {  	_ =	shalt  }
0x7d: {  	_ =	shalt  }
0x7e: {  	_ =	shalt  }
0x7f: {  	_ =	shalt  }
0x80: {  	_ =	shalt  }
0x81: {  	_ =	shalt  }
0x82: {  	_ =	shalt  }
0x83: {  	_ =	shalt  }
0x84: {  	_ =	shalt  }
0x85: {  	_ =	shalt  }
0x86: {  	_ =	shalt  }
0x87: {  	_ =	shalt  }
.Lfunc_end0:
.L_simem_size_0:
called_computation.1_lowered:
.L_overlay_start_0:
0x88: {  	s2 =	sld [smem:$0x3FD9]  }
0x89: {  	s3 =	sld [smem:$0x3FFE];
	_ =	sdelay $0x1  }
0x8a: {  	s1 =	srdreg.scid  }
0x8b: {  	s0 =	sand.u32 $0x1, s1  }
0x8c: {  	s17 =	sshll.u32 s0, $0xA;
	s2 =	sadd.s32 s3, s2  }
0x8d: {  	s2 =	sadd.s32 s2, s17  }
0x8e: {  	[smem:$0x3FC2] =	sst s2  }
0x8f: {  	_ = 	snop  }
0x90: {  	s2 =	sld [smem:$0x3FD0];
	(tm) =	ssettm $0x1  }
0x91: {  	s18 =	sld [smem:$0x3FFB];
	_ =	sdelay $0x3  }
0x92: {  	_ =	strace s18  }
0x93: {  	s3 =	sld [smem:$0x3FFC];
	_ =	sdelay $0x3  }
0x94: {  	_ =	strace s3  }
0x95: {  	s3 =	sld [smem:$0x3FFD];
	_ =	sdelay $0x3  }
0x96: {  	_ =	strace s3  }
0x97: {  	_ =	strace $0x8FFFFFFF  }
0x98: {  	s19 =	sld [smem:$0x3FDB];
	_ =	sdelay $0x1  }
0x99: {  	s4 =	simm.s32 $_scs_section_size  }
0x9a: {  	s5 =	simm.s32 $_size__tile_overlayer_lowered;
	s6 =	simm.s32 $_tile_overlayer_lowered  }
0x9b: {  	s22 =	simm.s32 $0x1BFF;
	s21 =	sshll.u32 s6, $0x1;
	s3 =	sadd.s32 s4, s19  }
0x9c: {  	s7 =	simm.s32 $0x0;
	s20 =	sshll.u32 s5, $0x1;
	s5 =	sadd.s32 s21, s3  }
0x9d: {  	[timem:s7], [sflag:s22] =	dma.local [hbm:s5], s20  }
0x9e: {  	_ =	swait.ge [sflag:s22], s20  }
0x9f: {  	s4 =	ssub.s32 $0x0, s20;
	[sflag:s22] =	ssyncset.done $0x0  }
0xa0: {  	[sflag:s22] =	ssyncadd.s32 s4;
	_ =	sdelay $0x1  }
0xa1: {  	s23 =	simm.s32 $0x1B8B  }
0xa2: {  	_ =	swait.ge [sflag:s23], $0x1  }
0xa3: {  	[sflag:s23] =	ssyncset.done $0x0  }
0xa4: {  	s25 =	simm.s32 $0x1B8E;
	s24 =	sld [smem:$0x3FFE];
	[sflag:s23] =	ssyncadd.s32 $0xFFFFFFFF  }
0xa5: {  	s26 =	simm.s32 $execute0_lowered;
	[smem:$0x3FD2] =	sst s25  }
0xa6: {  	s5 =	sshll.u32 s26, $0x1;
	_ =	strace $0x80000049;
	[dreg:$0x1] =	wrdreg $0xFFFFFFFF  }
0xa7: {  	s28 =	simm.s32 $_size_execute0_lowered;
	s3 =	sadd.s32 s3, s5;
	[dreg:$0x0] =	wrdreg $0x0  }
0xa8: {  	s5 =	sshll.u32 s28, $0x1;
	[dreg:$0x2] =	wrdreg s3  }
0xa9: {  	[dreg:$0x3] =	wrdreg s5  }
0xaa: {  	[dreg:$0x4] =	wrdreg $0xC0  }
0xab: {  	_ =	task [dreg:s7], $0x5FFFF  }
0xac: {  	[dreg:$0x1] =	wrdreg $0xFFFFFFFF  }
0xad: {  	[dreg:$0x0] =	wrdreg $0x60  }
0xae: {  	[dreg:$0x2] =	wrdreg s2  }
0xaf: {  	[dreg:$0x3] =	wrdreg s24  }
0xb0: {  	[dreg:$0x4] =	wrdreg $0xBF000  }
0xb1: {  	[dreg:$0x5] =	wrdreg $0x9  }
0xb2: {  	_ =	task.clear_ibuf [dreg:s7], $0x6FFFF;
	_ =	strace $0x90000049  }
0xb3: {  	s29 =	simm.s32 $0x9;
	_ =	strace $0x8000004B  }
0xb4: {  	_ =	swait.ge [sflag:s29], $0x1  }
0xb5: {  	[sflag:s29] =	ssyncadd.s32 $0xFFFFFFFF  }
0xb6: {  	_ =	strace $0x9000004B  }
0xb7: {  	_ =	sfence  }
0xb8: {  	s30 =	sld [smem:$0x0];
	_ =	sdelay $0x2  }
0xb9: {  	s31 =	sshll.u32 s1, $0xD;
	s1 =	sshrl.u32 s1, $0x2  }
0xba: {  	s3 =	sand.u32 $0x4000, s31;
	s1 =	sadd.s32 s1, s30  }
0xbb: {  	s0 =	sor.u32 s3, s0;
	s1 =	sshll.u32 s1, $0x11  }
0xbc: {  	s0 =	sor.u32 s1, s0  }
0xbd: {  	s0 =	sadd.s32 $0x8F2B, s0  }
0xbe: {  	[sflag:s0] =	ssyncadd.remote.s32 $0x1  }
0xbf: {  	_ =	sfence.sel $0xFFFF  }
0xc0: {  	[dreg:$0x0] =	wrdreg $0xFFFFFFFF;
	(pc) =	sbr.abs _section_cstart, $3  }
0xc1: {  	[dreg:$0x1] =	wrdreg $0xFFFFFFFF  }
0xc2: {  	_ =	task.clear_ibuf [dreg:s7], $0x2FFFF;
	_ =	strace $0x9FFFFFFF  }
0xc3: {  	(tm) =	ssettm $0x7FFFFFFF  }
tec
execute0_lowered:
.L_overlay_start_1:
0x0: {  	(tag) =	ssettag $0x1  }
0x1: {  	s2 =	rddreg [dreg:$0x0]  }
0x2: {  	s0 =	rddreg [dreg:$0x1]  }
0x3: {  	s3 =	rddreg [dreg:$0x2]  }
0x4: {  	s8 =	stileid.u32;
	s1 =	srdreg.scid;
	s4 =	simm.s32 $0x0  }
0x5: {  	s11 =	simm.s32 $0x3D;
	s28 =	simm.s32 $0x3E80;
	s5 =	smul.u32 $0x1300, s8  }
0x6: {  	s29 =	simm.s32 $0x1;
	s30 =	simm.s32 $0x3;
	s6 =	smul.u32 $0x3D00, s8  }
0x7: {  	s31 =	simm.s32 $0x2;
	s1 =	sand.u32 $0x1, s1;
	s12 =	smul.u32 $0x280, s8  }
0x8: {  	[smem:$0x7FF] =	sst s4;
	s8 =	smul.u32 $0x50000, s8;
	p0 =	seq.s32 s1, $0x0  }
0x9: {  	_ =	strace $0x8000004A;
	s18 =	ssub.s32 $0x2, s1;
	s1 =	smul.u32 $0x2800, s1  }
0xa: {  	s5 =	sadd.s32 $0x3D000, s5;
	s7 =	sshrl.u32 s18, $0x1;
	s14 =	sadd.s32 $0x80, s12  }
0xb: {  	s20 =	sshrl.u32 s8, $0x2;
	s15 =	sadd.s32 $0x100, s12;
	s16 =	sadd.s32 $0x180, s12  }
0xc: {  	s17 =	sadd.s32 $0x200, s12;
	s11 =	simm.s32 @!p0 $0x13;
	s5 =	smov.u32 @p0 s6  }
0xd: {  	s13 =	ssub.s32 s18, s7;
	s21 =	sshll.u32 s14, $0x7;
	s6 =	sadd.s32 s20, s3  }
0xe: {  	s22 =	sshll.u32 s15, $0x7;
	s9 =	sshll.u32 s16, $0x7;
	s10 =	sshll.u32 s17, $0x7  }
0xf: {  	s12 =	sadd.s32 s12, s1;
	s14 =	sadd.s32 s1, s14;
	s24 =	sadd.s32 s1, s15  }
0x10: {  	s25 =	sadd.s32 s1, s16;
	s1 =	sadd.s32 s1, s17;
	s20 =	simm.s32 $0x5  }
0x11: {  	s5 =	sshrl.u32 s5, $0x3;
	s7 =	sadd.s32 s21, s3;
	s8 =	sadd.s32 s22, s3  }
0x12: {  	s9 =	sadd.s32 s9, s3;
	s10 =	sadd.s32 s10, s3;
	s12 =	sshll.u32 s12, $0x4  }
0x13: {  	s14 =	sshll.u32 s14, $0x4;
	s26 =	sshll.u32 s25, $0x4;
	s1 =	sshll.u32 s1, $0x4  }
0x14: {  	s17 =	smax.u32 s13, $0x1;
	s21 =	simm.s32 $0x3F00;
	s22 =	simm.s32 $0x80  }
0x15: {  	s25 =	simm.s32 $0x3D80;
	s5 =	sadd.s32 s5, s0;
	s0 =	sadd.s32 $0xC200, s0  }
0x16: {  	s19 =	sadd.s32 $0x5C200, s5;
	s12 =	sadd.s32 s0, s12;
	s23 =	sadd.s32 s0, s14  }
0x17: {  	s15 =	sadd.s32 s0, s26;
	s16 =	sadd.s32 s0, s1;
	s13 =	sadd.s32 $0x2200, s5  }
0x18: {  	s14 =	sadd.s32 $0x2210, s5;
	s26 =	simm.s32 $0x7F00;
	[dreg:$0x4] =	wrdreg s19  }
0x19: {  	s1 =	simm.s32 $0x0;
	[dreg:$0x5] =	wrdreg s12;
	s12 =	sshll.u32 s24, $0x4  }
0x1a: {  	[dreg:$0x6] =	wrdreg s23;
	s23 =	simm.s32 $0x3D00;
	s12 =	sadd.s32 s0, s12  }
0x1b: {  	v0 =	vimm.f32 $0.0e+00;
	s24 =	simm.s32 $0x3E00;
	s0 =	simm.s32 $0x4;
	[dreg:$0x7] =	wrdreg s12  }
.LBB2_1:
0x1c: {  	s5 =	rddreg [dreg:$0x4]  }
0x1d: {  	[tilespmem:s4], [sflag:$0x5] =	stream.linear.gather [hbm4b:s5+s4], $0x3D00, $0x38;
	[tilespmem:$0x1FF00] =	vst v63  }
0x1e: {  	_ =	swait.ge [sflag:s20], $0x3D00  }
0x1f: {  	[sflag:s20] =	ssyncset.done $0x0  }
0x20: {  	s12 =	simm.s32 $0x200;
	s5 =	simm.s32 $0x0;
	[sflag:s20] =	ssyncadd.s32 $0xFFFFC300  }
.LBB2_2:
0x21: {  	p0 =	sne.s32 s12, $0xFE00;
	[tilespmem:s5+$0x3F70] =	vst v0  }
0x22: {  	[tilespmem:s5+$0x3F00] =	vst v0  }
0x23: {  	[tilespmem:s5+$0x3F10] =	vst v0  }
.Ltmp0:
0x24: {  	[tilespmem:s5+$0x3F20] =	vst v0;
	(pc) =	sbr.rel @p0 .LBB2_2-.Ltmp0, $4  }
0x25: {  	[tilespmem:s5+$0x3F30] =	vst v0  }
0x26: {  	[tilespmem:s5+$0x3F40] =	vst v0  }
0x27: {  	[tilespmem:s5+$0x3F50] =	vst v0  }
0x28: {  	[tilespmem:s5+$0x3F60] =	vst v0;
	s5 =	sshra.s32 s12, $0x2;
	s12 =	sadd.s32 $0x200, s12  }
0x29: {  	[tilespmem:s5+$0x3F70] =	vst v0  }
0x2a: {  	[tilespmem:s5+$0x3F00] =	vst v0  }
0x2b: {  	[tilespmem:s5+$0x3F10] =	vst v0  }
0x2c: {  	[tilespmem:s5+$0x3F20] =	vst v0  }
0x2d: {  	[tilespmem:s5+$0x3F30] =	vst v0  }
0x2e: {  	[tilespmem:s5+$0x3F40] =	vst v0  }
0x2f: {  	[tilespmem:s5+$0x3F50] =	vst v0  }
0x30: {  	[tilespmem:s5+$0x3F60] =	vst v0  }
0x31: {  	[spmem:s6] =	stream.linear.scatter [tilespmem:s21], [sflag:$0x5], $0x4000, $0x38;
	[tilespmem:$0x1FF00] =	vst v63  }
0x32: {  	_ =	swait.ge [sflag:s20], $0x4000  }
0x33: {  	[sflag:s20] =	ssyncset.done $0x0  }
0x34: {  	[sflag:s20] =	ssyncadd.s32 $0xFFFFC000  }
0x35: {  	[spmem:s7] =	stream.linear.scatter [tilespmem:s21], [sflag:$0x5], $0x4000, $0x38;
	[tilespmem:$0x1FF00] =	vst v63  }
0x36: {  	_ =	swait.ge [sflag:s20], $0x4000  }
0x37: {  	[sflag:s20] =	ssyncset.done $0x0  }
0x38: {  	[sflag:s20] =	ssyncadd.s32 $0xFFFFC000  }
0x39: {  	[spmem:s8] =	stream.linear.scatter [tilespmem:s21], [sflag:$0x5], $0x4000, $0x38;
	[tilespmem:$0x1FF00] =	vst v63  }
0x3a: {  	_ =	swait.ge [sflag:s20], $0x4000  }
0x3b: {  	[sflag:s20] =	ssyncset.done $0x0  }
0x3c: {  	[sflag:s20] =	ssyncadd.s32 $0xFFFFC000  }
0x3d: {  	[spmem:s9] =	stream.linear.scatter [tilespmem:s21], [sflag:$0x5], $0x4000, $0x38;
	[tilespmem:$0x1FF00] =	vst v63  }
0x3e: {  	_ =	swait.ge [sflag:s20], $0x4000  }
0x3f: {  	[sflag:s20] =	ssyncset.done $0x0  }
0x40: {  	[sflag:s20] =	ssyncadd.s32 $0xFFFFC000  }
0x41: {  	[spmem:s10] =	stream.linear.scatter [tilespmem:s21], [sflag:$0x5], $0x4000, $0x38;
	[tilespmem:$0x1FF00] =	vst v63  }
0x42: {  	_ =	swait.ge [sflag:s20], $0x4000  }
0x43: {  	[sflag:s20] =	ssyncset.done $0x0  }
0x44: {  	[sflag:s20] =	ssyncadd.s32 $0xFFFFC000  }
0x45: {  	s19 =	simm.s32 $0x80;
	[bflag:$0x0] =	sbarrier.arrive $0xFFFF  }
0x46: {  	v1 =	vld [tilespmem:s19+$0xFFFFFF80];
	_ =	sdelay $0x4  }
0x47: {  	[tilespmem:$0x3D00] =	vst v1  }
0x48: {  	v1 =	vld [tilespmem:s19+$0xFFFFFF90];
	_ =	sdelay $0x4  }
0x49: {  	[tilespmem:$0x3D10] =	vst v1  }
0x4a: {  	v1 =	vld [tilespmem:s19+$0xFFFFFFA0];
	_ =	sdelay $0x4  }
0x4b: {  	[tilespmem:$0x3D20] =	vst v1  }
0x4c: {  	v1 =	vld [tilespmem:s19+$0xFFFFFFB0];
	_ =	sdelay $0x4  }
0x4d: {  	[tilespmem:$0x3D30] =	vst v1  }
0x4e: {  	v1 =	vld [tilespmem:s19+$0xFFFFFFC0];
	_ =	sdelay $0x4  }
0x4f: {  	[tilespmem:$0x3D40] =	vst v1  }
0x50: {  	v1 =	vld [tilespmem:s19+$0xFFFFFFD0];
	_ =	sdelay $0x4  }
0x51: {  	[tilespmem:$0x3D50] =	vst v1  }
0x52: {  	v1 =	vld [tilespmem:s19+$0xFFFFFFE0];
	_ =	sdelay $0x4  }
0x53: {  	[tilespmem:$0x3D60] =	vst v1  }
0x54: {  	v1 =	vld [tilespmem:s19+$0xFFFFFFF0];
	_ =	sdelay $0x4  }
0x55: {  	[tilespmem:$0x3D70] =	vst v1  }
0x56: {  	[tilespmem:s21], [sflag:$0x1] =	stream.indirect.gather [hbm4b:s2+s22], $0x80, s23, s22, $0xb8;
	[tilespmem:$0x1FF00] =	vst v63  }
0x57: {  	_ = 	snop  }
0x58: {  	[tilespmem:s24], [sflag:$0x3] =	stream.linear.gather [hbm4b:s13+s4], $0x80, $0x38;
	[tilespmem:$0x1FF00] =	vst v63  }
0x59: {  	v1 =	vld [tilespmem:s19+$0x0];
	_ =	sdelay $0x4  }
0x5a: {  	[tilespmem:$0x3D80] =	vst v1  }
0x5b: {  	v1 =	vld [tilespmem:s19+$0x10];
	_ =	sdelay $0x4  }
0x5c: {  	[tilespmem:$0x3D90] =	vst v1  }
0x5d: {  	v1 =	vld [tilespmem:s19+$0x20];
	_ =	sdelay $0x4  }
0x5e: {  	[tilespmem:$0x3DA0] =	vst v1  }
0x5f: {  	v1 =	vld [tilespmem:s19+$0x30];
	_ =	sdelay $0x4  }
0x60: {  	[tilespmem:$0x3DB0] =	vst v1  }
0x61: {  	v1 =	vld [tilespmem:s19+$0x40];
	_ =	sdelay $0x4  }
0x62: {  	[tilespmem:$0x3DC0] =	vst v1  }
0x63: {  	v1 =	vld [tilespmem:s19+$0x50];
	_ =	sdelay $0x4  }
0x64: {  	[tilespmem:$0x3DD0] =	vst v1  }
0x65: {  	v1 =	vld [tilespmem:s19+$0x60];
	_ =	sdelay $0x4  }
0x66: {  	[tilespmem:$0x3DE0] =	vst v1  }
0x67: {  	v1 =	vld [tilespmem:s19+$0x70];
	_ =	sdelay $0x4  }
0x68: {  	[tilespmem:$0x3DF0] =	vst v1  }
0x69: {  	[tilespmem:s26], [sflag:$0x2] =	stream.indirect.gather [hbm4b:s2+s22], $0x80, s25, s22, $0xb8;
	[tilespmem:$0x1FF00] =	vst v63  }
0x6a: {  	_ = 	snop  }
0x6b: {  	[tilespmem:s28], [sflag:$0x4] =	stream.linear.gather [hbm4b:s14+s4], $0x80, $0x38;
	[tilespmem:$0x1FF00] =	vst v63  }
0x6c: {  	_ =	swait.ge [sflag:s29], $0x4000  }
0x6d: {  	[sflag:s29] =	ssyncset.done $0x0  }
0x6e: {  	[sflag:s29] =	ssyncadd.s32 $0xFFFFC000  }
0x6f: {  	_ =	swait.ge [sflag:s30], $0x80  }
0x70: {  	[sflag:s30] =	ssyncset.done $0x0  }
0x71: {  	[sflag:s30] =	ssyncadd.s32 $0xFFFFFF80  }
0x72: {  	[spmem:s3] =	stream.indirect.scatter.add.f32 [tilespmem:s21], [sflag:$0x5], $0x80, s24, s22, $0xb8;
	[tilespmem:$0x1FF00] =	vst v63  }
0x73: {  	_ =	swait.ge [sflag:s20], $0x4000  }
0x74: {  	[sflag:s20] =	ssyncset.done $0x0  }
0x75: {  	[sflag:s20] =	ssyncadd.s32 $0xFFFFC000  }
0x76: {  	_ =	swait.ge [sflag:s31], $0x4000  }
0x77: {  	[sflag:s31] =	ssyncset.done $0x0  }
0x78: {  	[sflag:s31] =	ssyncadd.s32 $0xFFFFC000  }
0x79: {  	p0 =	sne.s32 s11, $0x1;
	_ =	swait.ge [sflag:s0], $0x80  }
.Ltmp1:
0x7a: {  	[sflag:s0] =	ssyncset.done $0x0;
	(pc) =	sbr.rel @!p0 .LBB2_5-.Ltmp1, $4  }
0x7b: {  	[sflag:s0] =	ssyncadd.s32 $0xFFFFFF80  }
0x7c: {  	[spmem:s3] =	stream.indirect.scatter.add.f32 [tilespmem:s26], [sflag:$0x5], $0x80, s28, s22, $0xb8;
	[tilespmem:$0x1FF00] =	vst v63  }
0x7d: {  	s5 =	sadd.s32 $0xFFFFFFFF, s11;
	s12 =	simm.s32 $0x180;
	_ =	swait.ge [sflag:s20], $0x4000  }
0x7e: {  	s18 =	smov.u32 s13;
	s19 =	smov.u32 s14;
	[sflag:s20] =	ssyncset.done $0x0  }
.LBB2_4:
0x7f: {  	[sflag:s20] =	ssyncadd.s32 $0xFFFFC000;
	s18 =	sadd.s32 $0x20, s18;
	s19 =	sadd.s32 $0x20, s19  }
0x80: {  	p0 =	sne.s32 s5, $0x1;
	s5 =	sadd.s32 $0xFFFFFFFF, s5;
	v1 =	vld [tilespmem:s12+$0xFFFFFF80];
	_ =	sdelay $0x4  }
0x81: {  	[tilespmem:$0x3D00] =	vst v1  }
0x82: {  	v1 =	vld [tilespmem:s12+$0xFFFFFF90];
	_ =	sdelay $0x4  }
0x83: {  	[tilespmem:$0x3D10] =	vst v1  }
0x84: {  	v1 =	vld [tilespmem:s12+$0xFFFFFFA0];
	_ =	sdelay $0x4  }
0x85: {  	[tilespmem:$0x3D20] =	vst v1  }
0x86: {  	v1 =	vld [tilespmem:s12+$0xFFFFFFB0];
	_ =	sdelay $0x4  }
0x87: {  	[tilespmem:$0x3D30] =	vst v1  }
0x88: {  	v1 =	vld [tilespmem:s12+$0xFFFFFFC0];
	_ =	sdelay $0x4  }
0x89: {  	[tilespmem:$0x3D40] =	vst v1  }
0x8a: {  	v1 =	vld [tilespmem:s12+$0xFFFFFFD0];
	_ =	sdelay $0x4  }
0x8b: {  	[tilespmem:$0x3D50] =	vst v1  }
0x8c: {  	v1 =	vld [tilespmem:s12+$0xFFFFFFE0];
	_ =	sdelay $0x4  }
0x8d: {  	[tilespmem:$0x3D60] =	vst v1  }
0x8e: {  	v1 =	vld [tilespmem:s12+$0xFFFFFFF0];
	_ =	sdelay $0x4  }
0x8f: {  	[tilespmem:$0x3D70] =	vst v1  }
0x90: {  	[tilespmem:s21], [sflag:$0x1] =	stream.indirect.gather [hbm4b:s2+s22], $0x80, s23, s22, $0xb8;
	[tilespmem:$0x1FF00] =	vst v63  }
0x91: {  	_ = 	snop  }
0x92: {  	[tilespmem:s24], [sflag:$0x3] =	stream.linear.gather [hbm4b:s18+s4], $0x80, $0x38;
	[tilespmem:$0x1FF00] =	vst v63  }
0x93: {  	v1 =	vld [tilespmem:s12+$0x0];
	_ =	sdelay $0x4  }
0x94: {  	[tilespmem:$0x3D80] =	vst v1  }
0x95: {  	v1 =	vld [tilespmem:s12+$0x10];
	_ =	sdelay $0x4  }
0x96: {  	[tilespmem:$0x3D90] =	vst v1  }
0x97: {  	v1 =	vld [tilespmem:s12+$0x20];
	_ =	sdelay $0x4  }
0x98: {  	[tilespmem:$0x3DA0] =	vst v1  }
0x99: {  	v1 =	vld [tilespmem:s12+$0x30];
	_ =	sdelay $0x4  }
0x9a: {  	[tilespmem:$0x3DB0] =	vst v1  }
0x9b: {  	v1 =	vld [tilespmem:s12+$0x40];
	_ =	sdelay $0x4  }
0x9c: {  	[tilespmem:$0x3DC0] =	vst v1  }
0x9d: {  	v1 =	vld [tilespmem:s12+$0x50];
	_ =	sdelay $0x4  }
0x9e: {  	[tilespmem:$0x3DD0] =	vst v1  }
0x9f: {  	v1 =	vld [tilespmem:s12+$0x60];
	_ =	sdelay $0x4  }
0xa0: {  	[tilespmem:$0x3DE0] =	vst v1  }
0xa1: {  	v1 =	vld [tilespmem:s12+$0x70];
	_ =	sdelay $0x4  }
0xa2: {  	[tilespmem:$0x3DF0] =	vst v1  }
0xa3: {  	[tilespmem:s26], [sflag:$0x2] =	stream.indirect.gather [hbm4b:s2+s22], $0x80, s25, s22, $0xb8;
	[tilespmem:$0x1FF00] =	vst v63  }
0xa4: {  	_ = 	snop  }
0xa5: {  	[tilespmem:s28], [sflag:$0x4] =	stream.linear.gather [hbm4b:s19+s4], $0x80, $0x38;
	[tilespmem:$0x1FF00] =	vst v63  }
0xa6: {  	_ =	swait.ge [sflag:s29], $0x4000  }
0xa7: {  	[sflag:s29] =	ssyncset.done $0x0  }
0xa8: {  	[sflag:s29] =	ssyncadd.s32 $0xFFFFC000  }
0xa9: {  	_ =	swait.ge [sflag:s30], $0x80  }
0xaa: {  	[sflag:s30] =	ssyncset.done $0x0  }
0xab: {  	[sflag:s30] =	ssyncadd.s32 $0xFFFFFF80  }
0xac: {  	[spmem:s3] =	stream.indirect.scatter.add.f32 [tilespmem:s21], [sflag:$0x5], $0x80, s24, s22, $0xb8;
	[tilespmem:$0x1FF00] =	vst v63  }
0xad: {  	_ =	swait.ge [sflag:s20], $0x4000  }
0xae: {  	[sflag:s20] =	ssyncset.done $0x0  }
0xaf: {  	[sflag:s20] =	ssyncadd.s32 $0xFFFFC000  }
0xb0: {  	_ =	swait.ge [sflag:s31], $0x4000  }
0xb1: {  	[sflag:s31] =	ssyncset.done $0x0  }
0xb2: {  	[sflag:s31] =	ssyncadd.s32 $0xFFFFC000  }
0xb3: {  	_ =	swait.ge [sflag:s0], $0x80  }
.Ltmp2:
0xb4: {  	[sflag:s0] =	ssyncset.done $0x0;
	(pc) =	sbr.rel @p0 .LBB2_4-.Ltmp2, $4  }
0xb5: {  	[sflag:s0] =	ssyncadd.s32 $0xFFFFFF80  }
0xb6: {  	[spmem:s3] =	stream.indirect.scatter.add.f32 [tilespmem:s26], [sflag:$0x5], $0x80, s28, s22, $0xb8;
	[tilespmem:$0x1FF00] =	vst v63  }
0xb7: {  	_ =	swait.ge [sflag:s20], $0x4000  }
0xb8: {  	s12 =	sadd.s32 $0x100, s12;
	[sflag:s20] =	ssyncset.done $0x0  }
.LBB2_5:
0xb9: {  	[sflag:s20] =	ssyncadd.s32 $0xFFFFC000  }
0xba: {  	[bflag:$0x0] =	sbarrier.arrive $0xFFFF  }
0xbb: {  	[tilespmem:s21], [sflag:$0x5] =	stream.linear.gather [spmem:s6], $0x4000, $0x38;
	[tilespmem:$0x1FF00] =	vst v63  }
0xbc: {  	_ =	swait.ge [sflag:s20], $0x4000  }
0xbd: {  	[sflag:s20] =	ssyncset.done $0x0  }
0xbe: {  	s5 =	rddreg [dreg:$0x5];
	[sflag:s20] =	ssyncadd.s32 $0xFFFFC000  }
0xbf: {  	[hbm4b:s5+s4] =	stream.linear.scatter [tilespmem:s21], [sflag:$0x5], $0x4000, $0x38;
	[tilespmem:$0x1FF00] =	vst v63  }
0xc0: {  	_ =	swait.ge [sflag:s20], $0x4000  }
0xc1: {  	[sflag:s20] =	ssyncset.done $0x0  }
0xc2: {  	[sflag:s20] =	ssyncadd.s32 $0xFFFFC000  }
0xc3: {  	[tilespmem:s21], [sflag:$0x5] =	stream.linear.gather [spmem:s7], $0x4000, $0x38;
	[tilespmem:$0x1FF00] =	vst v63  }
0xc4: {  	_ =	swait.ge [sflag:s20], $0x4000  }
0xc5: {  	[sflag:s20] =	ssyncset.done $0x0  }
0xc6: {  	s18 =	rddreg [dreg:$0x6];
	[sflag:s20] =	ssyncadd.s32 $0xFFFFC000  }
0xc7: {  	[hbm4b:s18+s4] =	stream.linear.scatter [tilespmem:s21], [sflag:$0x5], $0x4000, $0x38;
	[tilespmem:$0x1FF00] =	vst v63  }
0xc8: {  	_ =	swait.ge [sflag:s20], $0x4000  }
0xc9: {  	[sflag:s20] =	ssyncset.done $0x0  }
0xca: {  	[sflag:s20] =	ssyncadd.s32 $0xFFFFC000  }
0xcb: {  	[tilespmem:s21], [sflag:$0x5] =	stream.linear.gather [spmem:s8], $0x4000, $0x38;
	[tilespmem:$0x1FF00] =	vst v63  }
0xcc: {  	_ =	swait.ge [sflag:s20], $0x4000  }
0xcd: {  	[sflag:s20] =	ssyncset.done $0x0  }
0xce: {  	s19 =	rddreg [dreg:$0x7];
	[sflag:s20] =	ssyncadd.s32 $0xFFFFC000  }
0xcf: {  	[hbm4b:s19+s4] =	stream.linear.scatter [tilespmem:s21], [sflag:$0x5], $0x4000, $0x38;
	[tilespmem:$0x1FF00] =	vst v63  }
0xd0: {  	_ =	swait.ge [sflag:s20], $0x4000  }
0xd1: {  	[sflag:s20] =	ssyncset.done $0x0  }
0xd2: {  	[sflag:s20] =	ssyncadd.s32 $0xFFFFC000  }
0xd3: {  	[tilespmem:s21], [sflag:$0x5] =	stream.linear.gather [spmem:s9], $0x4000, $0x38;
	[tilespmem:$0x1FF00] =	vst v63  }
0xd4: {  	_ =	swait.ge [sflag:s20], $0x4000  }
0xd5: {  	[sflag:s20] =	ssyncset.done $0x0  }
0xd6: {  	[sflag:s20] =	ssyncadd.s32 $0xFFFFC000  }
0xd7: {  	[hbm4b:s15+s4] =	stream.linear.scatter [tilespmem:s21], [sflag:$0x5], $0x4000, $0x38;
	[tilespmem:$0x1FF00] =	vst v63  }
0xd8: {  	_ =	swait.ge [sflag:s20], $0x4000  }
0xd9: {  	[sflag:s20] =	ssyncset.done $0x0  }
0xda: {  	[sflag:s20] =	ssyncadd.s32 $0xFFFFC000  }
0xdb: {  	[tilespmem:s21], [sflag:$0x5] =	stream.linear.gather [spmem:s10], $0x4000, $0x38;
	[tilespmem:$0x1FF00] =	vst v63  }
0xdc: {  	s1 =	sadd.s32 $0x1, s1;
	_ =	swait.ge [sflag:s20], $0x4000  }
0xdd: {  	p0 =	sne.s32 s1, s17;
	[sflag:s20] =	ssyncset.done $0x0  }
.Ltmp3:
0xde: {  	[sflag:s20] =	ssyncadd.s32 $0xFFFFC000;
	(pc) =	sbr.rel @p0 .LBB2_1-.Ltmp3, $4  }
0xdf: {  	[hbm4b:s16+s4] =	stream.linear.scatter [tilespmem:s21], [sflag:$0x5], $0x4000, $0x38;
	[tilespmem:$0x1FF00] =	vst v63  }
0xe0: {  	_ =	swait.ge [sflag:s20], $0x4000  }
0xe1: {  	[sflag:s20] =	ssyncset.done $0x0  }
0xe2: {  	[sflag:s20] =	ssyncadd.s32 $0xFFFFC000  }
0xe3: {  	_ =	sfence.sel $0x180000  }
0xe4: {  	[bflag:$0x0] =	sbarrier.arrive $0xFFFF  }
0xe5: {  	_ =	strace $0x9000004A  }
0xe6: {  	s0 =	stileid.u32;
	[bflag:$0x2] =	sbarrier.arrive $0xFFFF  }
0xe7: {  	p0 =	sne.s32 s0, $0x0;
	s0 =	rddreg [dreg:$0x3]  }
0xe8: {  	s0 =	sadd.s32 @!p0 $0x100000, s0  }
0xe9: {  	[sflag:s0] =	ssyncadd.tile.s32 @!p0 $0x1;
	_ =	shalt  }
.Lfunc_end2:
_tile_overlayer_lowered:
.L_overlay_start_2:
0xea: {  	(tag) =	ssettag $0x2  }
0xeb: {  	s0 =	rddreg [dreg:$0x0];
	s2 =	stileid.u32  }
0xec: {  	s1 =	rddreg [dreg:$0x1];
	p0 =	sne.s32 s2, $0x0  }
0xed: {  	s3 =	rddreg [dreg:$0x2];
	[bflag:$0x3] =	sbarrier.arrive $0xFFFF;
	s2 =	simm.s32 @!p0 $0x1C05  }
0xee: {  	[timem:s3], [sflag:s2] =	dma.local @!p0 [hbm:s0], s1  }
0xef: {  	s0 =	simm.s32 @!p0 $0x5  }
0xf0: {  	_ =	swait.ge @!p0 [sflag:s0], s1  }
0xf1: {  	s1 =	ssub.s32 @!p0 $0x0, s1;
	[sflag:s0] =	ssyncset.done @!p0 $0x0  }
0xf2: {  	[sflag:s0] =	ssyncadd.s32 @!p0 s1  }
0xf3: {  	[bflag:$0x3] =	sbarrier.arrive $0xFFFF  }
0xf4: {  	_ =	shalt  }

// kernel: kernel.14.cloned.1.call-start
scs
__scs_entry_jumppad:
0x0: {  	(pc) =	sbr.rel $0x88, $3  }
0x1: {  	(tag) =	ssettag $0x0;
	lr =	simm.s32 $0x1  }
0x2: {  	[smem:$0x3F9B] =	sst lr;
	_ =	strace $0xD0000000  }
0x3: {  	_ = 	snop  }
0x4: {  	_ = 	snop  }
0x5: {  	_ = 	snop  }
0x6: {  	_ = 	snop  }
0x7: {  	_ = 	snop  }
__scs_overlays_trampoline_lowered:
0x8: {  	[smem:$0x3FAA] =	sst s0  }
0x9: {  	[smem:$0x3FAB] =	sst s1  }
0xa: {  	[smem:$0x3FAC] =	sst s2  }
0xb: {  	[smem:$0x3FAD] =	sst s3  }
0xc: {  	[smem:$0x3FAE] =	sst s4  }
0xd: {  	[smem:$0x3FAF] =	sst s5  }
0xe: {  	[smem:$0x3FB0] =	sst s6  }
0xf: {  	[smem:$0x3FB1] =	sst s7  }
0x10: {  	[smem:$0x3FB2] =	sst s8  }
0x11: {  	[smem:$0x3FB3] =	sst s9;
	s0 =	simm.s32 @!p0 $0x0  }
0x12: {  	s1 =	sld [smem:$0x3F99];
	s0 =	simm.s32 @p0 $0x1  }
0x13: {  	[smem:$0x3FB4] =	sst s0;
	s0 =	simm.s32 @!p1 $0x0  }
0x14: {  	s2 =	sld [smem:$0x3F98];
	s0 =	simm.s32 @p1 $0x1  }
0x15: {  	[smem:$0x3FB5] =	sst s0;
	s0 =	simm.s32 @!p2 $0x0  }
0x16: {  	s3 =	sld [smem:$0x3FDB];
	s0 =	simm.s32 @p2 $0x1  }
0x17: {  	s4 =	simm.s32 $0x1BF5;
	[smem:$0x3FB7] =	sst s0  }
0x18: {  	s0 =	sld [smem:$0x3F9A];
	_ =	swait.ge [sflag:s4], $0x0  }
0x19: {  	s7 =	sld [smem:$0x3F9B]  }
0x1a: {  	s8 =	sadd.s32 $0xFFFFE003, lr  }
0x1b: {  	s9 =	sadd.s32 $0xFFFFFEF7, lr;
	s5 =	simm.s32 $0xFFFFFFFF;
	p2 =	slt.u32 s8, $0xFFFFF086  }
0x1c: {  	p1 =	slt.u32 s9, $0xF7A;
	s5 =	simm.s32 @!p2 $0x0  }
0x1d: {  	s5 =	simm.s32 @p1 $0x1;
	p0 =	seq.s32 s7, s2  }
0x1e: {  	s7 =	smul.u32 @!p0 $0xF7A, s2;
	p2 =	seq.s32 @!p0 s5, $0x0  }
0x1f: {  	s9 =	smul.u32 $0xF7A, s1;
	s8 =	simm.s32 @!p0 $0x1BF5;
	p2 =	por !p2, p0  }
0x20: {  	[sflag:s8] =	ssyncset.s32 @!p0 $0xFFFFF086;
	s6 =	sadd.s32 @!p0 s3, s7;
	s7 =	simm.s32 @!p0 $0x108  }
0x21: {  	s3 =	sadd.s32 s3, s9;
	s6 =	sadd.s32 @!p0 $0x88, s6;
	s7 =	simm.s32 @p2 $0x1082  }
0x22: {  	[simem:s7], [sflag:s8] =	dma.local @!p0 [hbm:s6], $0xF7A  }
0x23: {  	s9 =	sor.u32 $0xD0000000, s2;
	s6 =	simm.s32 $0x108;
	_ =	swait.ge @!p0 [sflag:s8], $0x0  }
0x24: {  	s3 =	sadd.s32 $0x88, s3;
	s6 =	simm.s32 @!p1 $0x1082;
	[sflag:s4] =	ssyncset.s32 $0xFFFFF086  }
0x25: {  	[simem:s6], [sflag:s4] =	dma.local [hbm:s3], $0xF7A  }
0x26: {  	[smem:$0x3F9B] =	sst s1;
	(tag) =	ssettag s2;
	_ =	strace s9  }
0x27: {  	s1 =	sld [smem:$0x3FAB]  }
0x28: {  	s2 =	sld [smem:$0x3FAC]  }
0x29: {  	s4 =	sld [smem:$0x3FAE]  }
0x2a: {  	p0 =	seq.s32 s5, $0x0;
	s5 =	sld [smem:$0x3FAF]  }
0x2b: {  	s6 =	sld [smem:$0x3FB0]  }
0x2c: {  	s7 =	sld [smem:$0x3FB1]  }
0x2d: {  	s3 =	simm.s32 $0x108;
	s8 =	sld [smem:$0x3FB2]  }
0x2e: {  	s3 =	simm.s32 @!p0 $0x1082;
	s9 =	sld [smem:$0x3FB3]  }
0x2f: {  	lr =	sadd.s32 s0, s3;
	s0 =	sld [smem:$0x3FAA]  }
0x30: {  	s3 =	sld [smem:$0x3FAD]  }
0x31: {  	[smem:$0x3FB6] =	sst s10  }
0x32: {  	s10 =	sld [smem:$0x3FB4];
	_ =	sdelay $0x3  }
0x33: {  	p0 =	seq.s32 s10, $0x1;
	s10 =	sld [smem:$0x3FB6];
	_ =	sdelay $0x3  }
0x34: {  	[smem:$0x3FB6] =	sst s10  }
0x35: {  	s10 =	sld [smem:$0x3FB5];
	_ =	sdelay $0x3  }
0x36: {  	p1 =	seq.s32 s10, $0x1;
	s10 =	sld [smem:$0x3FB6];
	_ =	sdelay $0x3  }
0x37: {  	[smem:$0x3FB6] =	sst s10  }
0x38: {  	s10 =	sld [smem:$0x3FB7]  }
0x39: {  	_ = 	snop;
	(pc) =	sbr.ind lr, $3  }
0x3a: {  	_ = 	snop  }
0x3b: {  	_ = 	snop  }
0x3c: {  	p2 =	seq.s32 s10, $0x1;
	s10 =	sld [smem:$0x3FB6]  }
0x3d: {  	_ =	shalt  }
0x3e: {  	_ =	shalt  }
0x3f: {  	_ =	shalt  }
0x40: {  	_ =	shalt  }
0x41: {  	_ =	shalt  }
0x42: {  	_ =	shalt  }
0x43: {  	_ =	shalt  }
0x44: {  	_ =	shalt  }
0x45: {  	_ =	shalt  }
0x46: {  	_ =	shalt  }
0x47: {  	_ =	shalt  }
0x48: {  	_ =	shalt  }
0x49: {  	_ =	shalt  }
0x4a: {  	_ =	shalt  }
0x4b: {  	_ =	shalt  }
0x4c: {  	_ =	shalt  }
0x4d: {  	_ =	shalt  }
0x4e: {  	_ =	shalt  }
0x4f: {  	_ =	shalt  }
0x50: {  	_ =	shalt  }
0x51: {  	_ =	shalt  }
0x52: {  	_ =	shalt  }
0x53: {  	_ =	shalt  }
0x54: {  	_ =	shalt  }
0x55: {  	_ =	shalt  }
0x56: {  	_ =	shalt  }
0x57: {  	_ =	shalt  }
0x58: {  	_ =	shalt  }
0x59: {  	_ =	shalt  }
0x5a: {  	_ =	shalt  }
0x5b: {  	_ =	shalt  }
0x5c: {  	_ =	shalt  }
0x5d: {  	_ =	shalt  }
0x5e: {  	_ =	shalt  }
0x5f: {  	_ =	shalt  }
0x60: {  	_ =	shalt  }
0x61: {  	_ =	shalt  }
0x62: {  	_ =	shalt  }
0x63: {  	_ =	shalt  }
0x64: {  	_ =	shalt  }
0x65: {  	_ =	shalt  }
0x66: {  	_ =	shalt  }
0x67: {  	_ =	shalt  }
0x68: {  	_ =	shalt  }
0x69: {  	_ =	shalt  }
0x6a: {  	_ =	shalt  }
0x6b: {  	_ =	shalt  }
0x6c: {  	_ =	shalt  }
0x6d: {  	_ =	shalt  }
0x6e: {  	_ =	shalt  }
0x6f: {  	_ =	shalt  }
0x70: {  	_ =	shalt  }
0x71: {  	_ =	shalt  }
0x72: {  	_ =	shalt  }
0x73: {  	_ =	shalt  }
0x74: {  	_ =	shalt  }
0x75: {  	_ =	shalt  }
0x76: {  	_ =	shalt  }
0x77: {  	_ =	shalt  }
0x78: {  	_ =	shalt  }
0x79: {  	_ =	shalt  }
0x7a: {  	_ =	shalt  }
0x7b: {  	_ =	shalt  }
0x7c: {  	_ =	shalt  }
0x7d: {  	_ =	shalt  }
0x7e: {  	_ =	shalt  }
0x7f: {  	_ =	shalt  }
0x80: {  	_ =	shalt  }
0x81: {  	_ =	shalt  }
0x82: {  	_ =	shalt  }
0x83: {  	_ =	shalt  }
0x84: {  	_ =	shalt  }
0x85: {  	_ =	shalt  }
0x86: {  	_ =	shalt  }
0x87: {  	_ =	shalt  }
.Lfunc_end0:
.L_simem_size_0:
called_computation.2_lowered:
.L_overlay_start_0:
0x88: {  	s2 =	sld [smem:$0x3FD9]  }
0x89: {  	s3 =	sld [smem:$0x3FFE];
	_ =	sdelay $0x1  }
0x8a: {  	s1 =	srdreg.scid  }
0x8b: {  	s0 =	sand.u32 $0x1, s1  }
0x8c: {  	s17 =	sshll.u32 s0, $0xA;
	s2 =	sadd.s32 s3, s2  }
0x8d: {  	s2 =	sadd.s32 s2, s17  }
0x8e: {  	[smem:$0x3FC2] =	sst s2  }
0x8f: {  	_ = 	snop  }
0x90: {  	s2 =	sld [smem:$0x3FD0];
	(tm) =	ssettm $0x1  }
0x91: {  	s18 =	sld [smem:$0x3FFB];
	_ =	sdelay $0x3  }
0x92: {  	_ =	strace s18  }
0x93: {  	s3 =	sld [smem:$0x3FFC];
	_ =	sdelay $0x3  }
0x94: {  	_ =	strace s3  }
0x95: {  	s3 =	sld [smem:$0x3FFD];
	_ =	sdelay $0x3  }
0x96: {  	_ =	strace s3  }
0x97: {  	_ =	strace $0x8FFFFFFF  }
0x98: {  	s19 =	sld [smem:$0x3FDB];
	_ =	sdelay $0x1  }
0x99: {  	s4 =	simm.s32 $_scs_section_size  }
0x9a: {  	s5 =	simm.s32 $_size__tile_overlayer_lowered;
	s6 =	simm.s32 $_tile_overlayer_lowered  }
0x9b: {  	s22 =	simm.s32 $0x1BFF;
	s21 =	sshll.u32 s6, $0x1;
	s3 =	sadd.s32 s4, s19  }
0x9c: {  	s7 =	simm.s32 $0x0;
	s20 =	sshll.u32 s5, $0x1;
	s5 =	sadd.s32 s21, s3  }
0x9d: {  	[timem:s7], [sflag:s22] =	dma.local [hbm:s5], s20  }
0x9e: {  	_ =	swait.ge [sflag:s22], s20  }
0x9f: {  	s4 =	ssub.s32 $0x0, s20;
	[sflag:s22] =	ssyncset.done $0x0  }
0xa0: {  	[sflag:s22] =	ssyncadd.s32 s4;
	_ =	sdelay $0x1  }
0xa1: {  	s23 =	simm.s32 $0x1B8B  }
0xa2: {  	_ =	swait.ge [sflag:s23], $0x1  }
0xa3: {  	[sflag:s23] =	ssyncset.done $0x0  }
0xa4: {  	s25 =	simm.s32 $0x1B8E;
	s24 =	sld [smem:$0x3FFE];
	[sflag:s23] =	ssyncadd.s32 $0xFFFFFFFF  }
0xa5: {  	s26 =	simm.s32 $execute0_lowered;
	[smem:$0x3FD2] =	sst s25  }
0xa6: {  	s5 =	sshll.u32 s26, $0x1;
	_ =	strace $0x8000004C;
	[dreg:$0x1] =	wrdreg $0xFFFFFFFF  }
0xa7: {  	s28 =	simm.s32 $_size_execute0_lowered;
	s3 =	sadd.s32 s3, s5;
	[dreg:$0x0] =	wrdreg $0x0  }
0xa8: {  	s5 =	sshll.u32 s28, $0x1;
	[dreg:$0x2] =	wrdreg s3  }
0xa9: {  	[dreg:$0x3] =	wrdreg s5  }
0xaa: {  	[dreg:$0x4] =	wrdreg $0xC0  }
0xab: {  	_ =	task [dreg:s7], $0x5FFFF  }
0xac: {  	[dreg:$0x1] =	wrdreg $0xFFFFFFFF  }
0xad: {  	[dreg:$0x0] =	wrdreg $0x60  }
0xae: {  	[dreg:$0x2] =	wrdreg s2  }
0xaf: {  	[dreg:$0x3] =	wrdreg s24  }
0xb0: {  	[dreg:$0x4] =	wrdreg $0xBF000  }
0xb1: {  	[dreg:$0x5] =	wrdreg $0x9  }
0xb2: {  	_ =	task.clear_ibuf [dreg:s7], $0x6FFFF;
	_ =	strace $0x9000004C  }
0xb3: {  	s29 =	simm.s32 $0x9;
	_ =	strace $0x8000004E  }
0xb4: {  	_ =	swait.ge [sflag:s29], $0x1  }
0xb5: {  	[sflag:s29] =	ssyncadd.s32 $0xFFFFFFFF  }
0xb6: {  	_ =	strace $0x9000004E  }
0xb7: {  	_ =	sfence  }
0xb8: {  	s30 =	sld [smem:$0x0];
	_ =	sdelay $0x2  }
0xb9: {  	s31 =	sshll.u32 s1, $0xD;
	s1 =	sshrl.u32 s1, $0x2  }
0xba: {  	s3 =	sand.u32 $0x4000, s31;
	s1 =	sadd.s32 s1, s30  }
0xbb: {  	s0 =	sor.u32 s3, s0;
	s1 =	sshll.u32 s1, $0x11  }
0xbc: {  	s0 =	sor.u32 s1, s0  }
0xbd: {  	s0 =	sadd.s32 $0x8F2B, s0  }
0xbe: {  	[sflag:s0] =	ssyncadd.remote.s32 $0x1  }
0xbf: {  	_ =	sfence.sel $0xFFFF  }
0xc0: {  	[dreg:$0x0] =	wrdreg $0xFFFFFFFF;
	(pc) =	sbr.abs _section_cstart, $3  }
0xc1: {  	[dreg:$0x1] =	wrdreg $0xFFFFFFFF  }
0xc2: {  	_ =	task.clear_ibuf [dreg:s7], $0x2FFFF;
	_ =	strace $0x9FFFFFFF  }
0xc3: {  	(tm) =	ssettm $0x7FFFFFFF  }
tec
execute0_lowered:
.L_overlay_start_1:
0x0: {  	(tag) =	ssettag $0x1  }
0x1: {  	s2 =	rddreg [dreg:$0x0]  }
0x2: {  	s0 =	rddreg [dreg:$0x1]  }
0x3: {  	s3 =	rddreg [dreg:$0x2]  }
0x4: {  	s8 =	stileid.u32;
	s1 =	srdreg.scid;
	s4 =	simm.s32 $0x0  }
0x5: {  	s11 =	simm.s32 $0x3D;
	s28 =	simm.s32 $0x3E80;
	s5 =	smul.u32 $0x1300, s8  }
0x6: {  	s29 =	simm.s32 $0x1;
	s30 =	simm.s32 $0x3;
	s6 =	smul.u32 $0x3D00, s8  }
0x7: {  	s31 =	simm.s32 $0x2;
	s1 =	sand.u32 $0x1, s1;
	s12 =	smul.u32 $0x280, s8  }
0x8: {  	[smem:$0x7FF] =	sst s4;
	s8 =	smul.u32 $0x50000, s8;
	p0 =	seq.s32 s1, $0x0  }
0x9: {  	_ =	strace $0x8000004D;
	s18 =	ssub.s32 $0x2, s1;
	s1 =	smul.u32 $0x2800, s1  }
0xa: {  	s5 =	sadd.s32 $0x3D000, s5;
	s7 =	sshrl.u32 s18, $0x1;
	s14 =	sadd.s32 $0x80, s12  }
0xb: {  	s20 =	sshrl.u32 s8, $0x2;
	s15 =	sadd.s32 $0x100, s12;
	s16 =	sadd.s32 $0x180, s12  }
0xc: {  	s17 =	sadd.s32 $0x200, s12;
	s11 =	simm.s32 @!p0 $0x13;
	s5 =	smov.u32 @p0 s6  }
0xd: {  	s13 =	ssub.s32 s18, s7;
	s21 =	sshll.u32 s14, $0x7;
	s6 =	sadd.s32 s20, s3  }
0xe: {  	s22 =	sshll.u32 s15, $0x7;
	s9 =	sshll.u32 s16, $0x7;
	s10 =	sshll.u32 s17, $0x7  }
0xf: {  	s12 =	sadd.s32 s12, s1;
	s14 =	sadd.s32 s1, s14;
	s24 =	sadd.s32 s1, s15  }
0x10: {  	s25 =	sadd.s32 s1, s16;
	s1 =	sadd.s32 s1, s17;
	s20 =	simm.s32 $0x5  }
0x11: {  	s5 =	sshrl.u32 s5, $0x3;
	s7 =	sadd.s32 s21, s3;
	s8 =	sadd.s32 s22, s3  }
0x12: {  	s9 =	sadd.s32 s9, s3;
	s10 =	sadd.s32 s10, s3;
	s12 =	sshll.u32 s12, $0x4  }
0x13: {  	s14 =	sshll.u32 s14, $0x4;
	s26 =	sshll.u32 s25, $0x4;
	s1 =	sshll.u32 s1, $0x4  }
0x14: {  	s17 =	smax.u32 s13, $0x1;
	s21 =	simm.s32 $0x3F00;
	s22 =	simm.s32 $0x80  }
0x15: {  	s25 =	simm.s32 $0x3D80;
	s5 =	sadd.s32 s5, s0;
	s0 =	sadd.s32 $0xC200, s0  }
0x16: {  	s19 =	sadd.s32 $0x5C200, s5;
	s12 =	sadd.s32 s0, s12;
	s23 =	sadd.s32 s0, s14  }
0x17: {  	s15 =	sadd.s32 s0, s26;
	s16 =	sadd.s32 s0, s1;
	s13 =	sadd.s32 $0x2200, s5  }
0x18: {  	s14 =	sadd.s32 $0x2210, s5;
	s26 =	simm.s32 $0x7F00;
	[dreg:$0x4] =	wrdreg s19  }
0x19: {  	s1 =	simm.s32 $0x0;
	[dreg:$0x5] =	wrdreg s12;
	s12 =	sshll.u32 s24, $0x4  }
0x1a: {  	[dreg:$0x6] =	wrdreg s23;
	s23 =	simm.s32 $0x3D00;
	s12 =	sadd.s32 s0, s12  }
0x1b: {  	v0 =	vimm.f32 $0.0e+00;
	s24 =	simm.s32 $0x3E00;
	s0 =	simm.s32 $0x4;
	[dreg:$0x7] =	wrdreg s12  }
.LBB2_1:
0x1c: {  	s5 =	rddreg [dreg:$0x4]  }
0x1d: {  	[tilespmem:s4], [sflag:$0x5] =	stream.linear.gather [hbm4b:s5+s4], $0x3D00, $0x38;
	[tilespmem:$0x1FF00] =	vst v63  }
0x1e: {  	_ =	swait.ge [sflag:s20], $0x3D00  }
0x1f: {  	[sflag:s20] =	ssyncset.done $0x0  }
0x20: {  	s12 =	simm.s32 $0x200;
	s5 =	simm.s32 $0x0;
	[sflag:s20] =	ssyncadd.s32 $0xFFFFC300  }
.LBB2_2:
0x21: {  	p0 =	sne.s32 s12, $0xFE00;
	[tilespmem:s5+$0x3F70] =	vst v0  }
0x22: {  	[tilespmem:s5+$0x3F00] =	vst v0  }
0x23: {  	[tilespmem:s5+$0x3F10] =	vst v0  }
.Ltmp0:
0x24: {  	[tilespmem:s5+$0x3F20] =	vst v0;
	(pc) =	sbr.rel @p0 .LBB2_2-.Ltmp0, $4  }
0x25: {  	[tilespmem:s5+$0x3F30] =	vst v0  }
0x26: {  	[tilespmem:s5+$0x3F40] =	vst v0  }
0x27: {  	[tilespmem:s5+$0x3F50] =	vst v0  }
0x28: {  	[tilespmem:s5+$0x3F60] =	vst v0;
	s5 =	sshra.s32 s12, $0x2;
	s12 =	sadd.s32 $0x200, s12  }
0x29: {  	[tilespmem:s5+$0x3F70] =	vst v0  }
0x2a: {  	[tilespmem:s5+$0x3F00] =	vst v0  }
0x2b: {  	[tilespmem:s5+$0x3F10] =	vst v0  }
0x2c: {  	[tilespmem:s5+$0x3F20] =	vst v0  }
0x2d: {  	[tilespmem:s5+$0x3F30] =	vst v0  }
0x2e: {  	[tilespmem:s5+$0x3F40] =	vst v0  }
0x2f: {  	[tilespmem:s5+$0x3F50] =	vst v0  }
0x30: {  	[tilespmem:s5+$0x3F60] =	vst v0  }
0x31: {  	[spmem:s6] =	stream.linear.scatter [tilespmem:s21], [sflag:$0x5], $0x4000, $0x38;
	[tilespmem:$0x1FF00] =	vst v63  }
0x32: {  	_ =	swait.ge [sflag:s20], $0x4000  }
0x33: {  	[sflag:s20] =	ssyncset.done $0x0  }
0x34: {  	[sflag:s20] =	ssyncadd.s32 $0xFFFFC000  }
0x35: {  	[spmem:s7] =	stream.linear.scatter [tilespmem:s21], [sflag:$0x5], $0x4000, $0x38;
	[tilespmem:$0x1FF00] =	vst v63  }
0x36: {  	_ =	swait.ge [sflag:s20], $0x4000  }
0x37: {  	[sflag:s20] =	ssyncset.done $0x0  }
0x38: {  	[sflag:s20] =	ssyncadd.s32 $0xFFFFC000  }
0x39: {  	[spmem:s8] =	stream.linear.scatter [tilespmem:s21], [sflag:$0x5], $0x4000, $0x38;
	[tilespmem:$0x1FF00] =	vst v63  }
0x3a: {  	_ =	swait.ge [sflag:s20], $0x4000  }
0x3b: {  	[sflag:s20] =	ssyncset.done $0x0  }
0x3c: {  	[sflag:s20] =	ssyncadd.s32 $0xFFFFC000  }
0x3d: {  	[spmem:s9] =	stream.linear.scatter [tilespmem:s21], [sflag:$0x5], $0x4000, $0x38;
	[tilespmem:$0x1FF00] =	vst v63  }
0x3e: {  	_ =	swait.ge [sflag:s20], $0x4000  }
0x3f: {  	[sflag:s20] =	ssyncset.done $0x0  }
0x40: {  	[sflag:s20] =	ssyncadd.s32 $0xFFFFC000  }
0x41: {  	[spmem:s10] =	stream.linear.scatter [tilespmem:s21], [sflag:$0x5], $0x4000, $0x38;
	[tilespmem:$0x1FF00] =	vst v63  }
0x42: {  	_ =	swait.ge [sflag:s20], $0x4000  }
0x43: {  	[sflag:s20] =	ssyncset.done $0x0  }
0x44: {  	[sflag:s20] =	ssyncadd.s32 $0xFFFFC000  }
0x45: {  	s19 =	simm.s32 $0x80;
	[bflag:$0x0] =	sbarrier.arrive $0xFFFF  }
0x46: {  	v1 =	vld [tilespmem:s19+$0xFFFFFF80];
	_ =	sdelay $0x4  }
0x47: {  	[tilespmem:$0x3D00] =	vst v1  }
0x48: {  	v1 =	vld [tilespmem:s19+$0xFFFFFF90];
	_ =	sdelay $0x4  }
0x49: {  	[tilespmem:$0x3D10] =	vst v1  }
0x4a: {  	v1 =	vld [tilespmem:s19+$0xFFFFFFA0];
	_ =	sdelay $0x4  }
0x4b: {  	[tilespmem:$0x3D20] =	vst v1  }
0x4c: {  	v1 =	vld [tilespmem:s19+$0xFFFFFFB0];
	_ =	sdelay $0x4  }
0x4d: {  	[tilespmem:$0x3D30] =	vst v1  }
0x4e: {  	v1 =	vld [tilespmem:s19+$0xFFFFFFC0];
	_ =	sdelay $0x4  }
0x4f: {  	[tilespmem:$0x3D40] =	vst v1  }
0x50: {  	v1 =	vld [tilespmem:s19+$0xFFFFFFD0];
	_ =	sdelay $0x4  }
0x51: {  	[tilespmem:$0x3D50] =	vst v1  }
0x52: {  	v1 =	vld [tilespmem:s19+$0xFFFFFFE0];
	_ =	sdelay $0x4  }
0x53: {  	[tilespmem:$0x3D60] =	vst v1  }
0x54: {  	v1 =	vld [tilespmem:s19+$0xFFFFFFF0];
	_ =	sdelay $0x4  }
0x55: {  	[tilespmem:$0x3D70] =	vst v1  }
0x56: {  	[tilespmem:s21], [sflag:$0x1] =	stream.indirect.gather [hbm4b:s2+s22], $0x80, s23, s22, $0xb8;
	[tilespmem:$0x1FF00] =	vst v63  }
0x57: {  	_ = 	snop  }
0x58: {  	[tilespmem:s24], [sflag:$0x3] =	stream.linear.gather [hbm4b:s13+s4], $0x80, $0x38;
	[tilespmem:$0x1FF00] =	vst v63  }
0x59: {  	v1 =	vld [tilespmem:s19+$0x0];
	_ =	sdelay $0x4  }
0x5a: {  	[tilespmem:$0x3D80] =	vst v1  }
0x5b: {  	v1 =	vld [tilespmem:s19+$0x10];
	_ =	sdelay $0x4  }
0x5c: {  	[tilespmem:$0x3D90] =	vst v1  }
0x5d: {  	v1 =	vld [tilespmem:s19+$0x20];
	_ =	sdelay $0x4  }
0x5e: {  	[tilespmem:$0x3DA0] =	vst v1  }
0x5f: {  	v1 =	vld [tilespmem:s19+$0x30];
	_ =	sdelay $0x4  }
0x60: {  	[tilespmem:$0x3DB0] =	vst v1  }
0x61: {  	v1 =	vld [tilespmem:s19+$0x40];
	_ =	sdelay $0x4  }
0x62: {  	[tilespmem:$0x3DC0] =	vst v1  }
0x63: {  	v1 =	vld [tilespmem:s19+$0x50];
	_ =	sdelay $0x4  }
0x64: {  	[tilespmem:$0x3DD0] =	vst v1  }
0x65: {  	v1 =	vld [tilespmem:s19+$0x60];
	_ =	sdelay $0x4  }
0x66: {  	[tilespmem:$0x3DE0] =	vst v1  }
0x67: {  	v1 =	vld [tilespmem:s19+$0x70];
	_ =	sdelay $0x4  }
0x68: {  	[tilespmem:$0x3DF0] =	vst v1  }
0x69: {  	[tilespmem:s26], [sflag:$0x2] =	stream.indirect.gather [hbm4b:s2+s22], $0x80, s25, s22, $0xb8;
	[tilespmem:$0x1FF00] =	vst v63  }
0x6a: {  	_ = 	snop  }
0x6b: {  	[tilespmem:s28], [sflag:$0x4] =	stream.linear.gather [hbm4b:s14+s4], $0x80, $0x38;
	[tilespmem:$0x1FF00] =	vst v63  }
0x6c: {  	_ =	swait.ge [sflag:s29], $0x4000  }
0x6d: {  	[sflag:s29] =	ssyncset.done $0x0  }
0x6e: {  	[sflag:s29] =	ssyncadd.s32 $0xFFFFC000  }
0x6f: {  	_ =	swait.ge [sflag:s30], $0x80  }
0x70: {  	[sflag:s30] =	ssyncset.done $0x0  }
0x71: {  	[sflag:s30] =	ssyncadd.s32 $0xFFFFFF80  }
0x72: {  	[spmem:s3] =	stream.indirect.scatter.add.f32 [tilespmem:s21], [sflag:$0x5], $0x80, s24, s22, $0xb8;
	[tilespmem:$0x1FF00] =	vst v63  }
0x73: {  	_ =	swait.ge [sflag:s20], $0x4000  }
0x74: {  	[sflag:s20] =	ssyncset.done $0x0  }
0x75: {  	[sflag:s20] =	ssyncadd.s32 $0xFFFFC000  }
0x76: {  	_ =	swait.ge [sflag:s31], $0x4000  }
0x77: {  	[sflag:s31] =	ssyncset.done $0x0  }
0x78: {  	[sflag:s31] =	ssyncadd.s32 $0xFFFFC000  }
0x79: {  	p0 =	sne.s32 s11, $0x1;
	_ =	swait.ge [sflag:s0], $0x80  }
.Ltmp1:
0x7a: {  	[sflag:s0] =	ssyncset.done $0x0;
	(pc) =	sbr.rel @!p0 .LBB2_5-.Ltmp1, $4  }
0x7b: {  	[sflag:s0] =	ssyncadd.s32 $0xFFFFFF80  }
0x7c: {  	[spmem:s3] =	stream.indirect.scatter.add.f32 [tilespmem:s26], [sflag:$0x5], $0x80, s28, s22, $0xb8;
	[tilespmem:$0x1FF00] =	vst v63  }
0x7d: {  	s5 =	sadd.s32 $0xFFFFFFFF, s11;
	s12 =	simm.s32 $0x180;
	_ =	swait.ge [sflag:s20], $0x4000  }
0x7e: {  	s18 =	smov.u32 s13;
	s19 =	smov.u32 s14;
	[sflag:s20] =	ssyncset.done $0x0  }
.LBB2_4:
0x7f: {  	[sflag:s20] =	ssyncadd.s32 $0xFFFFC000;
	s18 =	sadd.s32 $0x20, s18;
	s19 =	sadd.s32 $0x20, s19  }
0x80: {  	p0 =	sne.s32 s5, $0x1;
	s5 =	sadd.s32 $0xFFFFFFFF, s5;
	v1 =	vld [tilespmem:s12+$0xFFFFFF80];
	_ =	sdelay $0x4  }
0x81: {  	[tilespmem:$0x3D00] =	vst v1  }
0x82: {  	v1 =	vld [tilespmem:s12+$0xFFFFFF90];
	_ =	sdelay $0x4  }
0x83: {  	[tilespmem:$0x3D10] =	vst v1  }
0x84: {  	v1 =	vld [tilespmem:s12+$0xFFFFFFA0];
	_ =	sdelay $0x4  }
0x85: {  	[tilespmem:$0x3D20] =	vst v1  }
0x86: {  	v1 =	vld [tilespmem:s12+$0xFFFFFFB0];
	_ =	sdelay $0x4  }
0x87: {  	[tilespmem:$0x3D30] =	vst v1  }
0x88: {  	v1 =	vld [tilespmem:s12+$0xFFFFFFC0];
	_ =	sdelay $0x4  }
0x89: {  	[tilespmem:$0x3D40] =	vst v1  }
0x8a: {  	v1 =	vld [tilespmem:s12+$0xFFFFFFD0];
	_ =	sdelay $0x4  }
0x8b: {  	[tilespmem:$0x3D50] =	vst v1  }
0x8c: {  	v1 =	vld [tilespmem:s12+$0xFFFFFFE0];
	_ =	sdelay $0x4  }
0x8d: {  	[tilespmem:$0x3D60] =	vst v1  }
0x8e: {  	v1 =	vld [tilespmem:s12+$0xFFFFFFF0];
	_ =	sdelay $0x4  }
0x8f: {  	[tilespmem:$0x3D70] =	vst v1  }
0x90: {  	[tilespmem:s21], [sflag:$0x1] =	stream.indirect.gather [hbm4b:s2+s22], $0x80, s23, s22, $0xb8;
	[tilespmem:$0x1FF00] =	vst v63  }
0x91: {  	_ = 	snop  }
0x92: {  	[tilespmem:s24], [sflag:$0x3] =	stream.linear.gather [hbm4b:s18+s4], $0x80, $0x38;
	[tilespmem:$0x1FF00] =	vst v63  }
0x93: {  	v1 =	vld [tilespmem:s12+$0x0];
	_ =	sdelay $0x4  }
0x94: {  	[tilespmem:$0x3D80] =	vst v1  }
0x95: {  	v1 =	vld [tilespmem:s12+$0x10];
	_ =	sdelay $0x4  }
0x96: {  	[tilespmem:$0x3D90] =	vst v1  }
0x97: {  	v1 =	vld [tilespmem:s12+$0x20];
	_ =	sdelay $0x4  }
0x98: {  	[tilespmem:$0x3DA0] =	vst v1  }
0x99: {  	v1 =	vld [tilespmem:s12+$0x30];
	_ =	sdelay $0x4  }
0x9a: {  	[tilespmem:$0x3DB0] =	vst v1  }
0x9b: {  	v1 =	vld [tilespmem:s12+$0x40];
	_ =	sdelay $0x4  }
0x9c: {  	[tilespmem:$0x3DC0] =	vst v1  }
0x9d: {  	v1 =	vld [tilespmem:s12+$0x50];
	_ =	sdelay $0x4  }
0x9e: {  	[tilespmem:$0x3DD0] =	vst v1  }
0x9f: {  	v1 =	vld [tilespmem:s12+$0x60];
	_ =	sdelay $0x4  }
0xa0: {  	[tilespmem:$0x3DE0] =	vst v1  }
0xa1: {  	v1 =	vld [tilespmem:s12+$0x70];
	_ =	sdelay $0x4  }
0xa2: {  	[tilespmem:$0x3DF0] =	vst v1  }
0xa3: {  	[tilespmem:s26], [sflag:$0x2] =	stream.indirect.gather [hbm4b:s2+s22], $0x80, s25, s22, $0xb8;
	[tilespmem:$0x1FF00] =	vst v63  }
0xa4: {  	_ = 	snop  }
0xa5: {  	[tilespmem:s28], [sflag:$0x4] =	stream.linear.gather [hbm4b:s19+s4], $0x80, $0x38;
	[tilespmem:$0x1FF00] =	vst v63  }
0xa6: {  	_ =	swait.ge [sflag:s29], $0x4000  }
0xa7: {  	[sflag:s29] =	ssyncset.done $0x0  }
0xa8: {  	[sflag:s29] =	ssyncadd.s32 $0xFFFFC000  }
0xa9: {  	_ =	swait.ge [sflag:s30], $0x80  }
0xaa: {  	[sflag:s30] =	ssyncset.done $0x0  }
0xab: {  	[sflag:s30] =	ssyncadd.s32 $0xFFFFFF80  }
0xac: {  	[spmem:s3] =	stream.indirect.scatter.add.f32 [tilespmem:s21], [sflag:$0x5], $0x80, s24, s22, $0xb8;
	[tilespmem:$0x1FF00] =	vst v63  }
0xad: {  	_ =	swait.ge [sflag:s20], $0x4000  }
0xae: {  	[sflag:s20] =	ssyncset.done $0x0  }
0xaf: {  	[sflag:s20] =	ssyncadd.s32 $0xFFFFC000  }
0xb0: {  	_ =	swait.ge [sflag:s31], $0x4000  }
0xb1: {  	[sflag:s31] =	ssyncset.done $0x0  }
0xb2: {  	[sflag:s31] =	ssyncadd.s32 $0xFFFFC000  }
0xb3: {  	_ =	swait.ge [sflag:s0], $0x80  }
.Ltmp2:
0xb4: {  	[sflag:s0] =	ssyncset.done $0x0;
	(pc) =	sbr.rel @p0 .LBB2_4-.Ltmp2, $4  }
0xb5: {  	[sflag:s0] =	ssyncadd.s32 $0xFFFFFF80  }
0xb6: {  	[spmem:s3] =	stream.indirect.scatter.add.f32 [tilespmem:s26], [sflag:$0x5], $0x80, s28, s22, $0xb8;
	[tilespmem:$0x1FF00] =	vst v63  }
0xb7: {  	_ =	swait.ge [sflag:s20], $0x4000  }
0xb8: {  	s12 =	sadd.s32 $0x100, s12;
	[sflag:s20] =	ssyncset.done $0x0  }
.LBB2_5:
0xb9: {  	[sflag:s20] =	ssyncadd.s32 $0xFFFFC000  }
0xba: {  	[bflag:$0x0] =	sbarrier.arrive $0xFFFF  }
0xbb: {  	[tilespmem:s21], [sflag:$0x5] =	stream.linear.gather [spmem:s6], $0x4000, $0x38;
	[tilespmem:$0x1FF00] =	vst v63  }
0xbc: {  	_ =	swait.ge [sflag:s20], $0x4000  }
0xbd: {  	[sflag:s20] =	ssyncset.done $0x0  }
0xbe: {  	s5 =	rddreg [dreg:$0x5];
	[sflag:s20] =	ssyncadd.s32 $0xFFFFC000  }
0xbf: {  	[hbm4b:s5+s4] =	stream.linear.scatter [tilespmem:s21], [sflag:$0x5], $0x4000, $0x38;
	[tilespmem:$0x1FF00] =	vst v63  }
0xc0: {  	_ =	swait.ge [sflag:s20], $0x4000  }
0xc1: {  	[sflag:s20] =	ssyncset.done $0x0  }
0xc2: {  	[sflag:s20] =	ssyncadd.s32 $0xFFFFC000  }
0xc3: {  	[tilespmem:s21], [sflag:$0x5] =	stream.linear.gather [spmem:s7], $0x4000, $0x38;
	[tilespmem:$0x1FF00] =	vst v63  }
0xc4: {  	_ =	swait.ge [sflag:s20], $0x4000  }
0xc5: {  	[sflag:s20] =	ssyncset.done $0x0  }
0xc6: {  	s18 =	rddreg [dreg:$0x6];
	[sflag:s20] =	ssyncadd.s32 $0xFFFFC000  }
0xc7: {  	[hbm4b:s18+s4] =	stream.linear.scatter [tilespmem:s21], [sflag:$0x5], $0x4000, $0x38;
	[tilespmem:$0x1FF00] =	vst v63  }
0xc8: {  	_ =	swait.ge [sflag:s20], $0x4000  }
0xc9: {  	[sflag:s20] =	ssyncset.done $0x0  }
0xca: {  	[sflag:s20] =	ssyncadd.s32 $0xFFFFC000  }
0xcb: {  	[tilespmem:s21], [sflag:$0x5] =	stream.linear.gather [spmem:s8], $0x4000, $0x38;
	[tilespmem:$0x1FF00] =	vst v63  }
0xcc: {  	_ =	swait.ge [sflag:s20], $0x4000  }
0xcd: {  	[sflag:s20] =	ssyncset.done $0x0  }
0xce: {  	s19 =	rddreg [dreg:$0x7];
	[sflag:s20] =	ssyncadd.s32 $0xFFFFC000  }
0xcf: {  	[hbm4b:s19+s4] =	stream.linear.scatter [tilespmem:s21], [sflag:$0x5], $0x4000, $0x38;
	[tilespmem:$0x1FF00] =	vst v63  }
0xd0: {  	_ =	swait.ge [sflag:s20], $0x4000  }
0xd1: {  	[sflag:s20] =	ssyncset.done $0x0  }
0xd2: {  	[sflag:s20] =	ssyncadd.s32 $0xFFFFC000  }
0xd3: {  	[tilespmem:s21], [sflag:$0x5] =	stream.linear.gather [spmem:s9], $0x4000, $0x38;
	[tilespmem:$0x1FF00] =	vst v63  }
0xd4: {  	_ =	swait.ge [sflag:s20], $0x4000  }
0xd5: {  	[sflag:s20] =	ssyncset.done $0x0  }
0xd6: {  	[sflag:s20] =	ssyncadd.s32 $0xFFFFC000  }
0xd7: {  	[hbm4b:s15+s4] =	stream.linear.scatter [tilespmem:s21], [sflag:$0x5], $0x4000, $0x38;
	[tilespmem:$0x1FF00] =	vst v63  }
0xd8: {  	_ =	swait.ge [sflag:s20], $0x4000  }
0xd9: {  	[sflag:s20] =	ssyncset.done $0x0  }
0xda: {  	[sflag:s20] =	ssyncadd.s32 $0xFFFFC000  }
0xdb: {  	[tilespmem:s21], [sflag:$0x5] =	stream.linear.gather [spmem:s10], $0x4000, $0x38;
	[tilespmem:$0x1FF00] =	vst v63  }
0xdc: {  	s1 =	sadd.s32 $0x1, s1;
	_ =	swait.ge [sflag:s20], $0x4000  }
0xdd: {  	p0 =	sne.s32 s1, s17;
	[sflag:s20] =	ssyncset.done $0x0  }
.Ltmp3:
0xde: {  	[sflag:s20] =	ssyncadd.s32 $0xFFFFC000;
	(pc) =	sbr.rel @p0 .LBB2_1-.Ltmp3, $4  }
0xdf: {  	[hbm4b:s16+s4] =	stream.linear.scatter [tilespmem:s21], [sflag:$0x5], $0x4000, $0x38;
	[tilespmem:$0x1FF00] =	vst v63  }
0xe0: {  	_ =	swait.ge [sflag:s20], $0x4000  }
0xe1: {  	[sflag:s20] =	ssyncset.done $0x0  }
0xe2: {  	[sflag:s20] =	ssyncadd.s32 $0xFFFFC000  }
0xe3: {  	_ =	sfence.sel $0x180000  }
0xe4: {  	[bflag:$0x0] =	sbarrier.arrive $0xFFFF  }
0xe5: {  	_ =	strace $0x9000004D  }
0xe6: {  	s0 =	stileid.u32;
	[bflag:$0x2] =	sbarrier.arrive $0xFFFF  }
0xe7: {  	p0 =	sne.s32 s0, $0x0;
	s0 =	rddreg [dreg:$0x3]  }
0xe8: {  	s0 =	sadd.s32 @!p0 $0x100000, s0  }
0xe9: {  	[sflag:s0] =	ssyncadd.tile.s32 @!p0 $0x1;
	_ =	shalt  }
.Lfunc_end2:
_tile_overlayer_lowered:
.L_overlay_start_2:
0xea: {  	(tag) =	ssettag $0x2  }
0xeb: {  	s0 =	rddreg [dreg:$0x0];
	s2 =	stileid.u32  }
0xec: {  	s1 =	rddreg [dreg:$0x1];
	p0 =	sne.s32 s2, $0x0  }
0xed: {  	s3 =	rddreg [dreg:$0x2];
	[bflag:$0x3] =	sbarrier.arrive $0xFFFF;
	s2 =	simm.s32 @!p0 $0x1C05  }
0xee: {  	[timem:s3], [sflag:s2] =	dma.local @!p0 [hbm:s0], s1  }
0xef: {  	s0 =	simm.s32 @!p0 $0x5  }
0xf0: {  	_ =	swait.ge @!p0 [sflag:s0], s1  }
0xf1: {  	s1 =	ssub.s32 @!p0 $0x0, s1;
	[sflag:s0] =	ssyncset.done @!p0 $0x0  }
0xf2: {  	[sflag:s0] =	ssyncadd.s32 @!p0 s1  }
0xf3: {  	[bflag:$0x3] =	sbarrier.arrive $0xFFFF  }
0xf4: {  	_ =	shalt  }

// kernel: kernel.8.cloned.1.call-start
scs
__scs_entry_jumppad:
0x0: {  	(pc) =	sbr.rel $0x88, $3  }
0x1: {  	(tag) =	ssettag $0x0;
	lr =	simm.s32 $0x1  }
0x2: {  	[smem:$0x3F9B] =	sst lr;
	_ =	strace $0xD0000000  }
0x3: {  	_ = 	snop  }
0x4: {  	_ = 	snop  }
0x5: {  	_ = 	snop  }
0x6: {  	_ = 	snop  }
0x7: {  	_ = 	snop  }
__scs_overlays_trampoline_lowered:
0x8: {  	[smem:$0x3FAA] =	sst s0  }
0x9: {  	[smem:$0x3FAB] =	sst s1  }
0xa: {  	[smem:$0x3FAC] =	sst s2  }
0xb: {  	[smem:$0x3FAD] =	sst s3  }
0xc: {  	[smem:$0x3FAE] =	sst s4  }
0xd: {  	[smem:$0x3FAF] =	sst s5  }
0xe: {  	[smem:$0x3FB0] =	sst s6  }
0xf: {  	[smem:$0x3FB1] =	sst s7  }
0x10: {  	[smem:$0x3FB2] =	sst s8  }
0x11: {  	[smem:$0x3FB3] =	sst s9;
	s0 =	simm.s32 @!p0 $0x0  }
0x12: {  	s1 =	sld [smem:$0x3F99];
	s0 =	simm.s32 @p0 $0x1  }
0x13: {  	[smem:$0x3FB4] =	sst s0;
	s0 =	simm.s32 @!p1 $0x0  }
0x14: {  	s2 =	sld [smem:$0x3F98];
	s0 =	simm.s32 @p1 $0x1  }
0x15: {  	[smem:$0x3FB5] =	sst s0;
	s0 =	simm.s32 @!p2 $0x0  }
0x16: {  	s3 =	sld [smem:$0x3FDB];
	s0 =	simm.s32 @p2 $0x1  }
0x17: {  	s4 =	simm.s32 $0x1BF5;
	[smem:$0x3FB7] =	sst s0  }
0x18: {  	s0 =	sld [smem:$0x3F9A];
	_ =	swait.ge [sflag:s4], $0x0  }
0x19: {  	s7 =	sld [smem:$0x3F9B]  }
0x1a: {  	s8 =	sadd.s32 $0xFFFFE003, lr  }
0x1b: {  	s9 =	sadd.s32 $0xFFFFFEF7, lr;
	s5 =	simm.s32 $0xFFFFFFFF;
	p2 =	slt.u32 s8, $0xFFFFF086  }
0x1c: {  	p1 =	slt.u32 s9, $0xF7A;
	s5 =	simm.s32 @!p2 $0x0  }
0x1d: {  	s5 =	simm.s32 @p1 $0x1;
	p0 =	seq.s32 s7, s2  }
0x1e: {  	s7 =	smul.u32 @!p0 $0xF7A, s2;
	p2 =	seq.s32 @!p0 s5, $0x0  }
0x1f: {  	s9 =	smul.u32 $0xF7A, s1;
	s8 =	simm.s32 @!p0 $0x1BF5;
	p2 =	por !p2, p0  }
0x20: {  	[sflag:s8] =	ssyncset.s32 @!p0 $0xFFFFF086;
	s6 =	sadd.s32 @!p0 s3, s7;
	s7 =	simm.s32 @!p0 $0x108  }
0x21: {  	s3 =	sadd.s32 s3, s9;
	s6 =	sadd.s32 @!p0 $0x88, s6;
	s7 =	simm.s32 @p2 $0x1082  }
0x22: {  	[simem:s7], [sflag:s8] =	dma.local @!p0 [hbm:s6], $0xF7A  }
0x23: {  	s9 =	sor.u32 $0xD0000000, s2;
	s6 =	simm.s32 $0x108;
	_ =	swait.ge @!p0 [sflag:s8], $0x0  }
0x24: {  	s3 =	sadd.s32 $0x88, s3;
	s6 =	simm.s32 @!p1 $0x1082;
	[sflag:s4] =	ssyncset.s32 $0xFFFFF086  }
0x25: {  	[simem:s6], [sflag:s4] =	dma.local [hbm:s3], $0xF7A  }
0x26: {  	[smem:$0x3F9B] =	sst s1;
	(tag) =	ssettag s2;
	_ =	strace s9  }
0x27: {  	s1 =	sld [smem:$0x3FAB]  }
0x28: {  	s2 =	sld [smem:$0x3FAC]  }
0x29: {  	s4 =	sld [smem:$0x3FAE]  }
0x2a: {  	p0 =	seq.s32 s5, $0x0;
	s5 =	sld [smem:$0x3FAF]  }
0x2b: {  	s6 =	sld [smem:$0x3FB0]  }
0x2c: {  	s7 =	sld [smem:$0x3FB1]  }
0x2d: {  	s3 =	simm.s32 $0x108;
	s8 =	sld [smem:$0x3FB2]  }
0x2e: {  	s3 =	simm.s32 @!p0 $0x1082;
	s9 =	sld [smem:$0x3FB3]  }
0x2f: {  	lr =	sadd.s32 s0, s3;
	s0 =	sld [smem:$0x3FAA]  }
0x30: {  	s3 =	sld [smem:$0x3FAD]  }
0x31: {  	[smem:$0x3FB6] =	sst s10  }
0x32: {  	s10 =	sld [smem:$0x3FB4];
	_ =	sdelay $0x3  }
0x33: {  	p0 =	seq.s32 s10, $0x1;
	s10 =	sld [smem:$0x3FB6];
	_ =	sdelay $0x3  }
0x34: {  	[smem:$0x3FB6] =	sst s10  }
0x35: {  	s10 =	sld [smem:$0x3FB5];
	_ =	sdelay $0x3  }
0x36: {  	p1 =	seq.s32 s10, $0x1;
	s10 =	sld [smem:$0x3FB6];
	_ =	sdelay $0x3  }
0x37: {  	[smem:$0x3FB6] =	sst s10  }
0x38: {  	s10 =	sld [smem:$0x3FB7]  }
0x39: {  	_ = 	snop;
	(pc) =	sbr.ind lr, $3  }
0x3a: {  	_ = 	snop  }
0x3b: {  	_ = 	snop  }
0x3c: {  	p2 =	seq.s32 s10, $0x1;
	s10 =	sld [smem:$0x3FB6]  }
0x3d: {  	_ =	shalt  }
0x3e: {  	_ =	shalt  }
0x3f: {  	_ =	shalt  }
0x40: {  	_ =	shalt  }
0x41: {  	_ =	shalt  }
0x42: {  	_ =	shalt  }
0x43: {  	_ =	shalt  }
0x44: {  	_ =	shalt  }
0x45: {  	_ =	shalt  }
0x46: {  	_ =	shalt  }
0x47: {  	_ =	shalt  }
0x48: {  	_ =	shalt  }
0x49: {  	_ =	shalt  }
0x4a: {  	_ =	shalt  }
0x4b: {  	_ =	shalt  }
0x4c: {  	_ =	shalt  }
0x4d: {  	_ =	shalt  }
0x4e: {  	_ =	shalt  }
0x4f: {  	_ =	shalt  }
0x50: {  	_ =	shalt  }
0x51: {  	_ =	shalt  }
0x52: {  	_ =	shalt  }
0x53: {  	_ =	shalt  }
0x54: {  	_ =	shalt  }
0x55: {  	_ =	shalt  }
0x56: {  	_ =	shalt  }
0x57: {  	_ =	shalt  }
0x58: {  	_ =	shalt  }
0x59: {  	_ =	shalt  }
0x5a: {  	_ =	shalt  }
0x5b: {  	_ =	shalt  }
0x5c: {  	_ =	shalt  }
0x5d: {  	_ =	shalt  }
0x5e: {  	_ =	shalt  }
0x5f: {  	_ =	shalt  }
0x60: {  	_ =	shalt  }
0x61: {  	_ =	shalt  }
0x62: {  	_ =	shalt  }
0x63: {  	_ =	shalt  }
0x64: {  	_ =	shalt  }
0x65: {  	_ =	shalt  }
0x66: {  	_ =	shalt  }
0x67: {  	_ =	shalt  }
0x68: {  	_ =	shalt  }
0x69: {  	_ =	shalt  }
0x6a: {  	_ =	shalt  }
0x6b: {  	_ =	shalt  }
0x6c: {  	_ =	shalt  }
0x6d: {  	_ =	shalt  }
0x6e: {  	_ =	shalt  }
0x6f: {  	_ =	shalt  }
0x70: {  	_ =	shalt  }
0x71: {  	_ =	shalt  }
0x72: {  	_ =	shalt  }
0x73: {  	_ =	shalt  }
0x74: {  	_ =	shalt  }
0x75: {  	_ =	shalt  }
0x76: {  	_ =	shalt  }
0x77: {  	_ =	shalt  }
0x78: {  	_ =	shalt  }
0x79: {  	_ =	shalt  }
0x7a: {  	_ =	shalt  }
0x7b: {  	_ =	shalt  }
0x7c: {  	_ =	shalt  }
0x7d: {  	_ =	shalt  }
0x7e: {  	_ =	shalt  }
0x7f: {  	_ =	shalt  }
0x80: {  	_ =	shalt  }
0x81: {  	_ =	shalt  }
0x82: {  	_ =	shalt  }
0x83: {  	_ =	shalt  }
0x84: {  	_ =	shalt  }
0x85: {  	_ =	shalt  }
0x86: {  	_ =	shalt  }
0x87: {  	_ =	shalt  }
.Lfunc_end0:
.L_simem_size_0:
called_computation_lowered:
.L_overlay_start_0:
0x88: {  	s2 =	sld [smem:$0x3FD9]  }
0x89: {  	s3 =	sld [smem:$0x3FFE];
	_ =	sdelay $0x1  }
0x8a: {  	s1 =	srdreg.scid  }
0x8b: {  	s0 =	sand.u32 $0x1, s1  }
0x8c: {  	s16 =	sshll.u32 s0, $0xA;
	s2 =	sadd.s32 s3, s2  }
0x8d: {  	s2 =	sadd.s32 s2, s16  }
0x8e: {  	[smem:$0x3FC2] =	sst s2  }
0x8f: {  	_ = 	snop  }
0x90: {  	(tm) =	ssettm $0x1  }
0x91: {  	s17 =	sld [smem:$0x3FFB];
	_ =	sdelay $0x3  }
0x92: {  	_ =	strace s17  }
0x93: {  	s2 =	sld [smem:$0x3FFC];
	_ =	sdelay $0x3  }
0x94: {  	_ =	strace s2  }
0x95: {  	s2 =	sld [smem:$0x3FFD];
	_ =	sdelay $0x3  }
0x96: {  	_ =	strace s2  }
0x97: {  	_ =	strace $0x8FFFFFFF  }
0x98: {  	s18 =	sld [smem:$0x3FDB];
	_ =	sdelay $0x1  }
0x99: {  	s19 =	simm.s32 $_scs_section_size  }
0x9a: {  	s4 =	simm.s32 $_size__tile_overlayer_lowered;
	s5 =	simm.s32 $_tile_overlayer_lowered  }
0x9b: {  	s22 =	simm.s32 $0x1BFF;
	s21 =	sshll.u32 s5, $0x1;
	s2 =	sadd.s32 s19, s18  }
0x9c: {  	s6 =	simm.s32 $0x0;
	s20 =	sshll.u32 s4, $0x1;
	s4 =	sadd.s32 s21, s2  }
0x9d: {  	[timem:s6], [sflag:s22] =	dma.local [hbm:s4], s20  }
0x9e: {  	_ =	swait.ge [sflag:s22], s20  }
0x9f: {  	s3 =	ssub.s32 $0x0, s20;
	[sflag:s22] =	ssyncset.done $0x0  }
0xa0: {  	[sflag:s22] =	ssyncadd.s32 s3;
	_ =	sdelay $0x1  }
0xa1: {  	s23 =	simm.s32 $0x1B8B  }
0xa2: {  	_ =	swait.ge [sflag:s23], $0x1  }
0xa3: {  	[sflag:s23] =	ssyncset.done $0x0  }
0xa4: {  	s25 =	simm.s32 $0x1B8E;
	s24 =	sld [smem:$0x3FFE];
	[sflag:s23] =	ssyncadd.s32 $0xFFFFFFFF  }
0xa5: {  	s26 =	simm.s32 $execute0_lowered;
	[smem:$0x3FD2] =	sst s25  }
0xa6: {  	s4 =	sshll.u32 s26, $0x1;
	_ =	strace $0x80000046;
	[dreg:$0x1] =	wrdreg $0xFFFFFFFF  }
0xa7: {  	s28 =	simm.s32 $_size_execute0_lowered;
	s2 =	sadd.s32 s2, s4;
	[dreg:$0x0] =	wrdreg $0x0  }
0xa8: {  	s4 =	sshll.u32 s28, $0x1;
	[dreg:$0x2] =	wrdreg s2  }
0xa9: {  	[dreg:$0x3] =	wrdreg s4  }
0xaa: {  	[dreg:$0x4] =	wrdreg $0xC0  }
0xab: {  	_ =	task [dreg:s6], $0x5FFFF  }
0xac: {  	[dreg:$0x1] =	wrdreg $0xFFFFFFFF  }
0xad: {  	[dreg:$0x0] =	wrdreg $0x60  }
0xae: {  	[dreg:$0x2] =	wrdreg s24  }
0xaf: {  	[dreg:$0x3] =	wrdreg $0x80800  }
0xb0: {  	[dreg:$0x4] =	wrdreg $0x9  }
0xb1: {  	_ =	task.clear_ibuf [dreg:s6], $0x5FFFF;
	_ =	strace $0x90000046  }
0xb2: {  	s29 =	simm.s32 $0x9;
	_ =	strace $0x80000048  }
0xb3: {  	_ =	swait.ge [sflag:s29], $0x1  }
0xb4: {  	[sflag:s29] =	ssyncadd.s32 $0xFFFFFFFF  }
0xb5: {  	_ =	strace $0x90000048  }
0xb6: {  	_ =	sfence  }
0xb7: {  	s30 =	sld [smem:$0x0];
	_ =	sdelay $0x2  }
0xb8: {  	s31 =	sshll.u32 s1, $0xD;
	s1 =	sshrl.u32 s1, $0x2  }
0xb9: {  	s3 =	sand.u32 $0x4000, s31;
	s1 =	sadd.s32 s1, s30  }
0xba: {  	s0 =	sor.u32 s3, s0;
	s1 =	sshll.u32 s1, $0x11  }
0xbb: {  	s0 =	sor.u32 s1, s0  }
0xbc: {  	s0 =	sadd.s32 $0x8F2B, s0  }
0xbd: {  	[sflag:s0] =	ssyncadd.remote.s32 $0x1  }
0xbe: {  	_ =	sfence.sel $0xFFFF  }
0xbf: {  	[dreg:$0x0] =	wrdreg $0xFFFFFFFF;
	(pc) =	sbr.abs _section_cstart, $3  }
0xc0: {  	[dreg:$0x1] =	wrdreg $0xFFFFFFFF  }
0xc1: {  	_ =	task.clear_ibuf [dreg:s6], $0x2FFFF;
	_ =	strace $0x9FFFFFFF  }
0xc2: {  	(tm) =	ssettm $0x7FFFFFFF  }
0xc3: {  	_ =	shalt  }
tec
execute0_lowered:
.L_overlay_start_1:
0x0: {  	(tag) =	ssettag $0x1  }
0x1: {  	s4 =	rddreg [dreg:$0x0]  }
0x2: {  	s2 =	rddreg [dreg:$0x1]  }
0x3: {  	s0 =	rddreg [dreg:$0x2];
	s1 =	stileid.u32  }
0x4: {  	s3 =	simm.s32 $0x0;
	s6 =	srdreg.scid;
	s5 =	smul.u32 $0xA00, s1  }
0x5: {  	s19 =	simm.s32 $0x0;
	[smem:$0x7FF] =	sst s3;
	s9 =	smul.u32 $0x280, s1  }
0x6: {  	s11 =	sand.u32 $0x1, s6;
	s7 =	smul.u32 $0x50000, s1;
	s13 =	sadd.s32 $0xC200, s4  }
0x7: {  	_ =	strace $0x80000047;
	s6 =	ssub.s32 $0x2, s11;
	s18 =	smul.u32 $0x2800, s11  }
0x8: {  	s28 =	smul.u32 $0x500, s11;
	s14 =	sadd.s32 s5, s4;
	s22 =	sshrl.u32 s6, $0x1  }
0x9: {  	s23 =	sshrl.u32 s7, $0x2;
	s10 =	sadd.s32 $0x80, s9;
	s12 =	sadd.s32 $0x100, s9  }
0xa: {  	s16 =	sadd.s32 $0x180, s9;
	s17 =	sadd.s32 $0x200, s9;
	s15 =	ssub.s32 s6, s22  }
0xb: {  	s4 =	sadd.s32 s23, s2;
	s24 =	sshll.u32 s10, $0x7;
	s25 =	sshll.u32 s12, $0x7  }
0xc: {  	s26 =	sshll.u32 s16, $0x7;
	s8 =	sshll.u32 s17, $0x7;
	s9 =	sadd.s32 s9, s18  }
0xd: {  	s10 =	sadd.s32 s18, s10;
	s12 =	sadd.s32 s18, s12;
	s16 =	sadd.s32 s18, s16  }
0xe: {  	s17 =	sadd.s32 s18, s17;
	s31 =	sadd.s32 s28, s14;
	s18 =	simm.s32 $0x80  }
0xf: {  	s5 =	sadd.s32 s24, s2;
	s6 =	sadd.s32 s25, s2;
	s7 =	sadd.s32 s26, s2  }
0x10: {  	s8 =	sadd.s32 s8, s2;
	s9 =	sshll.u32 s9, $0x4;
	s10 =	sshll.u32 s10, $0x4  }
0x11: {  	s12 =	sshll.u32 s12, $0x4;
	s29 =	sshll.u32 s16, $0x4;
	s30 =	sshll.u32 s17, $0x4  }
0x12: {  	s14 =	smax.u32 s15, $0x1;
	s15 =	sadd.s32 $0x2200, s31;
	s16 =	simm.s32 $0x4080  }
0x13: {  	s17 =	simm.s32 $0x1;
	s9 =	sadd.s32 s13, s9;
	s10 =	sadd.s32 s13, s10  }
0x14: {  	v0 =	vimm.f32 $1.000000000e+00;
	v1 =	vimm.f32 $0.0e+00;
	s11 =	sadd.s32 s13, s12;
	s12 =	sadd.s32 s13, s29;
	s13 =	sadd.s32 s13, s30  }
.LBB2_1:
0x15: {  	s20 =	simm.s32 $0x200;
	s21 =	simm.s32 $0x0  }
.LBB2_2:
0x16: {  	p0 =	sne.s32 s20, $0xFE00;
	[tilespmem:s21+$0x80] =	vst v0;
	s22 =	smov.u32 s20;
	s20 =	sadd.s32 $0x200, s20  }
.Ltmp0:
0x17: {  	[tilespmem:s21+$0x4080] =	vst v1;
	(pc) =	sbr.rel @p0 .LBB2_2-.Ltmp0, $2  }
0x18: {  	_ =	sdelay $0x2  }
0x19: {  	s21 =	sshra.s32 s22, $0x2  }
0x1a: {  	[tilespmem:s21+$0x80] =	vst v0  }
0x1b: {  	[tilespmem:s21+$0x4080] =	vst v1  }
0x1c: {  	[spmem:s4] =	stream.linear.scatter [tilespmem:s16], [sflag:$0x1], $0x4000, $0x38;
	[tilespmem:$0xA880] =	vst v63  }
0x1d: {  	_ =	swait.ge [sflag:s17], $0x4000  }
0x1e: {  	[sflag:s17] =	ssyncset.done $0x0  }
0x1f: {  	[sflag:s17] =	ssyncadd.s32 $0xFFFFC000  }
0x20: {  	[spmem:s5] =	stream.linear.scatter [tilespmem:s16], [sflag:$0x1], $0x4000, $0x38;
	[tilespmem:$0xA880] =	vst v63  }
0x21: {  	_ =	swait.ge [sflag:s17], $0x4000  }
0x22: {  	[sflag:s17] =	ssyncset.done $0x0  }
0x23: {  	[sflag:s17] =	ssyncadd.s32 $0xFFFFC000  }
0x24: {  	[spmem:s6] =	stream.linear.scatter [tilespmem:s16], [sflag:$0x1], $0x4000, $0x38;
	[tilespmem:$0xA880] =	vst v63  }
0x25: {  	_ =	swait.ge [sflag:s17], $0x4000  }
0x26: {  	[sflag:s17] =	ssyncset.done $0x0  }
0x27: {  	[sflag:s17] =	ssyncadd.s32 $0xFFFFC000  }
0x28: {  	[spmem:s7] =	stream.linear.scatter [tilespmem:s16], [sflag:$0x1], $0x4000, $0x38;
	[tilespmem:$0xA880] =	vst v63  }
0x29: {  	_ =	swait.ge [sflag:s17], $0x4000  }
0x2a: {  	[sflag:s17] =	ssyncset.done $0x0  }
0x2b: {  	[sflag:s17] =	ssyncadd.s32 $0xFFFFC000  }
0x2c: {  	[spmem:s8] =	stream.linear.scatter [tilespmem:s16], [sflag:$0x1], $0x4000, $0x38;
	[tilespmem:$0xA880] =	vst v63  }
0x2d: {  	_ =	swait.ge [sflag:s17], $0x4000  }
0x2e: {  	[sflag:s17] =	ssyncset.done $0x0  }
0x2f: {  	[sflag:s17] =	ssyncadd.s32 $0xFFFFC000  }
0x30: {  	s20 =	sadd.s32 $0x0, s15;
	[bflag:$0x0] =	sbarrier.arrive $0xFFFF  }
0x31: {  	[tilespmem:s3], [sflag:$0x1] =	stream.linear.gather [hbm4b:s20+s3], $0x80, $0x38;
	[tilespmem:$0xA880] =	vst v63  }
0x32: {  	_ =	swait.ge [sflag:s17], $0x80  }
0x33: {  	[sflag:s17] =	ssyncset.done $0x0  }
0x34: {  	[sflag:s17] =	ssyncadd.s32 $0xFFFFFF80  }
0x35: {  	[spmem:s2] =	stream.indirect.scatter.add.f32 [tilespmem:s18], [sflag:$0x1], $0x10, s3, s18, $0xb8;
	[tilespmem:$0xA880] =	vst v63  }
0x36: {  	_ =	swait.ge [sflag:s17], $0x800  }
0x37: {  	s21 =	simm.s32 $0x20;
	s20 =	simm.s32 $0x10;
	[sflag:s17] =	ssyncset.done $0x0  }
.LBB2_4:
0x38: {  	s22 =	sadd.s32 s20, s15  }
0x39: {  	[sflag:s17] =	ssyncadd.s32 $0xFFFFF800;
	s20 =	smov.u32 s21;
	s23 =	sadd.s32 $0x10, s21  }
0x3a: {  	[tilespmem:s3], [sflag:$0x1] =	stream.linear.gather [hbm4b:s22+s3], $0x80, $0x38;
	[tilespmem:$0xA880] =	vst v63  }
0x3b: {  	p0 =	sne.s32 s21, $0x4F0;
	_ =	swait.ge [sflag:s17], $0x80  }
.Ltmp1:
0x3c: {  	[sflag:s17] =	ssyncset.done $0x0;
	(pc) =	sbr.rel @p0 .LBB2_4-.Ltmp1, $4  }
0x3d: {  	[sflag:s17] =	ssyncadd.s32 $0xFFFFFF80  }
0x3e: {  	[spmem:s2] =	stream.indirect.scatter.add.f32 [tilespmem:s18], [sflag:$0x1], $0x10, s3, s18, $0xb8;
	[tilespmem:$0xA880] =	vst v63  }
0x3f: {  	_ =	swait.ge [sflag:s17], $0x800  }
0x40: {  	s21 =	smov.u32 s23;
	[sflag:s17] =	ssyncset.done $0x0  }
0x41: {  	s20 =	sadd.s32 s20, s15;
	[sflag:s17] =	ssyncadd.s32 $0xFFFFF800  }
0x42: {  	[tilespmem:s3], [sflag:$0x1] =	stream.linear.gather [hbm4b:s20+s3], $0x80, $0x38;
	[tilespmem:$0xA880] =	vst v63  }
0x43: {  	_ =	swait.ge [sflag:s17], $0x80  }
0x44: {  	[sflag:s17] =	ssyncset.done $0x0  }
0x45: {  	[sflag:s17] =	ssyncadd.s32 $0xFFFFFF80  }
0x46: {  	[spmem:s2] =	stream.indirect.scatter.add.f32 [tilespmem:s18], [sflag:$0x1], $0x10, s3, s18, $0xb8;
	[tilespmem:$0xA880] =	vst v63  }
0x47: {  	_ =	swait.ge [sflag:s17], $0x800  }
0x48: {  	[sflag:s17] =	ssyncset.done $0x0  }
0x49: {  	[sflag:s17] =	ssyncadd.s32 $0xFFFFF800  }
0x4a: {  	[bflag:$0x0] =	sbarrier.arrive $0xFFFF  }
0x4b: {  	[tilespmem:s16], [sflag:$0x1] =	stream.linear.gather [spmem:s4], $0x4000, $0x38;
	[tilespmem:$0xA880] =	vst v63  }
0x4c: {  	_ =	swait.ge [sflag:s17], $0x4000  }
0x4d: {  	[sflag:s17] =	ssyncset.done $0x0  }
0x4e: {  	[sflag:s17] =	ssyncadd.s32 $0xFFFFC000  }
0x4f: {  	[hbm4b:s9+s3] =	stream.linear.scatter [tilespmem:s16], [sflag:$0x1], $0x4000, $0x38;
	[tilespmem:$0xA880] =	vst v63  }
0x50: {  	_ =	swait.ge [sflag:s17], $0x4000  }
0x51: {  	[sflag:s17] =	ssyncset.done $0x0  }
0x52: {  	[sflag:s17] =	ssyncadd.s32 $0xFFFFC000  }
0x53: {  	[tilespmem:s16], [sflag:$0x1] =	stream.linear.gather [spmem:s5], $0x4000, $0x38;
	[tilespmem:$0xA880] =	vst v63  }
0x54: {  	_ =	swait.ge [sflag:s17], $0x4000  }
0x55: {  	[sflag:s17] =	ssyncset.done $0x0  }
0x56: {  	[sflag:s17] =	ssyncadd.s32 $0xFFFFC000  }
0x57: {  	[hbm4b:s10+s3] =	stream.linear.scatter [tilespmem:s16], [sflag:$0x1], $0x4000, $0x38;
	[tilespmem:$0xA880] =	vst v63  }
0x58: {  	_ =	swait.ge [sflag:s17], $0x4000  }
0x59: {  	[sflag:s17] =	ssyncset.done $0x0  }
0x5a: {  	[sflag:s17] =	ssyncadd.s32 $0xFFFFC000  }
0x5b: {  	[tilespmem:s16], [sflag:$0x1] =	stream.linear.gather [spmem:s6], $0x4000, $0x38;
	[tilespmem:$0xA880] =	vst v63  }
0x5c: {  	_ =	swait.ge [sflag:s17], $0x4000  }
0x5d: {  	[sflag:s17] =	ssyncset.done $0x0  }
0x5e: {  	[sflag:s17] =	ssyncadd.s32 $0xFFFFC000  }
0x5f: {  	[hbm4b:s11+s3] =	stream.linear.scatter [tilespmem:s16], [sflag:$0x1], $0x4000, $0x38;
	[tilespmem:$0xA880] =	vst v63  }
0x60: {  	_ =	swait.ge [sflag:s17], $0x4000  }
0x61: {  	[sflag:s17] =	ssyncset.done $0x0  }
0x62: {  	[sflag:s17] =	ssyncadd.s32 $0xFFFFC000  }
0x63: {  	[tilespmem:s16], [sflag:$0x1] =	stream.linear.gather [spmem:s7], $0x4000, $0x38;
	[tilespmem:$0xA880] =	vst v63  }
0x64: {  	_ =	swait.ge [sflag:s17], $0x4000  }
0x65: {  	[sflag:s17] =	ssyncset.done $0x0  }
0x66: {  	[sflag:s17] =	ssyncadd.s32 $0xFFFFC000  }
0x67: {  	[hbm4b:s12+s3] =	stream.linear.scatter [tilespmem:s16], [sflag:$0x1], $0x4000, $0x38;
	[tilespmem:$0xA880] =	vst v63  }
0x68: {  	_ =	swait.ge [sflag:s17], $0x4000  }
0x69: {  	[sflag:s17] =	ssyncset.done $0x0  }
0x6a: {  	[sflag:s17] =	ssyncadd.s32 $0xFFFFC000  }
0x6b: {  	[tilespmem:s16], [sflag:$0x1] =	stream.linear.gather [spmem:s8], $0x4000, $0x38;
	[tilespmem:$0xA880] =	vst v63  }
0x6c: {  	s19 =	sadd.s32 $0x1, s19;
	_ =	swait.ge [sflag:s17], $0x4000  }
0x6d: {  	p0 =	sne.s32 s19, s14;
	[sflag:s17] =	ssyncset.done $0x0  }
.Ltmp2:
0x6e: {  	[sflag:s17] =	ssyncadd.s32 $0xFFFFC000;
	(pc) =	sbr.rel @p0 .LBB2_1-.Ltmp2, $4  }
0x6f: {  	[hbm4b:s13+s3] =	stream.linear.scatter [tilespmem:s16], [sflag:$0x1], $0x4000, $0x38;
	[tilespmem:$0xA880] =	vst v63  }
0x70: {  	_ =	swait.ge [sflag:s17], $0x4000  }
0x71: {  	[sflag:s17] =	ssyncset.done $0x0  }
0x72: {  	[sflag:s17] =	ssyncadd.s32 $0xFFFFC000  }
0x73: {  	_ =	sfence.sel $0x180000  }
0x74: {  	[bflag:$0x0] =	sbarrier.arrive $0xFFFF  }
0x75: {  	p0 =	sne.s32 s1, $0x0;
	_ =	strace $0x90000047  }
0x76: {  	s0 =	sadd.s32 @!p0 $0x100000, s0;
	[bflag:$0x2] =	sbarrier.arrive $0xFFFF  }
0x77: {  	[sflag:s0] =	ssyncadd.tile.s32 @!p0 $0x1;
	_ =	shalt  }
.Lfunc_end2:
_tile_overlayer_lowered:
.L_overlay_start_2:
0x78: {  	(tag) =	ssettag $0x2  }
0x79: {  	s0 =	rddreg [dreg:$0x0];
	s2 =	stileid.u32  }
0x7a: {  	s1 =	rddreg [dreg:$0x1];
	p0 =	sne.s32 s2, $0x0  }
0x7b: {  	s3 =	rddreg [dreg:$0x2];
	[bflag:$0x3] =	sbarrier.arrive $0xFFFF;
	s2 =	simm.s32 @!p0 $0x1C01  }
0x7c: {  	[timem:s3], [sflag:s2] =	dma.local @!p0 [hbm:s0], s1  }
0x7d: {  	s0 =	simm.s32 @!p0 $0x1  }
0x7e: {  	_ =	swait.ge @!p0 [sflag:s0], s1  }
0x7f: {  	s1 =	ssub.s32 @!p0 $0x0, s1;
	[sflag:s0] =	ssyncset.done @!p0 $0x0  }
0x80: {  	[sflag:s0] =	ssyncadd.s32 @!p0 s1  }
0x81: {  	[bflag:$0x3] =	sbarrier.arrive $0xFFFF  }
0x82: {  	_ =	shalt  }

</sc_bundles>
